<compile_context>
chip_gen: v7x
topology: tpu7x:2x2x1
jax: 0.10.2.dev20260603
libtpu: 0.0.44.dev20260713+nightly
codegen_flags: <defaults>
</compile_context>

<pallas_src>
import functools
import jax
import jax.numpy as jnp
from jax import lax
from jax.experimental import pallas as pl
from jax.experimental.pallas import tpu as pltpu
from jax.experimental.pallas import tpu_sc as plsc

_K = 64
_NC = 2
_NS = 16
_L = 16



def _tc_body(ck_ref, out_ref):
    int_min = jnp.int32(-2147483648)
    x = ck_ref[...]
    n = x.shape[-1]
    i = lax.bitcast_convert_type(x, jnp.int32)
    key = jnp.where(i < 0, i ^ jnp.int32(0x7FFFFFFF), i)

    cnt_pos = jnp.sum((key >= 0).astype(jnp.int32), axis=1, keepdims=True)
    t = jnp.where(cnt_pos >= _K, jnp.int32(0), int_min)

    def step(b, t):
        t_try = t | (jnp.int32(1) << (30 - b))
        cnt = jnp.sum((key >= t_try).astype(jnp.int32), axis=1, keepdims=True)
        return jnp.where(cnt >= _K, t_try, t)

    t = lax.fori_loop(0, 31, step, t, unroll=True)

    gt = key > t
    cnt_gt = jnp.sum(gt.astype(jnp.int32), axis=1, keepdims=True)
    r = _K - cnt_gt

    idx = lax.broadcasted_iota(jnp.int32, x.shape, 1)
    key2 = jnp.where(key == t, jnp.int32(n - 1) - idx, jnp.int32(-1))

    def step2(b, t2):
        t_try = t2 | (jnp.int32(1) << (12 - b))
        cnt = jnp.sum((key2 >= t_try).astype(jnp.int32), axis=1, keepdims=True)
        return jnp.where(cnt >= r, t_try, t2)

    t2 = lax.fori_loop(0, 13, step2, jnp.zeros_like(t), unroll=True)

    out_ref[...] = (gt | (key2 >= t2)).astype(jnp.float32)


def _tc_kernel(ck, nrows_out=None):
    n = ck.shape[1]
    if nrows_out is None:
        nrows_out = ck.shape[0]
    return pl.pallas_call(
        _tc_body,
        grid=(1,),
        in_specs=[pl.BlockSpec((nrows_out, n), lambda i: (0, 0))],
        out_specs=pl.BlockSpec((nrows_out, n), lambda i: (0, 0)),
        out_shape=jax.ShapeDtypeStruct((ck.shape[0], n), jnp.float32),
    )(ck)



def _descent(count_fn, kk, nbits, t0, shift_base=None):
    if shift_base is None:
        shift_base = nbits - 1
    def dstep(b, t):
        t_try = t | (jnp.int32(1) << (shift_base - b))
        return jnp.where(count_fn(t_try) >= kk, t_try, t)
    return lax.fori_loop(0, nbits, dstep, t0)


def _sc_body(n, rpw, base, ck_hbm, out_hbm, x_v, key_v, candk_v, candi_v, m_v,
             out_v):
    nsl = n // _L
    nmsl = nsl // _L
    int_min = jnp.int32(-2147483648)
    zero16 = jnp.zeros((_L,), jnp.int32)
    lane = lax.iota(jnp.int32, _L)

    wid = lax.axis_index("s") * _NC + lax.axis_index("c")

    def do_row(rr, _):
        row = wid * rpw + rr
        pltpu.sync_copy(ck_hbm.at[base + row], x_v)

        def k_group(g, _):
            def k_step(q, acc):
                j = g * _L + q
                v = x_v[pl.ds(j * _L, _L)]
                i = lax.bitcast_convert_type(v, jnp.int32)
                k = jnp.where(i < 0, i ^ jnp.int32(0x7FFFFFFF), i)
                key_v[pl.ds(j * _L, _L)] = k
                return jnp.maximum(acc, k)
            acc = lax.fori_loop(0, _L, k_step,
                                jnp.full((_L,), int_min, jnp.int32),
                                unroll=True)
            m_v[pl.ds(g * _L, _L)] = acc
            return 0
        lax.fori_loop(0, nmsl, k_group, 0)

        def m_count(t):
            def cstep(j, acc):
                v = m_v[pl.ds(j * _L, _L)]
                return acc + jnp.where(v >= t, jnp.int32(1), jnp.int32(0))
            return jnp.sum(lax.fori_loop(0, nmsl, cstep, zero16, unroll=8))

        t0 = jnp.where(m_count(jnp.int32(0)) >= _K, jnp.int32(0), int_min)
        pivot = _descent(m_count, _K, 15, t0, shift_base=30)

        def c_step(j, off):
            v = key_v[pl.ds(j * _L, _L)]
            msk = v >= pivot
            out_v[pl.ds(j * _L, _L)] = jnp.where(msk, jnp.float32(1.0),
                                                 jnp.float32(0.0))
            plsc.store_compressed(candk_v.at[pl.ds(off, _L)], v, mask=msk)
            plsc.store_compressed(candi_v.at[pl.ds(off, _L)], lane + j * _L,
                                  mask=msk)
            return off + jnp.sum(jnp.where(msk, jnp.int32(1), jnp.int32(0)))
        ncand = lax.fori_loop(0, nsl, c_step, jnp.int32(0), unroll=8)
        ncsl = (ncand + _L - 1) // _L

        def cand_count(t):
            def cstep(j, acc):
                v = candk_v[pl.ds(j * _L, _L)]
                valid = (j * _L + lane) < ncand
                return acc + jnp.where(valid & (v >= t), jnp.int32(1),
                                       jnp.int32(0))
            return jnp.sum(lax.fori_loop(0, ncsl, cstep, zero16))

        t0c = jnp.where(cand_count(jnp.int32(0)) >= _K, jnp.int32(0), int_min)
        t_star = _descent(cand_count, _K, 31, t0c)

        def gt_count(j, acc):
            v = candk_v[pl.ds(j * _L, _L)]
            valid = (j * _L + lane) < ncand
            return acc + jnp.where(valid & (v > t_star), jnp.int32(1),
                                   jnp.int32(0))
        r = _K - jnp.sum(lax.fori_loop(0, ncsl, gt_count, zero16))

        def tie_count(t2):
            def cstep(j, acc):
                v = candk_v[pl.ds(j * _L, _L)]
                ii = candi_v[pl.ds(j * _L, _L)]
                valid = (j * _L + lane) < ncand
                k2 = jnp.where(valid & (v == t_star), jnp.int32(n - 1) - ii,
                               jnp.int32(-1))
                return acc + jnp.where(k2 >= t2, jnp.int32(1), jnp.int32(0))
            return jnp.sum(lax.fori_loop(0, ncsl, cstep, zero16))

        t2 = _descent(tie_count, r, 13, jnp.int32(0))

        def f_step(j, _):
            v = candk_v[pl.ds(j * _L, _L)]
            ii = candi_v[pl.ds(j * _L, _L)]
            valid = (j * _L + lane) < ncand
            k2 = jnp.where(v == t_star, jnp.int32(n - 1) - ii, jnp.int32(-1))
            sel = (v > t_star) | (k2 >= t2)
            val = jnp.where(sel, jnp.float32(1.0), jnp.float32(0.0))
            plsc.store_scatter(out_v, [ii], val, mask=valid)
            return 0
        lax.fori_loop(0, ncsl, f_step, 0)
        pltpu.sync_copy(out_v, out_hbm.at[row])
        return 0

    lax.fori_loop(0, rpw, do_row, 0)


@functools.lru_cache(maxsize=None)
def _make_sc_topk_mask(nrows, n, base=0):
    assert nrows % (_NC * _NS) == 0
    rpw = nrows // (_NC * _NS)
    mesh = plsc.VectorSubcoreMesh(core_axis_name="c", subcore_axis_name="s",
                                  num_cores=_NC, num_subcores=_NS)
    return pl.kernel(
        functools.partial(_sc_body, n, rpw, base),
        out_type=jax.ShapeDtypeStruct((nrows, n), jnp.float32),
        mesh=mesh,
        scratch_types=[
            pltpu.VMEM((n,), jnp.float32),
            pltpu.VMEM((n,), jnp.int32),
            pltpu.VMEM((n,), jnp.int32),
            pltpu.VMEM((n,), jnp.int32),
            pltpu.VMEM((n // _L,), jnp.int32),
            pltpu.VMEM((n,), jnp.float32),
        ],
        compiler_params=pltpu.CompilerParams(needs_layout_passes=False),
    )


_SC_ROWS = 32


def kernel(ck):
    nrows = ck.shape[0]
    sc_rows = _SC_ROWS if nrows > _SC_ROWS else nrows
    if sc_rows == nrows:
        return _make_sc_topk_mask(nrows, ck.shape[1])(ck)
    tc_rows = nrows - sc_rows
    sc_out = _make_sc_topk_mask(sc_rows, ck.shape[1], base=tc_rows)(ck)
    tc_out = _tc_kernel(ck, nrows_out=tc_rows)
    return lax.dynamic_update_slice(tc_out, sc_out, (tc_rows, 0))

# --- scband reference (transcript-rebuilt; emitter-appended) ---
"""Pipeline reference for scband-top-kgate-33320356282461 (READ-ONLY COPY).

The authoritative reference and input builder live on the scoring server;
editing this copy changes nothing except your own understanding.
"""

import jax, jax.numpy as jnp
import numpy as np

K = 64

def setup_inputs(seed: int = 0) -> dict:
    key = jax.random.key(seed)
    ck = jax.random.normal(key, (128, 8192), dtype=jnp.float32)
    return {"ck": ck}

def reference(ck):
    probs = jax.nn.softmax(ck, axis=-1)
    _, topk_idx = jax.lax.top_k(probs, K)  # [B, K], unsorted order irrelevant for the mask
    B = probs.shape[0]
    rows = jnp.arange(B)[:, None]  # [B, 1] broadcast against [B, K]
    mask = jnp.zeros_like(probs).at[rows, topk_idx].set(1.0)
    return mask

if __name__ == "__main__":
    import jax
    _d = setup_inputs()
    print(jax.jit(kernel)(*tuple(_d.values())))

</pallas_src>

<mosaic_0001>
#map = affine_map<(d0, d1) -> (0, 0)>
module attributes {stable_mosaic.version = 14 : i64} {
  func.func @_sc_body(%arg0: i32, %arg1: i32, %arg2: memref<128x8192xf32, #tpu.memory_space<hbm>>, %arg3: memref<32x8192xf32, #tpu.memory_space<hbm>>, %arg4: memref<8192xf32, #tpu.memory_space<vmem>>, %arg5: memref<8192xi32, #tpu.memory_space<vmem>>, %arg6: memref<8192xi32, #tpu.memory_space<vmem>>, %arg7: memref<8192xi32, #tpu.memory_space<vmem>>, %arg8: memref<512xi32, #tpu.memory_space<vmem>>, %arg9: memref<8192xf32, #tpu.memory_space<vmem>>) attributes {dimension_semantics = [#tpu.dimension_semantics<core_parallel>, #tpu.dimension_semantics<subcore_parallel>], iteration_bounds = array<i64: 2, 16>, scalar_prefetch = 0 : i64, scratch_operands = 6 : i64, tpu.core_type = #tpu.core_type<sc_vector_subcore>, window_params = [{transform_indices = #map}, {transform_indices = #map}]} {
    %broadcast_in_dim3A = arith.constant 0 : i32
    %broadcast_in_dim3A_0 = vector.broadcast %broadcast_in_dim3A : i32 to vector<16xi32>
    %iota3A = tpu.iota {dimensions = array<i32: 0>} : vector<16xi32>
    %mul3A = arith.constant 2 : i32
    %mul3A_1 = arith.muli %arg1, %mul3A : i32
    %add3A = arith.addi %mul3A_1, %arg0 : i32
    %scan3A = arith.constant -2147483648 : i32
    %scan3A_2 = arith.constant 0 : i32
    %scan3A_3 = arith.constant 0 : i32
    %mul3A_4 = arith.constant 1 : i32
    %mul3A_5 = arith.muli %add3A, %mul3A_4 : i32
    %add3A_6 = arith.addi %mul3A_5, %scan3A_3 : i32
    %add3A_7 = arith.constant 96 : i32
    %add3A_8 = arith.addi %add3A_7, %add3A_6 : i32
    "tpu.region"() ({
      %run_scoped3A = tpu.sem_alloc : memref<!tpu.dma_semaphore, #tpu.memory_space<semaphore_mem>>
      %dma_start3A = arith.constant 0 : i32
      %dma_start3A_125 = tpu.memref_slice %arg2[%add3A_8, %dma_start3A] : memref<128x8192xf32, #tpu.memory_space<hbm>> -> memref<1x8192xf32, #tpu.memory_space<hbm>>
      %dma_start3A_126 = tpu.memref_squeeze %dma_start3A_125 : memref<1x8192xf32, #tpu.memory_space<hbm>> -> memref<8192xf32, #tpu.memory_space<hbm>>
      %dma_start3A_127 = arith.constant 0 : i32
      %dma_start3A_128 = tpu.memref_slice %arg2[%add3A_8, %dma_start3A_127] : memref<128x8192xf32, #tpu.memory_space<hbm>> -> memref<1x8192xf32, #tpu.memory_space<hbm>>
      %dma_start3A_129 = tpu.memref_squeeze %dma_start3A_128 : memref<1x8192xf32, #tpu.memory_space<hbm>> -> memref<8192xf32, #tpu.memory_space<hbm>>
      tpu.enqueue_dma source(%dma_start3A_129 : memref<8192xf32, #tpu.memory_space<hbm>>) target(%arg4 : memref<8192xf32, #tpu.memory_space<vmem>>) target_semaphore(%run_scoped3A : memref<!tpu.dma_semaphore, #tpu.memory_space<semaphore_mem>>)
      %dma_wait3A = arith.constant 0 : i32
      %dma_wait3A_130 = tpu.memref_slice %arg2[%add3A_8, %dma_wait3A] : memref<128x8192xf32, #tpu.memory_space<hbm>> -> memref<1x8192xf32, #tpu.memory_space<hbm>>
      %dma_wait3A_131 = tpu.memref_squeeze %dma_wait3A_130 : memref<1x8192xf32, #tpu.memory_space<hbm>> -> memref<8192xf32, #tpu.memory_space<hbm>>
      %dma_wait3A_132 = arith.constant 0 : i32
      %dma_wait3A_133 = tpu.memref_slice %arg2[%add3A_8, %dma_wait3A_132] : memref<128x8192xf32, #tpu.memory_space<hbm>> -> memref<1x8192xf32, #tpu.memory_space<hbm>>
      %dma_wait3A_134 = tpu.memref_squeeze %dma_wait3A_133 : memref<1x8192xf32, #tpu.memory_space<hbm>> -> memref<8192xf32, #tpu.memory_space<hbm>>
      tpu.wait_dma2 semaphore(%run_scoped3A : memref<!tpu.dma_semaphore, #tpu.memory_space<semaphore_mem>>) src(%dma_wait3A_134 : memref<8192xf32, #tpu.memory_space<hbm>>) dst(%arg4 : memref<8192xf32, #tpu.memory_space<vmem>>)
      tpu.yield
    }) : () -> ()
    %scan3A_9 = arith.constant 0 : i32
    %scan3A_10 = arith.constant 0 : i32
    %scan3A_11 = arith.constant 32 : i32
    %scan3A_12 = arith.addi %scan3A_10, %scan3A_11 : i32
    %scan3A_13 = arith.constant 1 : i32
    %scan3A_14 = scf.for %scan3A_125 = %scan3A_10 to %scan3A_12 step %scan3A_13 iter_args(%scan3A_126 = %scan3A_9) -> (i32)  : i32 {
      %broadcast_in_dim3A_127 = vector.broadcast %scan3A : i32 to vector<16xi32>
      %scan3A_128 = arith.constant 0 : i32
      %mul3A_129 = arith.constant 16 : i32
      %mul3A_130 = arith.muli %scan3A_125, %mul3A_129 : i32
      %add3A_131 = arith.addi %mul3A_130, %scan3A_128 : i32
      %mul3A_132 = arith.constant 16 : i32
      %mul3A_133 = arith.muli %add3A_131, %mul3A_132 : i32
      %get3A = arith.index_cast %mul3A_133 : i32 to index
      %get3A_134 = tpu.vector_load %arg4[%get3A] {strides = array<i32>} : memref<8192xf32, #tpu.memory_space<vmem>>, vector<16xf32>,
      %bitcast_convert_type3A = tpu.bitcast %get3A_134 : vector<16xf32> -> vector<16xi32>
      %lt3A = arith.constant 0 : i32
      %lt3A_135 = vector.broadcast %lt3A : i32 to vector<16xi32>
      %lt3A_136 = arith.cmpi slt, %bitcast_convert_type3A, %lt3A_135 : vector<16xi32>
      %xor3A = arith.constant 2147483647 : i32
      %xor3A_137 = vector.broadcast %xor3A : i32 to vector<16xi32>
      %xor3A_138 = arith.xori %bitcast_convert_type3A, %xor3A_137 : vector<16xi32>
      %select_n3A_139 = arith.select %lt3A_136, %xor3A_138, %bitcast_convert_type3A : vector<16xi1>, vector<16xi32>
      %mul3A_140 = arith.constant 16 : i32
      %mul3A_141 = arith.muli %add3A_131, %mul3A_140 : i32
      %swap3A = arith.index_cast %mul3A_141 : i32 to index
      %swap3A_142 = tpu.vector_load %arg5[%swap3A] {strides = array<i32>} : memref<8192xi32, #tpu.memory_space<vmem>>, vector<16xi32>,
      tpu.vector_store %arg5[%swap3A], %select_n3A_139 {strides = array<i32>} : memref<8192xi32, #tpu.memory_space<vmem>>, vector<16xi32>,
      %max3A = arith.maxsi %broadcast_in_dim3A_127, %select_n3A_139 : vector<16xi32>
      %scan3A_143 = arith.constant 1 : i32
      %mul3A_144 = arith.constant 16 : i32
      %mul3A_145 = arith.muli %scan3A_125, %mul3A_144 : i32
      %add3A_146 = arith.addi %mul3A_145, %scan3A_143 : i32
      %mul3A_147 = arith.constant 16 : i32
      %mul3A_148 = arith.muli %add3A_146, %mul3A_147 : i32
      %get3A_149 = arith.index_cast %mul3A_148 : i32 to index
      %get3A_150 = tpu.vector_load %arg4[%get3A_149] {strides = array<i32>} : memref<8192xf32, #tpu.memory_space<vmem>>, vector<16xf32>,
      %bitcast_convert_type3A_151 = tpu.bitcast %get3A_150 : vector<16xf32> -> vector<16xi32>
      %lt3A_152 = arith.constant 0 : i32
      %lt3A_153 = vector.broadcast %lt3A_152 : i32 to vector<16xi32>
      %lt3A_154 = arith.cmpi slt, %bitcast_convert_type3A_151, %lt3A_153 : vector<16xi32>
      %xor3A_155 = arith.constant 2147483647 : i32
      %xor3A_156 = vector.broadcast %xor3A_155 : i32 to vector<16xi32>
      %xor3A_157 = arith.xori %bitcast_convert_type3A_151, %xor3A_156 : vector<16xi32>
      %select_n3A_158 = arith.select %lt3A_154, %xor3A_157, %bitcast_convert_type3A_151 : vector<16xi1>, vector<16xi32>
      %mul3A_159 = arith.constant 16 : i32
      %mul3A_160 = arith.muli %add3A_146, %mul3A_159 : i32
      %swap3A_161 = arith.index_cast %mul3A_160 : i32 to index
      %swap3A_162 = tpu.vector_load %arg5[%swap3A_161] {strides = array<i32>} : memref<8192xi32, #tpu.memory_space<vmem>>, vector<16xi32>,
      tpu.vector_store %arg5[%swap3A_161], %select_n3A_158 {strides = array<i32>} : memref<8192xi32, #tpu.memory_space<vmem>>, vector<16xi32>,
      %max3A_163 = arith.maxsi %max3A, %select_n3A_158 : vector<16xi32>
      %scan3A_164 = arith.constant 2 : i32
      %mul3A_165 = arith.constant 16 : i32
      %mul3A_166 = arith.muli %scan3A_125, %mul3A_165 : i32
      %add3A_167 = arith.addi %mul3A_166, %scan3A_164 : i32
      %mul3A_168 = arith.constant 16 : i32
      %mul3A_169 = arith.muli %add3A_167, %mul3A_168 : i32
      %get3A_170 = arith.index_cast %mul3A_169 : i32 to index
      %get3A_171 = tpu.vector_load %arg4[%get3A_170] {strides = array<i32>} : memref<8192xf32, #tpu.memory_space<vmem>>, vector<16xf32>,
      %bitcast_convert_type3A_172 = tpu.bitcast %get3A_171 : vector<16xf32> -> vector<16xi32>
      %lt3A_173 = arith.constant 0 : i32
      %lt3A_174 = vector.broadcast %lt3A_173 : i32 to vector<16xi32>
      %lt3A_175 = arith.cmpi slt, %bitcast_convert_type3A_172, %lt3A_174 : vector<16xi32>
      %xor3A_176 = arith.constant 2147483647 : i32
      %xor3A_177 = vector.broadcast %xor3A_176 : i32 to vector<16xi32>
      %xor3A_178 = arith.xori %bitcast_convert_type3A_172, %xor3A_177 : vector<16xi32>
      %select_n3A_179 = arith.select %lt3A_175, %xor3A_178, %bitcast_convert_type3A_172 : vector<16xi1>, vector<16xi32>
      %mul3A_180 = arith.constant 16 : i32
      %mul3A_181 = arith.muli %add3A_167, %mul3A_180 : i32
      %swap3A_182 = arith.index_cast %mul3A_181 : i32 to index
      %swap3A_183 = tpu.vector_load %arg5[%swap3A_182] {strides = array<i32>} : memref<8192xi32, #tpu.memory_space<vmem>>, vector<16xi32>,
      tpu.vector_store %arg5[%swap3A_182], %select_n3A_179 {strides = array<i32>} : memref<8192xi32, #tpu.memory_space<vmem>>, vector<16xi32>,
      %max3A_184 = arith.maxsi %max3A_163, %select_n3A_179 : vector<16xi32>
      %scan3A_185 = arith.constant 3 : i32
      %mul3A_186 = arith.constant 16 : i32
      %mul3A_187 = arith.muli %scan3A_125, %mul3A_186 : i32
      %add3A_188 = arith.addi %mul3A_187, %scan3A_185 : i32
      %mul3A_189 = arith.constant 16 : i32
      %mul3A_190 = arith.muli %add3A_188, %mul3A_189 : i32
      %get3A_191 = arith.index_cast %mul3A_190 : i32 to index
      %get3A_192 = tpu.vector_load %arg4[%get3A_191] {strides = array<i32>} : memref<8192xf32, #tpu.memory_space<vmem>>, vector<16xf32>,
      %bitcast_convert_type3A_193 = tpu.bitcast %get3A_192 : vector<16xf32> -> vector<16xi32>
      %lt3A_194 = arith.constant 0 : i32
      %lt3A_195 = vector.broadcast %lt3A_194 : i32 to vector<16xi32>
      %lt3A_196 = arith.cmpi slt, %bitcast_convert_type3A_193, %lt3A_195 : vector<16xi32>
      %xor3A_197 = arith.constant 2147483647 : i32
      %xor3A_198 = vector.broadcast %xor3A_197 : i32 to vector<16xi32>
      %xor3A_199 = arith.xori %bitcast_convert_type3A_193, %xor3A_198 : vector<16xi32>
      %select_n3A_200 = arith.select %lt3A_196, %xor3A_199, %bitcast_convert_type3A_193 : vector<16xi1>, vector<16xi32>
      %mul3A_201 = arith.constant 16 : i32
      %mul3A_202 = arith.muli %add3A_188, %mul3A_201 : i32
      %swap3A_203 = arith.index_cast %mul3A_202 : i32 to index
      %swap3A_204 = tpu.vector_load %arg5[%swap3A_203] {strides = array<i32>} : memref<8192xi32, #tpu.memory_space<vmem>>, vector<16xi32>,
      tpu.vector_store %arg5[%swap3A_203], %select_n3A_200 {strides = array<i32>} : memref<8192xi32, #tpu.memory_space<vmem>>, vector<16xi32>,
      %max3A_205 = arith.maxsi %max3A_184, %select_n3A_200 : vector<16xi32>
      %scan3A_206 = arith.constant 4 : i32
      %mul3A_207 = arith.constant 16 : i32
      %mul3A_208 = arith.muli %scan3A_125, %mul3A_207 : i32
      %add3A_209 = arith.addi %mul3A_208, %scan3A_206 : i32
      %mul3A_210 = arith.constant 16 : i32
      %mul3A_211 = arith.muli %add3A_209, %mul3A_210 : i32
      %get3A_212 = arith.index_cast %mul3A_211 : i32 to index
      %get3A_213 = tpu.vector_load %arg4[%get3A_212] {strides = array<i32>} : memref<8192xf32, #tpu.memory_space<vmem>>, vector<16xf32>,
      %bitcast_convert_type3A_214 = tpu.bitcast %get3A_213 : vector<16xf32> -> vector<16xi32>
      %lt3A_215 = arith.constant 0 : i32
      %lt3A_216 = vector.broadcast %lt3A_215 : i32 to vector<16xi32>
      %lt3A_217 = arith.cmpi slt, %bitcast_convert_type3A_214, %lt3A_216 : vector<16xi32>
      %xor3A_218 = arith.constant 2147483647 : i32
      %xor3A_219 = vector.broadcast %xor3A_218 : i32 to vector<16xi32>
      %xor3A_220 = arith.xori %bitcast_convert_type3A_214, %xor3A_219 : vector<16xi32>
      %select_n3A_221 = arith.select %lt3A_217, %xor3A_220, %bitcast_convert_type3A_214 : vector<16xi1>, vector<16xi32>
      %mul3A_222 = arith.constant 16 : i32
      %mul3A_223 = arith.muli %add3A_209, %mul3A_222 : i32
      %swap3A_224 = arith.index_cast %mul3A_223 : i32 to index
      %swap3A_225 = tpu.vector_load %arg5[%swap3A_224] {strides = array<i32>} : memref<8192xi32, #tpu.memory_space<vmem>>, vector<16xi32>,
      tpu.vector_store %arg5[%swap3A_224], %select_n3A_221 {strides = array<i32>} : memref<8192xi32, #tpu.memory_space<vmem>>, vector<16xi32>,
      %max3A_226 = arith.maxsi %max3A_205, %select_n3A_221 : vector<16xi32>
      %scan3A_227 = arith.constant 5 : i32
      %mul3A_228 = arith.constant 16 : i32
      %mul3A_229 = arith.muli %scan3A_125, %mul3A_228 : i32
      %add3A_230 = arith.addi %mul3A_229, %scan3A_227 : i32
      %mul3A_231 = arith.constant 16 : i32
      %mul3A_232 = arith.muli %add3A_230, %mul3A_231 : i32
      %get3A_233 = arith.index_cast %mul3A_232 : i32 to index
      %get3A_234 = tpu.vector_load %arg4[%get3A_233] {strides = array<i32>} : memref<8192xf32, #tpu.memory_space<vmem>>, vector<16xf32>,
      %bitcast_convert_type3A_235 = tpu.bitcast %get3A_234 : vector<16xf32> -> vector<16xi32>
      %lt3A_236 = arith.constant 0 : i32
      %lt3A_237 = vector.broadcast %lt3A_236 : i32 to vector<16xi32>
      %lt3A_238 = arith.cmpi slt, %bitcast_convert_type3A_235, %lt3A_237 : vector<16xi32>
      %xor3A_239 = arith.constant 2147483647 : i32
      %xor3A_240 = vector.broadcast %xor3A_239 : i32 to vector<16xi32>
      %xor3A_241 = arith.xori %bitcast_convert_type3A_235, %xor3A_240 : vector<16xi32>
      %select_n3A_242 = arith.select %lt3A_238, %xor3A_241, %bitcast_convert_type3A_235 : vector<16xi1>, vector<16xi32>
      %mul3A_243 = arith.constant 16 : i32
      %mul3A_244 = arith.muli %add3A_230, %mul3A_243 : i32
      %swap3A_245 = arith.index_cast %mul3A_244 : i32 to index
      %swap3A_246 = tpu.vector_load %arg5[%swap3A_245] {strides = array<i32>} : memref<8192xi32, #tpu.memory_space<vmem>>, vector<16xi32>,
      tpu.vector_store %arg5[%swap3A_245], %select_n3A_242 {strides = array<i32>} : memref<8192xi32, #tpu.memory_space<vmem>>, vector<16xi32>,
      %max3A_247 = arith.maxsi %max3A_226, %select_n3A_242 : vector<16xi32>
      %scan3A_248 = arith.constant 6 : i32
      %mul3A_249 = arith.constant 16 : i32
      %mul3A_250 = arith.muli %scan3A_125, %mul3A_249 : i32
      %add3A_251 = arith.addi %mul3A_250, %scan3A_248 : i32
      %mul3A_252 = arith.constant 16 : i32
      %mul3A_253 = arith.muli %add3A_251, %mul3A_252 : i32
      %get3A_254 = arith.index_cast %mul3A_253 : i32 to index
      %get3A_255 = tpu.vector_load %arg4[%get3A_254] {strides = array<i32>} : memref<8192xf32, #tpu.memory_space<vmem>>, vector<16xf32>,
      %bitcast_convert_type3A_256 = tpu.bitcast %get3A_255 : vector<16xf32> -> vector<16xi32>
      %lt3A_257 = arith.constant 0 : i32
      %lt3A_258 = vector.broadcast %lt3A_257 : i32 to vector<16xi32>
      %lt3A_259 = arith.cmpi slt, %bitcast_convert_type3A_256, %lt3A_258 : vector<16xi32>
      %xor3A_260 = arith.constant 2147483647 : i32
      %xor3A_261 = vector.broadcast %xor3A_260 : i32 to vector<16xi32>
      %xor3A_262 = arith.xori %bitcast_convert_type3A_256, %xor3A_261 : vector<16xi32>
      %select_n3A_263 = arith.select %lt3A_259, %xor3A_262, %bitcast_convert_type3A_256 : vector<16xi1>, vector<16xi32>
      %mul3A_264 = arith.constant 16 : i32
      %mul3A_265 = arith.muli %add3A_251, %mul3A_264 : i32
      %swap3A_266 = arith.index_cast %mul3A_265 : i32 to index
      %swap3A_267 = tpu.vector_load %arg5[%swap3A_266] {strides = array<i32>} : memref<8192xi32, #tpu.memory_space<vmem>>, vector<16xi32>,
      tpu.vector_store %arg5[%swap3A_266], %select_n3A_263 {strides = array<i32>} : memref<8192xi32, #tpu.memory_space<vmem>>, vector<16xi32>,
      %max3A_268 = arith.maxsi %max3A_247, %select_n3A_263 : vector<16xi32>
      %scan3A_269 = arith.constant 7 : i32
      %mul3A_270 = arith.constant 16 : i32
      %mul3A_271 = arith.muli %scan3A_125, %mul3A_270 : i32
      %add3A_272 = arith.addi %mul3A_271, %scan3A_269 : i32
      %mul3A_273 = arith.constant 16 : i32
      %mul3A_274 = arith.muli %add3A_272, %mul3A_273 : i32
      %get3A_275 = arith.index_cast %mul3A_274 : i32 to index
      %get3A_276 = tpu.vector_load %arg4[%get3A_275] {strides = array<i32>} : memref<8192xf32, #tpu.memory_space<vmem>>, vector<16xf32>,
      %bitcast_convert_type3A_277 = tpu.bitcast %get3A_276 : vector<16xf32> -> vector<16xi32>
      %lt3A_278 = arith.constant 0 : i32
      %lt3A_279 = vector.broadcast %lt3A_278 : i32 to vector<16xi32>
      %lt3A_280 = arith.cmpi slt, %bitcast_convert_type3A_277, %lt3A_279 : vector<16xi32>
      %xor3A_281 = arith.constant 2147483647 : i32
      %xor3A_282 = vector.broadcast %xor3A_281 : i32 to vector<16xi32>
      %xor3A_283 = arith.xori %bitcast_convert_type3A_277, %xor3A_282 : vector<16xi32>
      %select_n3A_284 = arith.select %lt3A_280, %xor3A_283, %bitcast_convert_type3A_277 : vector<16xi1>, vector<16xi32>
      %mul3A_285 = arith.constant 16 : i32
      %mul3A_286 = arith.muli %add3A_272, %mul3A_285 : i32
      %swap3A_287 = arith.index_cast %mul3A_286 : i32 to index
      %swap3A_288 = tpu.vector_load %arg5[%swap3A_287] {strides = array<i32>} : memref<8192xi32, #tpu.memory_space<vmem>>, vector<16xi32>,
      tpu.vector_store %arg5[%swap3A_287], %select_n3A_284 {strides = array<i32>} : memref<8192xi32, #tpu.memory_space<vmem>>, vector<16xi32>,
      %max3A_289 = arith.maxsi %max3A_268, %select_n3A_284 : vector<16xi32>
      %scan3A_290 = arith.constant 8 : i32
      %mul3A_291 = arith.constant 16 : i32
      %mul3A_292 = arith.muli %scan3A_125, %mul3A_291 : i32
      %add3A_293 = arith.addi %mul3A_292, %scan3A_290 : i32
      %mul3A_294 = arith.constant 16 : i32
      %mul3A_295 = arith.muli %add3A_293, %mul3A_294 : i32
      %get3A_296 = arith.index_cast %mul3A_295 : i32 to index
      %get3A_297 = tpu.vector_load %arg4[%get3A_296] {strides = array<i32>} : memref<8192xf32, #tpu.memory_space<vmem>>, vector<16xf32>,
      %bitcast_convert_type3A_298 = tpu.bitcast %get3A_297 : vector<16xf32> -> vector<16xi32>
      %lt3A_299 = arith.constant 0 : i32
      %lt3A_300 = vector.broadcast %lt3A_299 : i32 to vector<16xi32>
      %lt3A_301 = arith.cmpi slt, %bitcast_convert_type3A_298, %lt3A_300 : vector<16xi32>
      %xor3A_302 = arith.constant 2147483647 : i32
      %xor3A_303 = vector.broadcast %xor3A_302 : i32 to vector<16xi32>
      %xor3A_304 = arith.xori %bitcast_convert_type3A_298, %xor3A_303 : vector<16xi32>
      %select_n3A_305 = arith.select %lt3A_301, %xor3A_304, %bitcast_convert_type3A_298 : vector<16xi1>, vector<16xi32>
      %mul3A_306 = arith.constant 16 : i32
      %mul3A_307 = arith.muli %add3A_293, %mul3A_306 : i32
      %swap3A_308 = arith.index_cast %mul3A_307 : i32 to index
      %swap3A_309 = tpu.vector_load %arg5[%swap3A_308] {strides = array<i32>} : memref<8192xi32, #tpu.memory_space<vmem>>, vector<16xi32>,
      tpu.vector_store %arg5[%swap3A_308], %select_n3A_305 {strides = array<i32>} : memref<8192xi32, #tpu.memory_space<vmem>>, vector<16xi32>,
      %max3A_310 = arith.maxsi %max3A_289, %select_n3A_305 : vector<16xi32>
      %scan3A_311 = arith.constant 9 : i32
      %mul3A_312 = arith.constant 16 : i32
      %mul3A_313 = arith.muli %scan3A_125, %mul3A_312 : i32
      %add3A_314 = arith.addi %mul3A_313, %scan3A_311 : i32
      %mul3A_315 = arith.constant 16 : i32
      %mul3A_316 = arith.muli %add3A_314, %mul3A_315 : i32
      %get3A_317 = arith.index_cast %mul3A_316 : i32 to index
      %get3A_318 = tpu.vector_load %arg4[%get3A_317] {strides = array<i32>} : memref<8192xf32, #tpu.memory_space<vmem>>, vector<16xf32>,
      %bitcast_convert_type3A_319 = tpu.bitcast %get3A_318 : vector<16xf32> -> vector<16xi32>
      %lt3A_320 = arith.constant 0 : i32
      %lt3A_321 = vector.broadcast %lt3A_320 : i32 to vector<16xi32>
      %lt3A_322 = arith.cmpi slt, %bitcast_convert_type3A_319, %lt3A_321 : vector<16xi32>
      %xor3A_323 = arith.constant 2147483647 : i32
      %xor3A_324 = vector.broadcast %xor3A_323 : i32 to vector<16xi32>
      %xor3A_325 = arith.xori %bitcast_convert_type3A_319, %xor3A_324 : vector<16xi32>
      %select_n3A_326 = arith.select %lt3A_322, %xor3A_325, %bitcast_convert_type3A_319 : vector<16xi1>, vector<16xi32>
      %mul3A_327 = arith.constant 16 : i32
      %mul3A_328 = arith.muli %add3A_314, %mul3A_327 : i32
      %swap3A_329 = arith.index_cast %mul3A_328 : i32 to index
      %swap3A_330 = tpu.vector_load %arg5[%swap3A_329] {strides = array<i32>} : memref<8192xi32, #tpu.memory_space<vmem>>, vector<16xi32>,
      tpu.vector_store %arg5[%swap3A_329], %select_n3A_326 {strides = array<i32>} : memref<8192xi32, #tpu.memory_space<vmem>>, vector<16xi32>,
      %max3A_331 = arith.maxsi %max3A_310, %select_n3A_326 : vector<16xi32>
      %scan3A_332 = arith.constant 10 : i32
      %mul3A_333 = arith.constant 16 : i32
      %mul3A_334 = arith.muli %scan3A_125, %mul3A_333 : i32
      %add3A_335 = arith.addi %mul3A_334, %scan3A_332 : i32
      %mul3A_336 = arith.constant 16 : i32
      %mul3A_337 = arith.muli %add3A_335, %mul3A_336 : i32
      %get3A_338 = arith.index_cast %mul3A_337 : i32 to index
      %get3A_339 = tpu.vector_load %arg4[%get3A_338] {strides = array<i32>} : memref<8192xf32, #tpu.memory_space<vmem>>, vector<16xf32>,
      %bitcast_convert_type3A_340 = tpu.bitcast %get3A_339 : vector<16xf32> -> vector<16xi32>
      %lt3A_341 = arith.constant 0 : i32
      %lt3A_342 = vector.broadcast %lt3A_341 : i32 to vector<16xi32>
      %lt3A_343 = arith.cmpi slt, %bitcast_convert_type3A_340, %lt3A_342 : vector<16xi32>
      %xor3A_344 = arith.constant 2147483647 : i32
      %xor3A_345 = vector.broadcast %xor3A_344 : i32 to vector<16xi32>
      %xor3A_346 = arith.xori %bitcast_convert_type3A_340, %xor3A_345 : vector<16xi32>
      %select_n3A_347 = arith.select %lt3A_343, %xor3A_346, %bitcast_convert_type3A_340 : vector<16xi1>, vector<16xi32>
      %mul3A_348 = arith.constant 16 : i32
      %mul3A_349 = arith.muli %add3A_335, %mul3A_348 : i32
      %swap3A_350 = arith.index_cast %mul3A_349 : i32 to index
      %swap3A_351 = tpu.vector_load %arg5[%swap3A_350] {strides = array<i32>} : memref<8192xi32, #tpu.memory_space<vmem>>, vector<16xi32>,
      tpu.vector_store %arg5[%swap3A_350], %select_n3A_347 {strides = array<i32>} : memref<8192xi32, #tpu.memory_space<vmem>>, vector<16xi32>,
      %max3A_352 = arith.maxsi %max3A_331, %select_n3A_347 : vector<16xi32>
      %scan3A_353 = arith.constant 11 : i32
      %mul3A_354 = arith.constant 16 : i32
      %mul3A_355 = arith.muli %scan3A_125, %mul3A_354 : i32
      %add3A_356 = arith.addi %mul3A_355, %scan3A_353 : i32
      %mul3A_357 = arith.constant 16 : i32
      %mul3A_358 = arith.muli %add3A_356, %mul3A_357 : i32
      %get3A_359 = arith.index_cast %mul3A_358 : i32 to index
      %get3A_360 = tpu.vector_load %arg4[%get3A_359] {strides = array<i32>} : memref<8192xf32, #tpu.memory_space<vmem>>, vector<16xf32>,
      %bitcast_convert_type3A_361 = tpu.bitcast %get3A_360 : vector<16xf32> -> vector<16xi32>
      %lt3A_362 = arith.constant 0 : i32
      %lt3A_363 = vector.broadcast %lt3A_362 : i32 to vector<16xi32>
      %lt3A_364 = arith.cmpi slt, %bitcast_convert_type3A_361, %lt3A_363 : vector<16xi32>
      %xor3A_365 = arith.constant 2147483647 : i32
      %xor3A_366 = vector.broadcast %xor3A_365 : i32 to vector<16xi32>
      %xor3A_367 = arith.xori %bitcast_convert_type3A_361, %xor3A_366 : vector<16xi32>
      %select_n3A_368 = arith.select %lt3A_364, %xor3A_367, %bitcast_convert_type3A_361 : vector<16xi1>, vector<16xi32>
      %mul3A_369 = arith.constant 16 : i32
      %mul3A_370 = arith.muli %add3A_356, %mul3A_369 : i32
      %swap3A_371 = arith.index_cast %mul3A_370 : i32 to index
      %swap3A_372 = tpu.vector_load %arg5[%swap3A_371] {strides = array<i32>} : memref<8192xi32, #tpu.memory_space<vmem>>, vector<16xi32>,
      tpu.vector_store %arg5[%swap3A_371], %select_n3A_368 {strides = array<i32>} : memref<8192xi32, #tpu.memory_space<vmem>>, vector<16xi32>,
      %max3A_373 = arith.maxsi %max3A_352, %select_n3A_368 : vector<16xi32>
      %scan3A_374 = arith.constant 12 : i32
      %mul3A_375 = arith.constant 16 : i32
      %mul3A_376 = arith.muli %scan3A_125, %mul3A_375 : i32
      %add3A_377 = arith.addi %mul3A_376, %scan3A_374 : i32
      %mul3A_378 = arith.constant 16 : i32
      %mul3A_379 = arith.muli %add3A_377, %mul3A_378 : i32
      %get3A_380 = arith.index_cast %mul3A_379 : i32 to index
      %get3A_381 = tpu.vector_load %arg4[%get3A_380] {strides = array<i32>} : memref<8192xf32, #tpu.memory_space<vmem>>, vector<16xf32>,
      %bitcast_convert_type3A_382 = tpu.bitcast %get3A_381 : vector<16xf32> -> vector<16xi32>
      %lt3A_383 = arith.constant 0 : i32
      %lt3A_384 = vector.broadcast %lt3A_383 : i32 to vector<16xi32>
      %lt3A_385 = arith.cmpi slt, %bitcast_convert_type3A_382, %lt3A_384 : vector<16xi32>
      %xor3A_386 = arith.constant 2147483647 : i32
      %xor3A_387 = vector.broadcast %xor3A_386 : i32 to vector<16xi32>
      %xor3A_388 = arith.xori %bitcast_convert_type3A_382, %xor3A_387 : vector<16xi32>
      %select_n3A_389 = arith.select %lt3A_385, %xor3A_388, %bitcast_convert_type3A_382 : vector<16xi1>, vector<16xi32>
      %mul3A_390 = arith.constant 16 : i32
      %mul3A_391 = arith.muli %add3A_377, %mul3A_390 : i32
      %swap3A_392 = arith.index_cast %mul3A_391 : i32 to index
      %swap3A_393 = tpu.vector_load %arg5[%swap3A_392] {strides = array<i32>} : memref<8192xi32, #tpu.memory_space<vmem>>, vector<16xi32>,
      tpu.vector_store %arg5[%swap3A_392], %select_n3A_389 {strides = array<i32>} : memref<8192xi32, #tpu.memory_space<vmem>>, vector<16xi32>,
      %max3A_394 = arith.maxsi %max3A_373, %select_n3A_389 : vector<16xi32>
      %scan3A_395 = arith.constant 13 : i32
      %mul3A_396 = arith.constant 16 : i32
      %mul3A_397 = arith.muli %scan3A_125, %mul3A_396 : i32
      %add3A_398 = arith.addi %mul3A_397, %scan3A_395 : i32
      %mul3A_399 = arith.constant 16 : i32
      %mul3A_400 = arith.muli %add3A_398, %mul3A_399 : i32
      %get3A_401 = arith.index_cast %mul3A_400 : i32 to index
      %get3A_402 = tpu.vector_load %arg4[%get3A_401] {strides = array<i32>} : memref<8192xf32, #tpu.memory_space<vmem>>, vector<16xf32>,
      %bitcast_convert_type3A_403 = tpu.bitcast %get3A_402 : vector<16xf32> -> vector<16xi32>
      %lt3A_404 = arith.constant 0 : i32
      %lt3A_405 = vector.broadcast %lt3A_404 : i32 to vector<16xi32>
      %lt3A_406 = arith.cmpi slt, %bitcast_convert_type3A_403, %lt3A_405 : vector<16xi32>
      %xor3A_407 = arith.constant 2147483647 : i32
      %xor3A_408 = vector.broadcast %xor3A_407 : i32 to vector<16xi32>
      %xor3A_409 = arith.xori %bitcast_convert_type3A_403, %xor3A_408 : vector<16xi32>
      %select_n3A_410 = arith.select %lt3A_406, %xor3A_409, %bitcast_convert_type3A_403 : vector<16xi1>, vector<16xi32>
      %mul3A_411 = arith.constant 16 : i32
      %mul3A_412 = arith.muli %add3A_398, %mul3A_411 : i32
      %swap3A_413 = arith.index_cast %mul3A_412 : i32 to index
      %swap3A_414 = tpu.vector_load %arg5[%swap3A_413] {strides = array<i32>} : memref<8192xi32, #tpu.memory_space<vmem>>, vector<16xi32>,
      tpu.vector_store %arg5[%swap3A_413], %select_n3A_410 {strides = array<i32>} : memref<8192xi32, #tpu.memory_space<vmem>>, vector<16xi32>,
      %max3A_415 = arith.maxsi %max3A_394, %select_n3A_410 : vector<16xi32>
      %scan3A_416 = arith.constant 14 : i32
      %mul3A_417 = arith.constant 16 : i32
      %mul3A_418 = arith.muli %scan3A_125, %mul3A_417 : i32
      %add3A_419 = arith.addi %mul3A_418, %scan3A_416 : i32
      %mul3A_420 = arith.constant 16 : i32
      %mul3A_421 = arith.muli %add3A_419, %mul3A_420 : i32
      %get3A_422 = arith.index_cast %mul3A_421 : i32 to index
      %get3A_423 = tpu.vector_load %arg4[%get3A_422] {strides = array<i32>} : memref<8192xf32, #tpu.memory_space<vmem>>, vector<16xf32>,
      %bitcast_convert_type3A_424 = tpu.bitcast %get3A_423 : vector<16xf32> -> vector<16xi32>
      %lt3A_425 = arith.constant 0 : i32
      %lt3A_426 = vector.broadcast %lt3A_425 : i32 to vector<16xi32>
      %lt3A_427 = arith.cmpi slt, %bitcast_convert_type3A_424, %lt3A_426 : vector<16xi32>
      %xor3A_428 = arith.constant 2147483647 : i32
      %xor3A_429 = vector.broadcast %xor3A_428 : i32 to vector<16xi32>
      %xor3A_430 = arith.xori %bitcast_convert_type3A_424, %xor3A_429 : vector<16xi32>
      %select_n3A_431 = arith.select %lt3A_427, %xor3A_430, %bitcast_convert_type3A_424 : vector<16xi1>, vector<16xi32>
      %mul3A_432 = arith.constant 16 : i32
      %mul3A_433 = arith.muli %add3A_419, %mul3A_432 : i32
      %swap3A_434 = arith.index_cast %mul3A_433 : i32 to index
      %swap3A_435 = tpu.vector_load %arg5[%swap3A_434] {strides = array<i32>} : memref<8192xi32, #tpu.memory_space<vmem>>, vector<16xi32>,
      tpu.vector_store %arg5[%swap3A_434], %select_n3A_431 {strides = array<i32>} : memref<8192xi32, #tpu.memory_space<vmem>>, vector<16xi32>,
      %max3A_436 = arith.maxsi %max3A_415, %select_n3A_431 : vector<16xi32>
      %scan3A_437 = arith.constant 15 : i32
      %mul3A_438 = arith.constant 16 : i32
      %mul3A_439 = arith.muli %scan3A_125, %mul3A_438 : i32
      %add3A_440 = arith.addi %mul3A_439, %scan3A_437 : i32
      %mul3A_441 = arith.constant 16 : i32
      %mul3A_442 = arith.muli %add3A_440, %mul3A_441 : i32
      %get3A_443 = arith.index_cast %mul3A_442 : i32 to index
      %get3A_444 = tpu.vector_load %arg4[%get3A_443] {strides = array<i32>} : memref<8192xf32, #tpu.memory_space<vmem>>, vector<16xf32>,
      %bitcast_convert_type3A_445 = tpu.bitcast %get3A_444 : vector<16xf32> -> vector<16xi32>
      %lt3A_446 = arith.constant 0 : i32
      %lt3A_447 = vector.broadcast %lt3A_446 : i32 to vector<16xi32>
      %lt3A_448 = arith.cmpi slt, %bitcast_convert_type3A_445, %lt3A_447 : vector<16xi32>
      %xor3A_449 = arith.constant 2147483647 : i32
      %xor3A_450 = vector.broadcast %xor3A_449 : i32 to vector<16xi32>
      %xor3A_451 = arith.xori %bitcast_convert_type3A_445, %xor3A_450 : vector<16xi32>
      %select_n3A_452 = arith.select %lt3A_448, %xor3A_451, %bitcast_convert_type3A_445 : vector<16xi1>, vector<16xi32>
      %mul3A_453 = arith.constant 16 : i32
      %mul3A_454 = arith.muli %add3A_440, %mul3A_453 : i32
      %swap3A_455 = arith.index_cast %mul3A_454 : i32 to index
      %swap3A_456 = tpu.vector_load %arg5[%swap3A_455] {strides = array<i32>} : memref<8192xi32, #tpu.memory_space<vmem>>, vector<16xi32>,
      tpu.vector_store %arg5[%swap3A_455], %select_n3A_452 {strides = array<i32>} : memref<8192xi32, #tpu.memory_space<vmem>>, vector<16xi32>,
      %max3A_457 = arith.maxsi %max3A_436, %select_n3A_452 : vector<16xi32>
      %scan3A_458 = arith.constant 16 : i32
      %mul3A_459 = arith.constant 16 : i32
      %mul3A_460 = arith.muli %scan3A_125, %mul3A_459 : i32
      %swap3A_461 = arith.index_cast %mul3A_460 : i32 to index
      %swap3A_462 = tpu.vector_load %arg8[%swap3A_461] {strides = array<i32>} : memref<512xi32, #tpu.memory_space<vmem>>, vector<16xi32>,
      tpu.vector_store %arg8[%swap3A_461], %max3A_457 {strides = array<i32>} : memref<512xi32, #tpu.memory_space<vmem>>, vector<16xi32>,
      %scan3A_463 = arith.constant 0 : i32
      scf.yield %scan3A_463 : i32
    }
    %scan3A_15 = arith.constant 32 : i32
    %scan3A_16 = arith.constant 0 : i32
    %scan3A_17 = arith.constant 0 : i32
    %scan3A_18 = arith.constant 32 : i32
    %scan3A_19 = arith.addi %scan3A_17, %scan3A_18 : i32
    %scan3A_20 = arith.constant 8 : i32
    %scan3A_21 = scf.for %scan3A_125 = %scan3A_17 to %scan3A_19 step %scan3A_20 iter_args(%scan3A_126 = %broadcast_in_dim3A_0) -> (vector<16xi32>)  : i32 {
      %mul3A_127 = arith.constant 16 : i32
      %mul3A_128 = arith.muli %scan3A_125, %mul3A_127 : i32
      %get3A = arith.index_cast %mul3A_128 : i32 to index
      %get3A_129 = tpu.vector_load %arg8[%get3A] {strides = array<i32>} : memref<512xi32, #tpu.memory_space<vmem>>, vector<16xi32>,
      %ge3A_130 = vector.broadcast %scan3A_16 : i32 to vector<16xi32>
      %ge3A_131 = arith.cmpi sge, %get3A_129, %ge3A_130 : vector<16xi32>
      %jit3A_132 = arith.constant 1 : i32
      %jit3A_133 = arith.constant 0 : i32
      %broadcast_in_dim3A_134 = vector.broadcast %jit3A_132 : i32 to vector<16xi32>
      %broadcast_in_dim3A_135 = vector.broadcast %jit3A_133 : i32 to vector<16xi32>
      %select_n3A_136 = arith.select %ge3A_131, %broadcast_in_dim3A_134, %broadcast_in_dim3A_135 : vector<16xi1>, vector<16xi32>
      %add3A_137 = arith.addi %scan3A_126, %select_n3A_136 : vector<16xi32>
      %scan3A_138 = arith.constant 1 : i32
      %scan3A_139 = arith.addi %scan3A_125, %scan3A_138 : i32
      %mul3A_140 = arith.constant 16 : i32
      %mul3A_141 = arith.muli %scan3A_139, %mul3A_140 : i32
      %get3A_142 = arith.index_cast %mul3A_141 : i32 to index
      %get3A_143 = tpu.vector_load %arg8[%get3A_142] {strides = array<i32>} : memref<512xi32, #tpu.memory_space<vmem>>, vector<16xi32>,
      %ge3A_144 = vector.broadcast %scan3A_16 : i32 to vector<16xi32>
      %ge3A_145 = arith.cmpi sge, %get3A_143, %ge3A_144 : vector<16xi32>
      %jit3A_146 = arith.constant 1 : i32
      %jit3A_147 = arith.constant 0 : i32
      %broadcast_in_dim3A_148 = vector.broadcast %jit3A_146 : i32 to vector<16xi32>
      %broadcast_in_dim3A_149 = vector.broadcast %jit3A_147 : i32 to vector<16xi32>
      %select_n3A_150 = arith.select %ge3A_145, %broadcast_in_dim3A_148, %broadcast_in_dim3A_149 : vector<16xi1>, vector<16xi32>
      %add3A_151 = arith.addi %add3A_137, %select_n3A_150 : vector<16xi32>
      %scan3A_152 = arith.constant 2 : i32
      %scan3A_153 = arith.addi %scan3A_125, %scan3A_152 : i32
      %mul3A_154 = arith.constant 16 : i32
      %mul3A_155 = arith.muli %scan3A_153, %mul3A_154 : i32
      %get3A_156 = arith.index_cast %mul3A_155 : i32 to index
      %get3A_157 = tpu.vector_load %arg8[%get3A_156] {strides = array<i32>} : memref<512xi32, #tpu.memory_space<vmem>>, vector<16xi32>,
      %ge3A_158 = vector.broadcast %scan3A_16 : i32 to vector<16xi32>
      %ge3A_159 = arith.cmpi sge, %get3A_157, %ge3A_158 : vector<16xi32>
      %jit3A_160 = arith.constant 1 : i32
      %jit3A_161 = arith.constant 0 : i32
      %broadcast_in_dim3A_162 = vector.broadcast %jit3A_160 : i32 to vector<16xi32>
      %broadcast_in_dim3A_163 = vector.broadcast %jit3A_161 : i32 to vector<16xi32>
      %select_n3A_164 = arith.select %ge3A_159, %broadcast_in_dim3A_162, %broadcast_in_dim3A_163 : vector<16xi1>, vector<16xi32>
      %add3A_165 = arith.addi %add3A_151, %select_n3A_164 : vector<16xi32>
      %scan3A_166 = arith.constant 3 : i32
      %scan3A_167 = arith.addi %scan3A_125, %scan3A_166 : i32
      %mul3A_168 = arith.constant 16 : i32
      %mul3A_169 = arith.muli %scan3A_167, %mul3A_168 : i32
      %get3A_170 = arith.index_cast %mul3A_169 : i32 to index
      %get3A_171 = tpu.vector_load %arg8[%get3A_170] {strides = array<i32>} : memref<512xi32, #tpu.memory_space<vmem>>, vector<16xi32>,
      %ge3A_172 = vector.broadcast %scan3A_16 : i32 to vector<16xi32>
      %ge3A_173 = arith.cmpi sge, %get3A_171, %ge3A_172 : vector<16xi32>
      %jit3A_174 = arith.constant 1 : i32
      %jit3A_175 = arith.constant 0 : i32
      %broadcast_in_dim3A_176 = vector.broadcast %jit3A_174 : i32 to vector<16xi32>
      %broadcast_in_dim3A_177 = vector.broadcast %jit3A_175 : i32 to vector<16xi32>
      %select_n3A_178 = arith.select %ge3A_173, %broadcast_in_dim3A_176, %broadcast_in_dim3A_177 : vector<16xi1>, vector<16xi32>
      %add3A_179 = arith.addi %add3A_165, %select_n3A_178 : vector<16xi32>
      %scan3A_180 = arith.constant 4 : i32
      %scan3A_181 = arith.addi %scan3A_125, %scan3A_180 : i32
      %mul3A_182 = arith.constant 16 : i32
      %mul3A_183 = arith.muli %scan3A_181, %mul3A_182 : i32
      %get3A_184 = arith.index_cast %mul3A_183 : i32 to index
      %get3A_185 = tpu.vector_load %arg8[%get3A_184] {strides = array<i32>} : memref<512xi32, #tpu.memory_space<vmem>>, vector<16xi32>,
      %ge3A_186 = vector.broadcast %scan3A_16 : i32 to vector<16xi32>
      %ge3A_187 = arith.cmpi sge, %get3A_185, %ge3A_186 : vector<16xi32>
      %jit3A_188 = arith.constant 1 : i32
      %jit3A_189 = arith.constant 0 : i32
      %broadcast_in_dim3A_190 = vector.broadcast %jit3A_188 : i32 to vector<16xi32>
      %broadcast_in_dim3A_191 = vector.broadcast %jit3A_189 : i32 to vector<16xi32>
      %select_n3A_192 = arith.select %ge3A_187, %broadcast_in_dim3A_190, %broadcast_in_dim3A_191 : vector<16xi1>, vector<16xi32>
      %add3A_193 = arith.addi %add3A_179, %select_n3A_192 : vector<16xi32>
      %scan3A_194 = arith.constant 5 : i32
      %scan3A_195 = arith.addi %scan3A_125, %scan3A_194 : i32
      %mul3A_196 = arith.constant 16 : i32
      %mul3A_197 = arith.muli %scan3A_195, %mul3A_196 : i32
      %get3A_198 = arith.index_cast %mul3A_197 : i32 to index
      %get3A_199 = tpu.vector_load %arg8[%get3A_198] {strides = array<i32>} : memref<512xi32, #tpu.memory_space<vmem>>, vector<16xi32>,
      %ge3A_200 = vector.broadcast %scan3A_16 : i32 to vector<16xi32>
      %ge3A_201 = arith.cmpi sge, %get3A_199, %ge3A_200 : vector<16xi32>
      %jit3A_202 = arith.constant 1 : i32
      %jit3A_203 = arith.constant 0 : i32
      %broadcast_in_dim3A_204 = vector.broadcast %jit3A_202 : i32 to vector<16xi32>
      %broadcast_in_dim3A_205 = vector.broadcast %jit3A_203 : i32 to vector<16xi32>
      %select_n3A_206 = arith.select %ge3A_201, %broadcast_in_dim3A_204, %broadcast_in_dim3A_205 : vector<16xi1>, vector<16xi32>
      %add3A_207 = arith.addi %add3A_193, %select_n3A_206 : vector<16xi32>
      %scan3A_208 = arith.constant 6 : i32
      %scan3A_209 = arith.addi %scan3A_125, %scan3A_208 : i32
      %mul3A_210 = arith.constant 16 : i32
      %mul3A_211 = arith.muli %scan3A_209, %mul3A_210 : i32
      %get3A_212 = arith.index_cast %mul3A_211 : i32 to index
      %get3A_213 = tpu.vector_load %arg8[%get3A_212] {strides = array<i32>} : memref<512xi32, #tpu.memory_space<vmem>>, vector<16xi32>,
      %ge3A_214 = vector.broadcast %scan3A_16 : i32 to vector<16xi32>
      %ge3A_215 = arith.cmpi sge, %get3A_213, %ge3A_214 : vector<16xi32>
      %jit3A_216 = arith.constant 1 : i32
      %jit3A_217 = arith.constant 0 : i32
      %broadcast_in_dim3A_218 = vector.broadcast %jit3A_216 : i32 to vector<16xi32>
      %broadcast_in_dim3A_219 = vector.broadcast %jit3A_217 : i32 to vector<16xi32>
      %select_n3A_220 = arith.select %ge3A_215, %broadcast_in_dim3A_218, %broadcast_in_dim3A_219 : vector<16xi1>, vector<16xi32>
      %add3A_221 = arith.addi %add3A_207, %select_n3A_220 : vector<16xi32>
      %scan3A_222 = arith.constant 7 : i32
      %scan3A_223 = arith.addi %scan3A_125, %scan3A_222 : i32
      %mul3A_224 = arith.constant 16 : i32
      %mul3A_225 = arith.muli %scan3A_223, %mul3A_224 : i32
      %get3A_226 = arith.index_cast %mul3A_225 : i32 to index
      %get3A_227 = tpu.vector_load %arg8[%get3A_226] {strides = array<i32>} : memref<512xi32, #tpu.memory_space<vmem>>, vector<16xi32>,
      %ge3A_228 = vector.broadcast %scan3A_16 : i32 to vector<16xi32>
      %ge3A_229 = arith.cmpi sge, %get3A_227, %ge3A_228 : vector<16xi32>
      %jit3A_230 = arith.constant 1 : i32
      %jit3A_231 = arith.constant 0 : i32
      %broadcast_in_dim3A_232 = vector.broadcast %jit3A_230 : i32 to vector<16xi32>
      %broadcast_in_dim3A_233 = vector.broadcast %jit3A_231 : i32 to vector<16xi32>
      %select_n3A_234 = arith.select %ge3A_229, %broadcast_in_dim3A_232, %broadcast_in_dim3A_233 : vector<16xi1>, vector<16xi32>
      %add3A_235 = arith.addi %add3A_221, %select_n3A_234 : vector<16xi32>
      scf.yield %add3A_235 : vector<16xi32>
    }
    %scan3A_22 = arith.constant 32 : i32
    %reduce_sum3A = arith.constant true
    %reduce_sum3A_23 = vector.broadcast %reduce_sum3A : i1 to vector<16xi1>
    %reduce_sum3A_24 = tpu.scan <sum>, %scan3A_21 masked %reduce_sum3A_23 : vector<16xi32>, vector<16xi1> -> vector<16xi32>
    %reduce_sum3A_25 = vector.extract %reduce_sum3A_24[15] : i32 from vector<16xi32>
    %ge3A = arith.constant 64 : i32
    %ge3A_26 = arith.cmpi sge, %reduce_sum3A_25, %ge3A : i32
    %jit3A = arith.constant 0 : i32
    %select_n3A = arith.select %ge3A_26, %jit3A, %scan3A : i32
    %scan3A_27 = arith.constant 0 : i32
    %scan3A_28 = arith.constant 15 : i32
    %scan3A_29 = arith.addi %scan3A_27, %scan3A_28 : i32
    %scan3A_30 = arith.constant 1 : i32
    %scan3A_31 = scf.for %scan3A_125 = %scan3A_27 to %scan3A_29 step %scan3A_30 iter_args(%scan3A_126 = %select_n3A) -> (i32)  : i32 {
      %sub3A_127 = arith.constant 30 : i32
      %sub3A_128 = arith.subi %sub3A_127, %scan3A_125 : i32
      %shift_left3A = arith.constant 1 : i32
      %shift_left3A_129 = arith.shli %shift_left3A, %sub3A_128 : i32
      %or3A = arith.ori %scan3A_126, %shift_left3A_129 : i32
      %scan3A_130 = arith.constant 0 : i32
      %scan3A_131 = arith.constant 32 : i32
      %scan3A_132 = arith.addi %scan3A_130, %scan3A_131 : i32
      %scan3A_133 = arith.constant 8 : i32
      %scan3A_134 = scf.for %scan3A_143 = %scan3A_130 to %scan3A_132 step %scan3A_133 iter_args(%scan3A_144 = %broadcast_in_dim3A_0) -> (vector<16xi32>)  : i32 {
        %mul3A_145 = arith.constant 16 : i32
        %mul3A_146 = arith.muli %scan3A_143, %mul3A_145 : i32
        %get3A = arith.index_cast %mul3A_146 : i32 to index
        %get3A_147 = tpu.vector_load %arg8[%get3A] {strides = array<i32>} : memref<512xi32, #tpu.memory_space<vmem>>, vector<16xi32>,
        %ge3A_148 = vector.broadcast %or3A : i32 to vector<16xi32>
        %ge3A_149 = arith.cmpi sge, %get3A_147, %ge3A_148 : vector<16xi32>
        %jit3A_150 = arith.constant 1 : i32
        %jit3A_151 = arith.constant 0 : i32
        %broadcast_in_dim3A_152 = vector.broadcast %jit3A_150 : i32 to vector<16xi32>
        %broadcast_in_dim3A_153 = vector.broadcast %jit3A_151 : i32 to vector<16xi32>
        %select_n3A_154 = arith.select %ge3A_149, %broadcast_in_dim3A_152, %broadcast_in_dim3A_153 : vector<16xi1>, vector<16xi32>
        %add3A_155 = arith.addi %scan3A_144, %select_n3A_154 : vector<16xi32>
        %scan3A_156 = arith.constant 1 : i32
        %scan3A_157 = arith.addi %scan3A_143, %scan3A_156 : i32
        %mul3A_158 = arith.constant 16 : i32
        %mul3A_159 = arith.muli %scan3A_157, %mul3A_158 : i32
        %get3A_160 = arith.index_cast %mul3A_159 : i32 to index
        %get3A_161 = tpu.vector_load %arg8[%get3A_160] {strides = array<i32>} : memref<512xi32, #tpu.memory_space<vmem>>, vector<16xi32>,
        %ge3A_162 = vector.broadcast %or3A : i32 to vector<16xi32>
        %ge3A_163 = arith.cmpi sge, %get3A_161, %ge3A_162 : vector<16xi32>
        %jit3A_164 = arith.constant 1 : i32
        %jit3A_165 = arith.constant 0 : i32
        %broadcast_in_dim3A_166 = vector.broadcast %jit3A_164 : i32 to vector<16xi32>
        %broadcast_in_dim3A_167 = vector.broadcast %jit3A_165 : i32 to vector<16xi32>
        %select_n3A_168 = arith.select %ge3A_163, %broadcast_in_dim3A_166, %broadcast_in_dim3A_167 : vector<16xi1>, vector<16xi32>
        %add3A_169 = arith.addi %add3A_155, %select_n3A_168 : vector<16xi32>
        %scan3A_170 = arith.constant 2 : i32
        %scan3A_171 = arith.addi %scan3A_143, %scan3A_170 : i32
        %mul3A_172 = arith.constant 16 : i32
        %mul3A_173 = arith.muli %scan3A_171, %mul3A_172 : i32
        %get3A_174 = arith.index_cast %mul3A_173 : i32 to index
        %get3A_175 = tpu.vector_load %arg8[%get3A_174] {strides = array<i32>} : memref<512xi32, #tpu.memory_space<vmem>>, vector<16xi32>,
        %ge3A_176 = vector.broadcast %or3A : i32 to vector<16xi32>
        %ge3A_177 = arith.cmpi sge, %get3A_175, %ge3A_176 : vector<16xi32>
        %jit3A_178 = arith.constant 1 : i32
        %jit3A_179 = arith.constant 0 : i32
        %broadcast_in_dim3A_180 = vector.broadcast %jit3A_178 : i32 to vector<16xi32>
        %broadcast_in_dim3A_181 = vector.broadcast %jit3A_179 : i32 to vector<16xi32>
        %select_n3A_182 = arith.select %ge3A_177, %broadcast_in_dim3A_180, %broadcast_in_dim3A_181 : vector<16xi1>, vector<16xi32>
        %add3A_183 = arith.addi %add3A_169, %select_n3A_182 : vector<16xi32>
        %scan3A_184 = arith.constant 3 : i32
        %scan3A_185 = arith.addi %scan3A_143, %scan3A_184 : i32
        %mul3A_186 = arith.constant 16 : i32
        %mul3A_187 = arith.muli %scan3A_185, %mul3A_186 : i32
        %get3A_188 = arith.index_cast %mul3A_187 : i32 to index
        %get3A_189 = tpu.vector_load %arg8[%get3A_188] {strides = array<i32>} : memref<512xi32, #tpu.memory_space<vmem>>, vector<16xi32>,
        %ge3A_190 = vector.broadcast %or3A : i32 to vector<16xi32>
        %ge3A_191 = arith.cmpi sge, %get3A_189, %ge3A_190 : vector<16xi32>
        %jit3A_192 = arith.constant 1 : i32
        %jit3A_193 = arith.constant 0 : i32
        %broadcast_in_dim3A_194 = vector.broadcast %jit3A_192 : i32 to vector<16xi32>
        %broadcast_in_dim3A_195 = vector.broadcast %jit3A_193 : i32 to vector<16xi32>
        %select_n3A_196 = arith.select %ge3A_191, %broadcast_in_dim3A_194, %broadcast_in_dim3A_195 : vector<16xi1>, vector<16xi32>
        %add3A_197 = arith.addi %add3A_183, %select_n3A_196 : vector<16xi32>
        %scan3A_198 = arith.constant 4 : i32
        %scan3A_199 = arith.addi %scan3A_143, %scan3A_198 : i32
        %mul3A_200 = arith.constant 16 : i32
        %mul3A_201 = arith.muli %scan3A_199, %mul3A_200 : i32
        %get3A_202 = arith.index_cast %mul3A_201 : i32 to index
        %get3A_203 = tpu.vector_load %arg8[%get3A_202] {strides = array<i32>} : memref<512xi32, #tpu.memory_space<vmem>>, vector<16xi32>,
        %ge3A_204 = vector.broadcast %or3A : i32 to vector<16xi32>
        %ge3A_205 = arith.cmpi sge, %get3A_203, %ge3A_204 : vector<16xi32>
        %jit3A_206 = arith.constant 1 : i32
        %jit3A_207 = arith.constant 0 : i32
        %broadcast_in_dim3A_208 = vector.broadcast %jit3A_206 : i32 to vector<16xi32>
        %broadcast_in_dim3A_209 = vector.broadcast %jit3A_207 : i32 to vector<16xi32>
        %select_n3A_210 = arith.select %ge3A_205, %broadcast_in_dim3A_208, %broadcast_in_dim3A_209 : vector<16xi1>, vector<16xi32>
        %add3A_211 = arith.addi %add3A_197, %select_n3A_210 : vector<16xi32>
        %scan3A_212 = arith.constant 5 : i32
        %scan3A_213 = arith.addi %scan3A_143, %scan3A_212 : i32
        %mul3A_214 = arith.constant 16 : i32
        %mul3A_215 = arith.muli %scan3A_213, %mul3A_214 : i32
        %get3A_216 = arith.index_cast %mul3A_215 : i32 to index
        %get3A_217 = tpu.vector_load %arg8[%get3A_216] {strides = array<i32>} : memref<512xi32, #tpu.memory_space<vmem>>, vector<16xi32>,
        %ge3A_218 = vector.broadcast %or3A : i32 to vector<16xi32>
        %ge3A_219 = arith.cmpi sge, %get3A_217, %ge3A_218 : vector<16xi32>
        %jit3A_220 = arith.constant 1 : i32
        %jit3A_221 = arith.constant 0 : i32
        %broadcast_in_dim3A_222 = vector.broadcast %jit3A_220 : i32 to vector<16xi32>
        %broadcast_in_dim3A_223 = vector.broadcast %jit3A_221 : i32 to vector<16xi32>
        %select_n3A_224 = arith.select %ge3A_219, %broadcast_in_dim3A_222, %broadcast_in_dim3A_223 : vector<16xi1>, vector<16xi32>
        %add3A_225 = arith.addi %add3A_211, %select_n3A_224 : vector<16xi32>
        %scan3A_226 = arith.constant 6 : i32
        %scan3A_227 = arith.addi %scan3A_143, %scan3A_226 : i32
        %mul3A_228 = arith.constant 16 : i32
        %mul3A_229 = arith.muli %scan3A_227, %mul3A_228 : i32
        %get3A_230 = arith.index_cast %mul3A_229 : i32 to index
        %get3A_231 = tpu.vector_load %arg8[%get3A_230] {strides = array<i32>} : memref<512xi32, #tpu.memory_space<vmem>>, vector<16xi32>,
        %ge3A_232 = vector.broadcast %or3A : i32 to vector<16xi32>
        %ge3A_233 = arith.cmpi sge, %get3A_231, %ge3A_232 : vector<16xi32>
        %jit3A_234 = arith.constant 1 : i32
        %jit3A_235 = arith.constant 0 : i32
        %broadcast_in_dim3A_236 = vector.broadcast %jit3A_234 : i32 to vector<16xi32>
        %broadcast_in_dim3A_237 = vector.broadcast %jit3A_235 : i32 to vector<16xi32>
        %select_n3A_238 = arith.select %ge3A_233, %broadcast_in_dim3A_236, %broadcast_in_dim3A_237 : vector<16xi1>, vector<16xi32>
        %add3A_239 = arith.addi %add3A_225, %select_n3A_238 : vector<16xi32>
        %scan3A_240 = arith.constant 7 : i32
        %scan3A_241 = arith.addi %scan3A_143, %scan3A_240 : i32
        %mul3A_242 = arith.constant 16 : i32
        %mul3A_243 = arith.muli %scan3A_241, %mul3A_242 : i32
        %get3A_244 = arith.index_cast %mul3A_243 : i32 to index
        %get3A_245 = tpu.vector_load %arg8[%get3A_244] {strides = array<i32>} : memref<512xi32, #tpu.memory_space<vmem>>, vector<16xi32>,
        %ge3A_246 = vector.broadcast %or3A : i32 to vector<16xi32>
        %ge3A_247 = arith.cmpi sge, %get3A_245, %ge3A_246 : vector<16xi32>
        %jit3A_248 = arith.constant 1 : i32
        %jit3A_249 = arith.constant 0 : i32
        %broadcast_in_dim3A_250 = vector.broadcast %jit3A_248 : i32 to vector<16xi32>
        %broadcast_in_dim3A_251 = vector.broadcast %jit3A_249 : i32 to vector<16xi32>
        %select_n3A_252 = arith.select %ge3A_247, %broadcast_in_dim3A_250, %broadcast_in_dim3A_251 : vector<16xi1>, vector<16xi32>
        %add3A_253 = arith.addi %add3A_239, %select_n3A_252 : vector<16xi32>
        scf.yield %add3A_253 : vector<16xi32>
      }
      %scan3A_135 = arith.constant 32 : i32
      %reduce_sum3A_136 = arith.constant true
      %reduce_sum3A_137 = vector.broadcast %reduce_sum3A_136 : i1 to vector<16xi1>
      %reduce_sum3A_138 = tpu.scan <sum>, %scan3A_134 masked %reduce_sum3A_137 : vector<16xi32>, vector<16xi1> -> vector<16xi32>
      %reduce_sum3A_139 = vector.extract %reduce_sum3A_138[15] : i32 from vector<16xi32>
      %ge3A_140 = arith.constant 64 : i32
      %ge3A_141 = arith.cmpi sge, %reduce_sum3A_139, %ge3A_140 : i32
      %select_n3A_142 = arith.select %ge3A_141, %or3A, %scan3A_126 : i32
      scf.yield %select_n3A_142 : i32
    }
    %scan3A_32 = arith.constant 15 : i32
    %scan3A_33 = arith.constant 0 : i32
    %scan3A_34 = arith.constant 0 : i32
    %scan3A_35 = arith.constant 512 : i32
    %scan3A_36 = arith.addi %scan3A_34, %scan3A_35 : i32
    %scan3A_37 = arith.constant 8 : i32
    %scan3A_38 = scf.for %scan3A_125 = %scan3A_34 to %scan3A_36 step %scan3A_37 iter_args(%scan3A_126 = %scan3A_33) -> (i32)  : i32 {
      %mul3A_127 = arith.constant 16 : i32
      %mul3A_128 = arith.muli %scan3A_125, %mul3A_127 : i32
      %get3A = arith.index_cast %mul3A_128 : i32 to index
      %get3A_129 = tpu.vector_load %arg5[%get3A] {strides = array<i32>} : memref<8192xi32, #tpu.memory_space<vmem>>, vector<16xi32>,
      %ge3A_130 = vector.broadcast %scan3A_31 : i32 to vector<16xi32>
      %ge3A_131 = arith.cmpi sge, %get3A_129, %ge3A_130 : vector<16xi32>
      %jit3A_132 = arith.constant 1.000000e+00 : f32
      %jit3A_133 = arith.constant 0.000000e+00 : f32
      %broadcast_in_dim3A_134 = vector.broadcast %jit3A_132 : f32 to vector<16xf32>
      %broadcast_in_dim3A_135 = vector.broadcast %jit3A_133 : f32 to vector<16xf32>
      %select_n3A_136 = arith.select %ge3A_131, %broadcast_in_dim3A_134, %broadcast_in_dim3A_135 : vector<16xi1>, vector<16xf32>
      %mul3A_137 = arith.constant 16 : i32
      %mul3A_138 = arith.muli %scan3A_125, %mul3A_137 : i32
      %swap3A = arith.index_cast %mul3A_138 : i32 to index
      %swap3A_139 = tpu.vector_load %arg9[%swap3A] {strides = array<i32>} : memref<8192xf32, #tpu.memory_space<vmem>>, vector<16xf32>,
      tpu.vector_store %arg9[%swap3A], %select_n3A_136 {strides = array<i32>} : memref<8192xf32, #tpu.memory_space<vmem>>, vector<16xf32>,
      %swap3A_140 = arith.index_cast %scan3A_126 : i32 to index
      %swap3A_141 = tpu.vector_load %arg6[%swap3A_140] masked %ge3A_131 {strides = array<i32>} : memref<8192xi32, #tpu.memory_space<vmem>>, vector<16xi32>, vector<16xi1>
      tpu.vector_store %arg6[%swap3A_140], %get3A_129 masked %ge3A_131 {strides = array<i32>} : memref<8192xi32, #tpu.memory_space<vmem>>, vector<16xi32>, vector<16xi1>
      %mul3A_142 = arith.constant 16 : i32
      %mul3A_143 = arith.muli %scan3A_125, %mul3A_142 : i32
      %add3A_144 = vector.broadcast %mul3A_143 : i32 to vector<16xi32>
      %add3A_145 = arith.addi %iota3A, %add3A_144 : vector<16xi32>
      %swap3A_146 = arith.index_cast %scan3A_126 : i32 to index
      %swap3A_147 = tpu.vector_load %arg7[%swap3A_146] masked %ge3A_131 {strides = array<i32>} : memref<8192xi32, #tpu.memory_space<vmem>>, vector<16xi32>, vector<16xi1>
      tpu.vector_store %arg7[%swap3A_146], %add3A_145 masked %ge3A_131 {strides = array<i32>} : memref<8192xi32, #tpu.memory_space<vmem>>, vector<16xi32>, vector<16xi1>
      %jit3A_148 = arith.constant 1 : i32
      %jit3A_149 = arith.constant 0 : i32
      %broadcast_in_dim3A_150 = vector.broadcast %jit3A_148 : i32 to vector<16xi32>
      %broadcast_in_dim3A_151 = vector.broadcast %jit3A_149 : i32 to vector<16xi32>
      %select_n3A_152 = arith.select %ge3A_131, %broadcast_in_dim3A_150, %broadcast_in_dim3A_151 : vector<16xi1>, vector<16xi32>
      %reduce_sum3A_153 = arith.constant true
      %reduce_sum3A_154 = vector.broadcast %reduce_sum3A_153 : i1 to vector<16xi1>
      %reduce_sum3A_155 = tpu.scan <sum>, %select_n3A_152 masked %reduce_sum3A_154 : vector<16xi32>, vector<16xi1> -> vector<16xi32>
      %reduce_sum3A_156 = vector.extract %reduce_sum3A_155[15] : i32 from vector<16xi32>
      %add3A_157 = arith.addi %scan3A_126, %reduce_sum3A_156 : i32
      %scan3A_158 = arith.constant 1 : i32
      %scan3A_159 = arith.addi %scan3A_125, %scan3A_158 : i32
      %mul3A_160 = arith.constant 16 : i32
      %mul3A_161 = arith.muli %scan3A_159, %mul3A_160 : i32
      %get3A_162 = arith.index_cast %mul3A_161 : i32 to index
      %get3A_163 = tpu.vector_load %arg5[%get3A_162] {strides = array<i32>} : memref<8192xi32, #tpu.memory_space<vmem>>, vector<16xi32>,
      %ge3A_164 = vector.broadcast %scan3A_31 : i32 to vector<16xi32>
      %ge3A_165 = arith.cmpi sge, %get3A_163, %ge3A_164 : vector<16xi32>
      %jit3A_166 = arith.constant 1.000000e+00 : f32
      %jit3A_167 = arith.constant 0.000000e+00 : f32
      %broadcast_in_dim3A_168 = vector.broadcast %jit3A_166 : f32 to vector<16xf32>
      %broadcast_in_dim3A_169 = vector.broadcast %jit3A_167 : f32 to vector<16xf32>
      %select_n3A_170 = arith.select %ge3A_165, %broadcast_in_dim3A_168, %broadcast_in_dim3A_169 : vector<16xi1>, vector<16xf32>
      %mul3A_171 = arith.constant 16 : i32
      %mul3A_172 = arith.muli %scan3A_159, %mul3A_171 : i32
      %swap3A_173 = arith.index_cast %mul3A_172 : i32 to index
      %swap3A_174 = tpu.vector_load %arg9[%swap3A_173] {strides = array<i32>} : memref<8192xf32, #tpu.memory_space<vmem>>, vector<16xf32>,
      tpu.vector_store %arg9[%swap3A_173], %select_n3A_170 {strides = array<i32>} : memref<8192xf32, #tpu.memory_space<vmem>>, vector<16xf32>,
      %swap3A_175 = arith.index_cast %add3A_157 : i32 to index
      %swap3A_176 = tpu.vector_load %arg6[%swap3A_175] masked %ge3A_165 {strides = array<i32>} : memref<8192xi32, #tpu.memory_space<vmem>>, vector<16xi32>, vector<16xi1>
      tpu.vector_store %arg6[%swap3A_175], %get3A_163 masked %ge3A_165 {strides = array<i32>} : memref<8192xi32, #tpu.memory_space<vmem>>, vector<16xi32>, vector<16xi1>
      %mul3A_177 = arith.constant 16 : i32
      %mul3A_178 = arith.muli %scan3A_159, %mul3A_177 : i32
      %add3A_179 = vector.broadcast %mul3A_178 : i32 to vector<16xi32>
      %add3A_180 = arith.addi %iota3A, %add3A_179 : vector<16xi32>
      %swap3A_181 = arith.index_cast %add3A_157 : i32 to index
      %swap3A_182 = tpu.vector_load %arg7[%swap3A_181] masked %ge3A_165 {strides = array<i32>} : memref<8192xi32, #tpu.memory_space<vmem>>, vector<16xi32>, vector<16xi1>
      tpu.vector_store %arg7[%swap3A_181], %add3A_180 masked %ge3A_165 {strides = array<i32>} : memref<8192xi32, #tpu.memory_space<vmem>>, vector<16xi32>, vector<16xi1>
      %jit3A_183 = arith.constant 1 : i32
      %jit3A_184 = arith.constant 0 : i32
      %broadcast_in_dim3A_185 = vector.broadcast %jit3A_183 : i32 to vector<16xi32>
      %broadcast_in_dim3A_186 = vector.broadcast %jit3A_184 : i32 to vector<16xi32>
      %select_n3A_187 = arith.select %ge3A_165, %broadcast_in_dim3A_185, %broadcast_in_dim3A_186 : vector<16xi1>, vector<16xi32>
      %reduce_sum3A_188 = arith.constant true
      %reduce_sum3A_189 = vector.broadcast %reduce_sum3A_188 : i1 to vector<16xi1>
      %reduce_sum3A_190 = tpu.scan <sum>, %select_n3A_187 masked %reduce_sum3A_189 : vector<16xi32>, vector<16xi1> -> vector<16xi32>
      %reduce_sum3A_191 = vector.extract %reduce_sum3A_190[15] : i32 from vector<16xi32>
      %add3A_192 = arith.addi %add3A_157, %reduce_sum3A_191 : i32
      %scan3A_193 = arith.constant 2 : i32
      %scan3A_194 = arith.addi %scan3A_125, %scan3A_193 : i32
      %mul3A_195 = arith.constant 16 : i32
      %mul3A_196 = arith.muli %scan3A_194, %mul3A_195 : i32
      %get3A_197 = arith.index_cast %mul3A_196 : i32 to index
      %get3A_198 = tpu.vector_load %arg5[%get3A_197] {strides = array<i32>} : memref<8192xi32, #tpu.memory_space<vmem>>, vector<16xi32>,
      %ge3A_199 = vector.broadcast %scan3A_31 : i32 to vector<16xi32>
      %ge3A_200 = arith.cmpi sge, %get3A_198, %ge3A_199 : vector<16xi32>
      %jit3A_201 = arith.constant 1.000000e+00 : f32
      %jit3A_202 = arith.constant 0.000000e+00 : f32
      %broadcast_in_dim3A_203 = vector.broadcast %jit3A_201 : f32 to vector<16xf32>
      %broadcast_in_dim3A_204 = vector.broadcast %jit3A_202 : f32 to vector<16xf32>
      %select_n3A_205 = arith.select %ge3A_200, %broadcast_in_dim3A_203, %broadcast_in_dim3A_204 : vector<16xi1>, vector<16xf32>
      %mul3A_206 = arith.constant 16 : i32
      %mul3A_207 = arith.muli %scan3A_194, %mul3A_206 : i32
      %swap3A_208 = arith.index_cast %mul3A_207 : i32 to index
      %swap3A_209 = tpu.vector_load %arg9[%swap3A_208] {strides = array<i32>} : memref<8192xf32, #tpu.memory_space<vmem>>, vector<16xf32>,
      tpu.vector_store %arg9[%swap3A_208], %select_n3A_205 {strides = array<i32>} : memref<8192xf32, #tpu.memory_space<vmem>>, vector<16xf32>,
      %swap3A_210 = arith.index_cast %add3A_192 : i32 to index
      %swap3A_211 = tpu.vector_load %arg6[%swap3A_210] masked %ge3A_200 {strides = array<i32>} : memref<8192xi32, #tpu.memory_space<vmem>>, vector<16xi32>, vector<16xi1>
      tpu.vector_store %arg6[%swap3A_210], %get3A_198 masked %ge3A_200 {strides = array<i32>} : memref<8192xi32, #tpu.memory_space<vmem>>, vector<16xi32>, vector<16xi1>
      %mul3A_212 = arith.constant 16 : i32
      %mul3A_213 = arith.muli %scan3A_194, %mul3A_212 : i32
      %add3A_214 = vector.broadcast %mul3A_213 : i32 to vector<16xi32>
      %add3A_215 = arith.addi %iota3A, %add3A_214 : vector<16xi32>
      %swap3A_216 = arith.index_cast %add3A_192 : i32 to index
      %swap3A_217 = tpu.vector_load %arg7[%swap3A_216] masked %ge3A_200 {strides = array<i32>} : memref<8192xi32, #tpu.memory_space<vmem>>, vector<16xi32>, vector<16xi1>
      tpu.vector_store %arg7[%swap3A_216], %add3A_215 masked %ge3A_200 {strides = array<i32>} : memref<8192xi32, #tpu.memory_space<vmem>>, vector<16xi32>, vector<16xi1>
      %jit3A_218 = arith.constant 1 : i32
      %jit3A_219 = arith.constant 0 : i32
      %broadcast_in_dim3A_220 = vector.broadcast %jit3A_218 : i32 to vector<16xi32>
      %broadcast_in_dim3A_221 = vector.broadcast %jit3A_219 : i32 to vector<16xi32>
      %select_n3A_222 = arith.select %ge3A_200, %broadcast_in_dim3A_220, %broadcast_in_dim3A_221 : vector<16xi1>, vector<16xi32>
      %reduce_sum3A_223 = arith.constant true
      %reduce_sum3A_224 = vector.broadcast %reduce_sum3A_223 : i1 to vector<16xi1>
      %reduce_sum3A_225 = tpu.scan <sum>, %select_n3A_222 masked %reduce_sum3A_224 : vector<16xi32>, vector<16xi1> -> vector<16xi32>
      %reduce_sum3A_226 = vector.extract %reduce_sum3A_225[15] : i32 from vector<16xi32>
      %add3A_227 = arith.addi %add3A_192, %reduce_sum3A_226 : i32
      %scan3A_228 = arith.constant 3 : i32
      %scan3A_229 = arith.addi %scan3A_125, %scan3A_228 : i32
      %mul3A_230 = arith.constant 16 : i32
      %mul3A_231 = arith.muli %scan3A_229, %mul3A_230 : i32
      %get3A_232 = arith.index_cast %mul3A_231 : i32 to index
      %get3A_233 = tpu.vector_load %arg5[%get3A_232] {strides = array<i32>} : memref<8192xi32, #tpu.memory_space<vmem>>, vector<16xi32>,
      %ge3A_234 = vector.broadcast %scan3A_31 : i32 to vector<16xi32>
      %ge3A_235 = arith.cmpi sge, %get3A_233, %ge3A_234 : vector<16xi32>
      %jit3A_236 = arith.constant 1.000000e+00 : f32
      %jit3A_237 = arith.constant 0.000000e+00 : f32
      %broadcast_in_dim3A_238 = vector.broadcast %jit3A_236 : f32 to vector<16xf32>
      %broadcast_in_dim3A_239 = vector.broadcast %jit3A_237 : f32 to vector<16xf32>
      %select_n3A_240 = arith.select %ge3A_235, %broadcast_in_dim3A_238, %broadcast_in_dim3A_239 : vector<16xi1>, vector<16xf32>
      %mul3A_241 = arith.constant 16 : i32
      %mul3A_242 = arith.muli %scan3A_229, %mul3A_241 : i32
      %swap3A_243 = arith.index_cast %mul3A_242 : i32 to index
      %swap3A_244 = tpu.vector_load %arg9[%swap3A_243] {strides = array<i32>} : memref<8192xf32, #tpu.memory_space<vmem>>, vector<16xf32>,
      tpu.vector_store %arg9[%swap3A_243], %select_n3A_240 {strides = array<i32>} : memref<8192xf32, #tpu.memory_space<vmem>>, vector<16xf32>,
      %swap3A_245 = arith.index_cast %add3A_227 : i32 to index
      %swap3A_246 = tpu.vector_load %arg6[%swap3A_245] masked %ge3A_235 {strides = array<i32>} : memref<8192xi32, #tpu.memory_space<vmem>>, vector<16xi32>, vector<16xi1>
      tpu.vector_store %arg6[%swap3A_245], %get3A_233 masked %ge3A_235 {strides = array<i32>} : memref<8192xi32, #tpu.memory_space<vmem>>, vector<16xi32>, vector<16xi1>
      %mul3A_247 = arith.constant 16 : i32
      %mul3A_248 = arith.muli %scan3A_229, %mul3A_247 : i32
      %add3A_249 = vector.broadcast %mul3A_248 : i32 to vector<16xi32>
      %add3A_250 = arith.addi %iota3A, %add3A_249 : vector<16xi32>
      %swap3A_251 = arith.index_cast %add3A_227 : i32 to index
      %swap3A_252 = tpu.vector_load %arg7[%swap3A_251] masked %ge3A_235 {strides = array<i32>} : memref<8192xi32, #tpu.memory_space<vmem>>, vector<16xi32>, vector<16xi1>
      tpu.vector_store %arg7[%swap3A_251], %add3A_250 masked %ge3A_235 {strides = array<i32>} : memref<8192xi32, #tpu.memory_space<vmem>>, vector<16xi32>, vector<16xi1>
      %jit3A_253 = arith.constant 1 : i32
      %jit3A_254 = arith.constant 0 : i32
      %broadcast_in_dim3A_255 = vector.broadcast %jit3A_253 : i32 to vector<16xi32>
      %broadcast_in_dim3A_256 = vector.broadcast %jit3A_254 : i32 to vector<16xi32>
      %select_n3A_257 = arith.select %ge3A_235, %broadcast_in_dim3A_255, %broadcast_in_dim3A_256 : vector<16xi1>, vector<16xi32>
      %reduce_sum3A_258 = arith.constant true
      %reduce_sum3A_259 = vector.broadcast %reduce_sum3A_258 : i1 to vector<16xi1>
      %reduce_sum3A_260 = tpu.scan <sum>, %select_n3A_257 masked %reduce_sum3A_259 : vector<16xi32>, vector<16xi1> -> vector<16xi32>
      %reduce_sum3A_261 = vector.extract %reduce_sum3A_260[15] : i32 from vector<16xi32>
      %add3A_262 = arith.addi %add3A_227, %reduce_sum3A_261 : i32
      %scan3A_263 = arith.constant 4 : i32
      %scan3A_264 = arith.addi %scan3A_125, %scan3A_263 : i32
      %mul3A_265 = arith.constant 16 : i32
      %mul3A_266 = arith.muli %scan3A_264, %mul3A_265 : i32
      %get3A_267 = arith.index_cast %mul3A_266 : i32 to index
      %get3A_268 = tpu.vector_load %arg5[%get3A_267] {strides = array<i32>} : memref<8192xi32, #tpu.memory_space<vmem>>, vector<16xi32>,
      %ge3A_269 = vector.broadcast %scan3A_31 : i32 to vector<16xi32>
      %ge3A_270 = arith.cmpi sge, %get3A_268, %ge3A_269 : vector<16xi32>
      %jit3A_271 = arith.constant 1.000000e+00 : f32
      %jit3A_272 = arith.constant 0.000000e+00 : f32
      %broadcast_in_dim3A_273 = vector.broadcast %jit3A_271 : f32 to vector<16xf32>
      %broadcast_in_dim3A_274 = vector.broadcast %jit3A_272 : f32 to vector<16xf32>
      %select_n3A_275 = arith.select %ge3A_270, %broadcast_in_dim3A_273, %broadcast_in_dim3A_274 : vector<16xi1>, vector<16xf32>
      %mul3A_276 = arith.constant 16 : i32
      %mul3A_277 = arith.muli %scan3A_264, %mul3A_276 : i32
      %swap3A_278 = arith.index_cast %mul3A_277 : i32 to index
      %swap3A_279 = tpu.vector_load %arg9[%swap3A_278] {strides = array<i32>} : memref<8192xf32, #tpu.memory_space<vmem>>, vector<16xf32>,
      tpu.vector_store %arg9[%swap3A_278], %select_n3A_275 {strides = array<i32>} : memref<8192xf32, #tpu.memory_space<vmem>>, vector<16xf32>,
      %swap3A_280 = arith.index_cast %add3A_262 : i32 to index
      %swap3A_281 = tpu.vector_load %arg6[%swap3A_280] masked %ge3A_270 {strides = array<i32>} : memref<8192xi32, #tpu.memory_space<vmem>>, vector<16xi32>, vector<16xi1>
      tpu.vector_store %arg6[%swap3A_280], %get3A_268 masked %ge3A_270 {strides = array<i32>} : memref<8192xi32, #tpu.memory_space<vmem>>, vector<16xi32>, vector<16xi1>
      %mul3A_282 = arith.constant 16 : i32
      %mul3A_283 = arith.muli %scan3A_264, %mul3A_282 : i32
      %add3A_284 = vector.broadcast %mul3A_283 : i32 to vector<16xi32>
      %add3A_285 = arith.addi %iota3A, %add3A_284 : vector<16xi32>
      %swap3A_286 = arith.index_cast %add3A_262 : i32 to index
      %swap3A_287 = tpu.vector_load %arg7[%swap3A_286] masked %ge3A_270 {strides = array<i32>} : memref<8192xi32, #tpu.memory_space<vmem>>, vector<16xi32>, vector<16xi1>
      tpu.vector_store %arg7[%swap3A_286], %add3A_285 masked %ge3A_270 {strides = array<i32>} : memref<8192xi32, #tpu.memory_space<vmem>>, vector<16xi32>, vector<16xi1>
      %jit3A_288 = arith.constant 1 : i32
      %jit3A_289 = arith.constant 0 : i32
      %broadcast_in_dim3A_290 = vector.broadcast %jit3A_288 : i32 to vector<16xi32>
      %broadcast_in_dim3A_291 = vector.broadcast %jit3A_289 : i32 to vector<16xi32>
      %select_n3A_292 = arith.select %ge3A_270, %broadcast_in_dim3A_290, %broadcast_in_dim3A_291 : vector<16xi1>, vector<16xi32>
      %reduce_sum3A_293 = arith.constant true
      %reduce_sum3A_294 = vector.broadcast %reduce_sum3A_293 : i1 to vector<16xi1>
      %reduce_sum3A_295 = tpu.scan <sum>, %select_n3A_292 masked %reduce_sum3A_294 : vector<16xi32>, vector<16xi1> -> vector<16xi32>
      %reduce_sum3A_296 = vector.extract %reduce_sum3A_295[15] : i32 from vector<16xi32>
      %add3A_297 = arith.addi %add3A_262, %reduce_sum3A_296 : i32
      %scan3A_298 = arith.constant 5 : i32
      %scan3A_299 = arith.addi %scan3A_125, %scan3A_298 : i32
      %mul3A_300 = arith.constant 16 : i32
      %mul3A_301 = arith.muli %scan3A_299, %mul3A_300 : i32
      %get3A_302 = arith.index_cast %mul3A_301 : i32 to index
      %get3A_303 = tpu.vector_load %arg5[%get3A_302] {strides = array<i32>} : memref<8192xi32, #tpu.memory_space<vmem>>, vector<16xi32>,
      %ge3A_304 = vector.broadcast %scan3A_31 : i32 to vector<16xi32>
      %ge3A_305 = arith.cmpi sge, %get3A_303, %ge3A_304 : vector<16xi32>
      %jit3A_306 = arith.constant 1.000000e+00 : f32
      %jit3A_307 = arith.constant 0.000000e+00 : f32
      %broadcast_in_dim3A_308 = vector.broadcast %jit3A_306 : f32 to vector<16xf32>
      %broadcast_in_dim3A_309 = vector.broadcast %jit3A_307 : f32 to vector<16xf32>
      %select_n3A_310 = arith.select %ge3A_305, %broadcast_in_dim3A_308, %broadcast_in_dim3A_309 : vector<16xi1>, vector<16xf32>
      %mul3A_311 = arith.constant 16 : i32
      %mul3A_312 = arith.muli %scan3A_299, %mul3A_311 : i32
      %swap3A_313 = arith.index_cast %mul3A_312 : i32 to index
      %swap3A_314 = tpu.vector_load %arg9[%swap3A_313] {strides = array<i32>} : memref<8192xf32, #tpu.memory_space<vmem>>, vector<16xf32>,
      tpu.vector_store %arg9[%swap3A_313], %select_n3A_310 {strides = array<i32>} : memref<8192xf32, #tpu.memory_space<vmem>>, vector<16xf32>,
      %swap3A_315 = arith.index_cast %add3A_297 : i32 to index
      %swap3A_316 = tpu.vector_load %arg6[%swap3A_315] masked %ge3A_305 {strides = array<i32>} : memref<8192xi32, #tpu.memory_space<vmem>>, vector<16xi32>, vector<16xi1>
      tpu.vector_store %arg6[%swap3A_315], %get3A_303 masked %ge3A_305 {strides = array<i32>} : memref<8192xi32, #tpu.memory_space<vmem>>, vector<16xi32>, vector<16xi1>
      %mul3A_317 = arith.constant 16 : i32
      %mul3A_318 = arith.muli %scan3A_299, %mul3A_317 : i32
      %add3A_319 = vector.broadcast %mul3A_318 : i32 to vector<16xi32>
      %add3A_320 = arith.addi %iota3A, %add3A_319 : vector<16xi32>
      %swap3A_321 = arith.index_cast %add3A_297 : i32 to index
      %swap3A_322 = tpu.vector_load %arg7[%swap3A_321] masked %ge3A_305 {strides = array<i32>} : memref<8192xi32, #tpu.memory_space<vmem>>, vector<16xi32>, vector<16xi1>
      tpu.vector_store %arg7[%swap3A_321], %add3A_320 masked %ge3A_305 {strides = array<i32>} : memref<8192xi32, #tpu.memory_space<vmem>>, vector<16xi32>, vector<16xi1>
      %jit3A_323 = arith.constant 1 : i32
      %jit3A_324 = arith.constant 0 : i32
      %broadcast_in_dim3A_325 = vector.broadcast %jit3A_323 : i32 to vector<16xi32>
      %broadcast_in_dim3A_326 = vector.broadcast %jit3A_324 : i32 to vector<16xi32>
      %select_n3A_327 = arith.select %ge3A_305, %broadcast_in_dim3A_325, %broadcast_in_dim3A_326 : vector<16xi1>, vector<16xi32>
      %reduce_sum3A_328 = arith.constant true
      %reduce_sum3A_329 = vector.broadcast %reduce_sum3A_328 : i1 to vector<16xi1>
      %reduce_sum3A_330 = tpu.scan <sum>, %select_n3A_327 masked %reduce_sum3A_329 : vector<16xi32>, vector<16xi1> -> vector<16xi32>
      %reduce_sum3A_331 = vector.extract %reduce_sum3A_330[15] : i32 from vector<16xi32>
      %add3A_332 = arith.addi %add3A_297, %reduce_sum3A_331 : i32
      %scan3A_333 = arith.constant 6 : i32
      %scan3A_334 = arith.addi %scan3A_125, %scan3A_333 : i32
      %mul3A_335 = arith.constant 16 : i32
      %mul3A_336 = arith.muli %scan3A_334, %mul3A_335 : i32
      %get3A_337 = arith.index_cast %mul3A_336 : i32 to index
      %get3A_338 = tpu.vector_load %arg5[%get3A_337] {strides = array<i32>} : memref<8192xi32, #tpu.memory_space<vmem>>, vector<16xi32>,
      %ge3A_339 = vector.broadcast %scan3A_31 : i32 to vector<16xi32>
      %ge3A_340 = arith.cmpi sge, %get3A_338, %ge3A_339 : vector<16xi32>
      %jit3A_341 = arith.constant 1.000000e+00 : f32
      %jit3A_342 = arith.constant 0.000000e+00 : f32
      %broadcast_in_dim3A_343 = vector.broadcast %jit3A_341 : f32 to vector<16xf32>
      %broadcast_in_dim3A_344 = vector.broadcast %jit3A_342 : f32 to vector<16xf32>
      %select_n3A_345 = arith.select %ge3A_340, %broadcast_in_dim3A_343, %broadcast_in_dim3A_344 : vector<16xi1>, vector<16xf32>
      %mul3A_346 = arith.constant 16 : i32
      %mul3A_347 = arith.muli %scan3A_334, %mul3A_346 : i32
      %swap3A_348 = arith.index_cast %mul3A_347 : i32 to index
      %swap3A_349 = tpu.vector_load %arg9[%swap3A_348] {strides = array<i32>} : memref<8192xf32, #tpu.memory_space<vmem>>, vector<16xf32>,
      tpu.vector_store %arg9[%swap3A_348], %select_n3A_345 {strides = array<i32>} : memref<8192xf32, #tpu.memory_space<vmem>>, vector<16xf32>,
      %swap3A_350 = arith.index_cast %add3A_332 : i32 to index
      %swap3A_351 = tpu.vector_load %arg6[%swap3A_350] masked %ge3A_340 {strides = array<i32>} : memref<8192xi32, #tpu.memory_space<vmem>>, vector<16xi32>, vector<16xi1>
      tpu.vector_store %arg6[%swap3A_350], %get3A_338 masked %ge3A_340 {strides = array<i32>} : memref<8192xi32, #tpu.memory_space<vmem>>, vector<16xi32>, vector<16xi1>
      %mul3A_352 = arith.constant 16 : i32
      %mul3A_353 = arith.muli %scan3A_334, %mul3A_352 : i32
      %add3A_354 = vector.broadcast %mul3A_353 : i32 to vector<16xi32>
      %add3A_355 = arith.addi %iota3A, %add3A_354 : vector<16xi32>
      %swap3A_356 = arith.index_cast %add3A_332 : i32 to index
      %swap3A_357 = tpu.vector_load %arg7[%swap3A_356] masked %ge3A_340 {strides = array<i32>} : memref<8192xi32, #tpu.memory_space<vmem>>, vector<16xi32>, vector<16xi1>
      tpu.vector_store %arg7[%swap3A_356], %add3A_355 masked %ge3A_340 {strides = array<i32>} : memref<8192xi32, #tpu.memory_space<vmem>>, vector<16xi32>, vector<16xi1>
      %jit3A_358 = arith.constant 1 : i32
      %jit3A_359 = arith.constant 0 : i32
      %broadcast_in_dim3A_360 = vector.broadcast %jit3A_358 : i32 to vector<16xi32>
      %broadcast_in_dim3A_361 = vector.broadcast %jit3A_359 : i32 to vector<16xi32>
      %select_n3A_362 = arith.select %ge3A_340, %broadcast_in_dim3A_360, %broadcast_in_dim3A_361 : vector<16xi1>, vector<16xi32>
      %reduce_sum3A_363 = arith.constant true
      %reduce_sum3A_364 = vector.broadcast %reduce_sum3A_363 : i1 to vector<16xi1>
      %reduce_sum3A_365 = tpu.scan <sum>, %select_n3A_362 masked %reduce_sum3A_364 : vector<16xi32>, vector<16xi1> -> vector<16xi32>
      %reduce_sum3A_366 = vector.extract %reduce_sum3A_365[15] : i32 from vector<16xi32>
      %add3A_367 = arith.addi %add3A_332, %reduce_sum3A_366 : i32
      %scan3A_368 = arith.constant 7 : i32
      %scan3A_369 = arith.addi %scan3A_125, %scan3A_368 : i32
      %mul3A_370 = arith.constant 16 : i32
      %mul3A_371 = arith.muli %scan3A_369, %mul3A_370 : i32
      %get3A_372 = arith.index_cast %mul3A_371 : i32 to index
      %get3A_373 = tpu.vector_load %arg5[%get3A_372] {strides = array<i32>} : memref<8192xi32, #tpu.memory_space<vmem>>, vector<16xi32>,
      %ge3A_374 = vector.broadcast %scan3A_31 : i32 to vector<16xi32>
      %ge3A_375 = arith.cmpi sge, %get3A_373, %ge3A_374 : vector<16xi32>
      %jit3A_376 = arith.constant 1.000000e+00 : f32
      %jit3A_377 = arith.constant 0.000000e+00 : f32
      %broadcast_in_dim3A_378 = vector.broadcast %jit3A_376 : f32 to vector<16xf32>
      %broadcast_in_dim3A_379 = vector.broadcast %jit3A_377 : f32 to vector<16xf32>
      %select_n3A_380 = arith.select %ge3A_375, %broadcast_in_dim3A_378, %broadcast_in_dim3A_379 : vector<16xi1>, vector<16xf32>
      %mul3A_381 = arith.constant 16 : i32
      %mul3A_382 = arith.muli %scan3A_369, %mul3A_381 : i32
      %swap3A_383 = arith.index_cast %mul3A_382 : i32 to index
      %swap3A_384 = tpu.vector_load %arg9[%swap3A_383] {strides = array<i32>} : memref<8192xf32, #tpu.memory_space<vmem>>, vector<16xf32>,
      tpu.vector_store %arg9[%swap3A_383], %select_n3A_380 {strides = array<i32>} : memref<8192xf32, #tpu.memory_space<vmem>>, vector<16xf32>,
      %swap3A_385 = arith.index_cast %add3A_367 : i32 to index
      %swap3A_386 = tpu.vector_load %arg6[%swap3A_385] masked %ge3A_375 {strides = array<i32>} : memref<8192xi32, #tpu.memory_space<vmem>>, vector<16xi32>, vector<16xi1>
      tpu.vector_store %arg6[%swap3A_385], %get3A_373 masked %ge3A_375 {strides = array<i32>} : memref<8192xi32, #tpu.memory_space<vmem>>, vector<16xi32>, vector<16xi1>
      %mul3A_387 = arith.constant 16 : i32
      %mul3A_388 = arith.muli %scan3A_369, %mul3A_387 : i32
      %add3A_389 = vector.broadcast %mul3A_388 : i32 to vector<16xi32>
      %add3A_390 = arith.addi %iota3A, %add3A_389 : vector<16xi32>
      %swap3A_391 = arith.index_cast %add3A_367 : i32 to index
      %swap3A_392 = tpu.vector_load %arg7[%swap3A_391] masked %ge3A_375 {strides = array<i32>} : memref<8192xi32, #tpu.memory_space<vmem>>, vector<16xi32>, vector<16xi1>
      tpu.vector_store %arg7[%swap3A_391], %add3A_390 masked %ge3A_375 {strides = array<i32>} : memref<8192xi32, #tpu.memory_space<vmem>>, vector<16xi32>, vector<16xi1>
      %jit3A_393 = arith.constant 1 : i32
      %jit3A_394 = arith.constant 0 : i32
      %broadcast_in_dim3A_395 = vector.broadcast %jit3A_393 : i32 to vector<16xi32>
      %broadcast_in_dim3A_396 = vector.broadcast %jit3A_394 : i32 to vector<16xi32>
      %select_n3A_397 = arith.select %ge3A_375, %broadcast_in_dim3A_395, %broadcast_in_dim3A_396 : vector<16xi1>, vector<16xi32>
      %reduce_sum3A_398 = arith.constant true
      %reduce_sum3A_399 = vector.broadcast %reduce_sum3A_398 : i1 to vector<16xi1>
      %reduce_sum3A_400 = tpu.scan <sum>, %select_n3A_397 masked %reduce_sum3A_399 : vector<16xi32>, vector<16xi1> -> vector<16xi32>
      %reduce_sum3A_401 = vector.extract %reduce_sum3A_400[15] : i32 from vector<16xi32>
      %add3A_402 = arith.addi %add3A_367, %reduce_sum3A_401 : i32
      scf.yield %add3A_402 : i32
    }
    %scan3A_39 = arith.constant 512 : i32
    %add3A_40 = arith.constant 16 : i32
    %add3A_41 = arith.addi %scan3A_38, %add3A_40 : i32
    %sub3A = arith.constant 1 : i32
    %sub3A_42 = arith.subi %add3A_41, %sub3A : i32
    %jit3A_43 = arith.constant 16 : i32
    %div3A = arith.divsi %sub3A_42, %jit3A_43 : i32
    %sign3A = arith.constant 0 : i32
    %sign3A_44 = arith.cmpi sgt, %sub3A_42, %sign3A : i32
    %sign3A_45 = arith.extui %sign3A_44 : i1 to i32
    %sign3A_46 = arith.constant 0 : i32
    %sign3A_47 = arith.cmpi slt, %sub3A_42, %sign3A_46 : i32
    %sign3A_48 = arith.extui %sign3A_47 : i1 to i32
    %sign3A_49 = arith.subi %sign3A_45, %sign3A_48 : i32
    %sign3A_50 = arith.constant 0 : i32
    %sign3A_51 = arith.cmpi sgt, %jit3A_43, %sign3A_50 : i32
    %sign3A_52 = arith.extui %sign3A_51 : i1 to i32
    %sign3A_53 = arith.constant 0 : i32
    %sign3A_54 = arith.cmpi slt, %jit3A_43, %sign3A_53 : i32
    %sign3A_55 = arith.extui %sign3A_54 : i1 to i32
    %sign3A_56 = arith.subi %sign3A_52, %sign3A_55 : i32
    %ne3A = arith.cmpi ne, %sign3A_49, %sign3A_56 : i32
    %rem3A = arith.remsi %sub3A_42, %jit3A_43 : i32
    %ne3A_57 = arith.constant 0 : i32
    %ne3A_58 = arith.cmpi ne, %rem3A, %ne3A_57 : i32
    %and3A = arith.andi %ne3A, %ne3A_58 : i1
    %sub3A_59 = arith.constant 1 : i32
    %sub3A_60 = arith.subi %div3A, %sub3A_59 : i32
    %select_n3A_61 = arith.select %and3A, %sub3A_60, %div3A : i32
    %while3A = arith.constant 0 : i32
    %while3A_62 = arith.constant 0 : i32
    %while3A_63 = arith.subi %select_n3A_61, %while3A_62 : i32
    %while3A_64 = arith.addi %while3A_62, %while3A_63 : i32
    %while3A_65 = arith.constant 1 : i32
    %while3A_66 = arith.divsi %while3A_63, %while3A_65 : i32
    %while3A_67 = arith.muli %while3A_66, %while3A_65 : i32
    %while3A_68 = arith.addi %while3A_62, %while3A_67 : i32
    %while3A_69 = arith.constant 1 : i32
    %while3A_70 = scf.for %while3A_125 = %while3A_62 to %while3A_68 step %while3A_69 iter_args(%while3A_126 = %broadcast_in_dim3A_0) -> (vector<16xi32>)  : i32 {
      %mul3A_127 = arith.constant 16 : i32
      %mul3A_128 = arith.muli %while3A_125, %mul3A_127 : i32
      %get3A = arith.index_cast %mul3A_128 : i32 to index
      %get3A_129 = tpu.vector_load %arg6[%get3A] {strides = array<i32>} : memref<8192xi32, #tpu.memory_space<vmem>>, vector<16xi32>,
      %mul3A_130 = arith.constant 16 : i32
      %mul3A_131 = arith.muli %while3A_125, %mul3A_130 : i32
      %add3A_132 = vector.broadcast %mul3A_131 : i32 to vector<16xi32>
      %add3A_133 = arith.addi %add3A_132, %iota3A : vector<16xi32>
      %lt3A = vector.broadcast %scan3A_38 : i32 to vector<16xi32>
      %lt3A_134 = arith.cmpi slt, %add3A_133, %lt3A : vector<16xi32>
      %ge3A_135 = vector.broadcast %while3A : i32 to vector<16xi32>
      %ge3A_136 = arith.cmpi sge, %get3A_129, %ge3A_135 : vector<16xi32>
      %and3A_137 = arith.andi %lt3A_134, %ge3A_136 : vector<16xi1>
      %jit3A_138 = arith.constant 1 : i32
      %jit3A_139 = arith.constant 0 : i32
      %broadcast_in_dim3A_140 = vector.broadcast %jit3A_138 : i32 to vector<16xi32>
      %broadcast_in_dim3A_141 = vector.broadcast %jit3A_139 : i32 to vector<16xi32>
      %select_n3A_142 = arith.select %and3A_137, %broadcast_in_dim3A_140, %broadcast_in_dim3A_141 : vector<16xi1>, vector<16xi32>
      %add3A_143 = arith.addi %while3A_126, %select_n3A_142 : vector<16xi32>
      scf.yield %add3A_143 : vector<16xi32>
    }
    %while3A_71 = arith.constant 1 : i32
    %while3A_72 = scf.for %while3A_125 = %while3A_68 to %while3A_64 step %while3A_71 iter_args(%while3A_126 = %while3A_70) -> (vector<16xi32>)  : i32 {
      %mul3A_127 = arith.constant 16 : i32
      %mul3A_128 = arith.muli %while3A_125, %mul3A_127 : i32
      %get3A = arith.index_cast %mul3A_128 : i32 to index
      %get3A_129 = tpu.vector_load %arg6[%get3A] {strides = array<i32>} : memref<8192xi32, #tpu.memory_space<vmem>>, vector<16xi32>,
      %mul3A_130 = arith.constant 16 : i32
      %mul3A_131 = arith.muli %while3A_125, %mul3A_130 : i32
      %add3A_132 = vector.broadcast %mul3A_131 : i32 to vector<16xi32>
      %add3A_133 = arith.addi %add3A_132, %iota3A : vector<16xi32>
      %lt3A = vector.broadcast %scan3A_38 : i32 to vector<16xi32>
      %lt3A_134 = arith.cmpi slt, %add3A_133, %lt3A : vector<16xi32>
      %ge3A_135 = vector.broadcast %while3A : i32 to vector<16xi32>
      %ge3A_136 = arith.cmpi sge, %get3A_129, %ge3A_135 : vector<16xi32>
      %and3A_137 = arith.andi %lt3A_134, %ge3A_136 : vector<16xi1>
      %jit3A_138 = arith.constant 1 : i32
      %jit3A_139 = arith.constant 0 : i32
      %broadcast_in_dim3A_140 = vector.broadcast %jit3A_138 : i32 to vector<16xi32>
      %broadcast_in_dim3A_141 = vector.broadcast %jit3A_139 : i32 to vector<16xi32>
      %select_n3A_142 = arith.select %and3A_137, %broadcast_in_dim3A_140, %broadcast_in_dim3A_141 : vector<16xi1>, vector<16xi32>
      %add3A_143 = arith.addi %while3A_126, %select_n3A_142 : vector<16xi32>
      scf.yield %add3A_143 : vector<16xi32>
    }
    %reduce_sum3A_73 = arith.constant true
    %reduce_sum3A_74 = vector.broadcast %reduce_sum3A_73 : i1 to vector<16xi1>
    %reduce_sum3A_75 = tpu.scan <sum>, %while3A_72 masked %reduce_sum3A_74 : vector<16xi32>, vector<16xi1> -> vector<16xi32>
    %reduce_sum3A_76 = vector.extract %reduce_sum3A_75[15] : i32 from vector<16xi32>
    %ge3A_77 = arith.constant 64 : i32
    %ge3A_78 = arith.cmpi sge, %reduce_sum3A_76, %ge3A_77 : i32
    %jit3A_79 = arith.constant 0 : i32
    %select_n3A_80 = arith.select %ge3A_78, %jit3A_79, %scan3A : i32
    %scan3A_81 = arith.constant 0 : i32
    %scan3A_82 = arith.constant 31 : i32
    %scan3A_83 = arith.addi %scan3A_81, %scan3A_82 : i32
    %scan3A_84 = arith.constant 1 : i32
    %scan3A_85 = scf.for %scan3A_125 = %scan3A_81 to %scan3A_83 step %scan3A_84 iter_args(%scan3A_126 = %select_n3A_80) -> (i32)  : i32 {
      %sub3A_127 = arith.constant 30 : i32
      %sub3A_128 = arith.subi %sub3A_127, %scan3A_125 : i32
      %shift_left3A = arith.constant 1 : i32
      %shift_left3A_129 = arith.shli %shift_left3A, %sub3A_128 : i32
      %or3A = arith.ori %scan3A_126, %shift_left3A_129 : i32
      %while3A_130 = arith.constant 0 : i32
      %while3A_131 = arith.subi %select_n3A_61, %while3A_130 : i32
      %while3A_132 = arith.addi %while3A_130, %while3A_131 : i32
      %while3A_133 = arith.constant 1 : i32
      %while3A_134 = arith.divsi %while3A_131, %while3A_133 : i32
      %while3A_135 = arith.muli %while3A_134, %while3A_133 : i32
      %while3A_136 = arith.addi %while3A_130, %while3A_135 : i32
      %while3A_137 = arith.constant 1 : i32
      %while3A_138 = scf.for %while3A_148 = %while3A_130 to %while3A_136 step %while3A_137 iter_args(%while3A_149 = %broadcast_in_dim3A_0) -> (vector<16xi32>)  : i32 {
        %mul3A_150 = arith.constant 16 : i32
        %mul3A_151 = arith.muli %while3A_148, %mul3A_150 : i32
        %get3A = arith.index_cast %mul3A_151 : i32 to index
        %get3A_152 = tpu.vector_load %arg6[%get3A] {strides = array<i32>} : memref<8192xi32, #tpu.memory_space<vmem>>, vector<16xi32>,
        %mul3A_153 = arith.constant 16 : i32
        %mul3A_154 = arith.muli %while3A_148, %mul3A_153 : i32
        %add3A_155 = vector.broadcast %mul3A_154 : i32 to vector<16xi32>
        %add3A_156 = arith.addi %add3A_155, %iota3A : vector<16xi32>
        %lt3A = vector.broadcast %scan3A_38 : i32 to vector<16xi32>
        %lt3A_157 = arith.cmpi slt, %add3A_156, %lt3A : vector<16xi32>
        %ge3A_158 = vector.broadcast %or3A : i32 to vector<16xi32>
        %ge3A_159 = arith.cmpi sge, %get3A_152, %ge3A_158 : vector<16xi32>
        %and3A_160 = arith.andi %lt3A_157, %ge3A_159 : vector<16xi1>
        %jit3A_161 = arith.constant 1 : i32
        %jit3A_162 = arith.constant 0 : i32
        %broadcast_in_dim3A_163 = vector.broadcast %jit3A_161 : i32 to vector<16xi32>
        %broadcast_in_dim3A_164 = vector.broadcast %jit3A_162 : i32 to vector<16xi32>
        %select_n3A_165 = arith.select %and3A_160, %broadcast_in_dim3A_163, %broadcast_in_dim3A_164 : vector<16xi1>, vector<16xi32>
        %add3A_166 = arith.addi %while3A_149, %select_n3A_165 : vector<16xi32>
        scf.yield %add3A_166 : vector<16xi32>
      }
      %while3A_139 = arith.constant 1 : i32
      %while3A_140 = scf.for %while3A_148 = %while3A_136 to %while3A_132 step %while3A_139 iter_args(%while3A_149 = %while3A_138) -> (vector<16xi32>)  : i32 {
        %mul3A_150 = arith.constant 16 : i32
        %mul3A_151 = arith.muli %while3A_148, %mul3A_150 : i32
        %get3A = arith.index_cast %mul3A_151 : i32 to index
        %get3A_152 = tpu.vector_load %arg6[%get3A] {strides = array<i32>} : memref<8192xi32, #tpu.memory_space<vmem>>, vector<16xi32>,
        %mul3A_153 = arith.constant 16 : i32
        %mul3A_154 = arith.muli %while3A_148, %mul3A_153 : i32
        %add3A_155 = vector.broadcast %mul3A_154 : i32 to vector<16xi32>
        %add3A_156 = arith.addi %add3A_155, %iota3A : vector<16xi32>
        %lt3A = vector.broadcast %scan3A_38 : i32 to vector<16xi32>
        %lt3A_157 = arith.cmpi slt, %add3A_156, %lt3A : vector<16xi32>
        %ge3A_158 = vector.broadcast %or3A : i32 to vector<16xi32>
        %ge3A_159 = arith.cmpi sge, %get3A_152, %ge3A_158 : vector<16xi32>
        %and3A_160 = arith.andi %lt3A_157, %ge3A_159 : vector<16xi1>
        %jit3A_161 = arith.constant 1 : i32
        %jit3A_162 = arith.constant 0 : i32
        %broadcast_in_dim3A_163 = vector.broadcast %jit3A_161 : i32 to vector<16xi32>
        %broadcast_in_dim3A_164 = vector.broadcast %jit3A_162 : i32 to vector<16xi32>
        %select_n3A_165 = arith.select %and3A_160, %broadcast_in_dim3A_163, %broadcast_in_dim3A_164 : vector<16xi1>, vector<16xi32>
        %add3A_166 = arith.addi %while3A_149, %select_n3A_165 : vector<16xi32>
        scf.yield %add3A_166 : vector<16xi32>
      }
      %reduce_sum3A_141 = arith.constant true
      %reduce_sum3A_142 = vector.broadcast %reduce_sum3A_141 : i1 to vector<16xi1>
      %reduce_sum3A_143 = tpu.scan <sum>, %while3A_140 masked %reduce_sum3A_142 : vector<16xi32>, vector<16xi1> -> vector<16xi32>
      %reduce_sum3A_144 = vector.extract %reduce_sum3A_143[15] : i32 from vector<16xi32>
      %ge3A_145 = arith.constant 64 : i32
      %ge3A_146 = arith.cmpi sge, %reduce_sum3A_144, %ge3A_145 : i32
      %select_n3A_147 = arith.select %ge3A_146, %or3A, %scan3A_126 : i32
      scf.yield %select_n3A_147 : i32
    }
    %scan3A_86 = arith.constant 31 : i32
    %while3A_87 = arith.constant 0 : i32
    %while3A_88 = arith.subi %select_n3A_61, %while3A_87 : i32
    %while3A_89 = arith.addi %while3A_87, %while3A_88 : i32
    %while3A_90 = arith.constant 1 : i32
    %while3A_91 = arith.divsi %while3A_88, %while3A_90 : i32
    %while3A_92 = arith.muli %while3A_91, %while3A_90 : i32
    %while3A_93 = arith.addi %while3A_87, %while3A_92 : i32
    %while3A_94 = arith.constant 1 : i32
    %while3A_95 = scf.for %while3A_125 = %while3A_87 to %while3A_93 step %while3A_94 iter_args(%while3A_126 = %broadcast_in_dim3A_0) -> (vector<16xi32>)  : i32 {
      %mul3A_127 = arith.constant 16 : i32
      %mul3A_128 = arith.muli %while3A_125, %mul3A_127 : i32
      %get3A = arith.index_cast %mul3A_128 : i32 to index
      %get3A_129 = tpu.vector_load %arg6[%get3A] {strides = array<i32>} : memref<8192xi32, #tpu.memory_space<vmem>>, vector<16xi32>,
      %mul3A_130 = arith.constant 16 : i32
      %mul3A_131 = arith.muli %while3A_125, %mul3A_130 : i32
      %add3A_132 = vector.broadcast %mul3A_131 : i32 to vector<16xi32>
      %add3A_133 = arith.addi %add3A_132, %iota3A : vector<16xi32>
      %lt3A = vector.broadcast %scan3A_38 : i32 to vector<16xi32>
      %lt3A_134 = arith.cmpi slt, %add3A_133, %lt3A : vector<16xi32>
      %gt3A = vector.broadcast %scan3A_85 : i32 to vector<16xi32>
      %gt3A_135 = arith.cmpi sgt, %get3A_129, %gt3A : vector<16xi32>
      %and3A_136 = arith.andi %lt3A_134, %gt3A_135 : vector<16xi1>
      %jit3A_137 = arith.constant 1 : i32
      %jit3A_138 = arith.constant 0 : i32
      %broadcast_in_dim3A_139 = vector.broadcast %jit3A_137 : i32 to vector<16xi32>
      %broadcast_in_dim3A_140 = vector.broadcast %jit3A_138 : i32 to vector<16xi32>
      %select_n3A_141 = arith.select %and3A_136, %broadcast_in_dim3A_139, %broadcast_in_dim3A_140 : vector<16xi1>, vector<16xi32>
      %add3A_142 = arith.addi %while3A_126, %select_n3A_141 : vector<16xi32>
      scf.yield %add3A_142 : vector<16xi32>
    }
    %while3A_96 = arith.constant 1 : i32
    %while3A_97 = scf.for %while3A_125 = %while3A_93 to %while3A_89 step %while3A_96 iter_args(%while3A_126 = %while3A_95) -> (vector<16xi32>)  : i32 {
      %mul3A_127 = arith.constant 16 : i32
      %mul3A_128 = arith.muli %while3A_125, %mul3A_127 : i32
      %get3A = arith.index_cast %mul3A_128 : i32 to index
      %get3A_129 = tpu.vector_load %arg6[%get3A] {strides = array<i32>} : memref<8192xi32, #tpu.memory_space<vmem>>, vector<16xi32>,
      %mul3A_130 = arith.constant 16 : i32
      %mul3A_131 = arith.muli %while3A_125, %mul3A_130 : i32
      %add3A_132 = vector.broadcast %mul3A_131 : i32 to vector<16xi32>
      %add3A_133 = arith.addi %add3A_132, %iota3A : vector<16xi32>
      %lt3A = vector.broadcast %scan3A_38 : i32 to vector<16xi32>
      %lt3A_134 = arith.cmpi slt, %add3A_133, %lt3A : vector<16xi32>
      %gt3A = vector.broadcast %scan3A_85 : i32 to vector<16xi32>
      %gt3A_135 = arith.cmpi sgt, %get3A_129, %gt3A : vector<16xi32>
      %and3A_136 = arith.andi %lt3A_134, %gt3A_135 : vector<16xi1>
      %jit3A_137 = arith.constant 1 : i32
      %jit3A_138 = arith.constant 0 : i32
      %broadcast_in_dim3A_139 = vector.broadcast %jit3A_137 : i32 to vector<16xi32>
      %broadcast_in_dim3A_140 = vector.broadcast %jit3A_138 : i32 to vector<16xi32>
      %select_n3A_141 = arith.select %and3A_136, %broadcast_in_dim3A_139, %broadcast_in_dim3A_140 : vector<16xi1>, vector<16xi32>
      %add3A_142 = arith.addi %while3A_126, %select_n3A_141 : vector<16xi32>
      scf.yield %add3A_142 : vector<16xi32>
    }
    %reduce_sum3A_98 = arith.constant true
    %reduce_sum3A_99 = vector.broadcast %reduce_sum3A_98 : i1 to vector<16xi1>
    %reduce_sum3A_100 = tpu.scan <sum>, %while3A_97 masked %reduce_sum3A_99 : vector<16xi32>, vector<16xi1> -> vector<16xi32>
    %reduce_sum3A_101 = vector.extract %reduce_sum3A_100[15] : i32 from vector<16xi32>
    %sub3A_102 = arith.constant 64 : i32
    %sub3A_103 = arith.subi %sub3A_102, %reduce_sum3A_101 : i32
    %scan3A_104 = arith.constant 0 : i32
    %scan3A_105 = arith.constant 0 : i32
    %scan3A_106 = arith.constant 13 : i32
    %scan3A_107 = arith.addi %scan3A_105, %scan3A_106 : i32
    %scan3A_108 = arith.constant 1 : i32
    %scan3A_109 = scf.for %scan3A_125 = %scan3A_105 to %scan3A_107 step %scan3A_108 iter_args(%scan3A_126 = %scan3A_104) -> (i32)  : i32 {
      %sub3A_127 = arith.constant 12 : i32
      %sub3A_128 = arith.subi %sub3A_127, %scan3A_125 : i32
      %shift_left3A = arith.constant 1 : i32
      %shift_left3A_129 = arith.shli %shift_left3A, %sub3A_128 : i32
      %or3A = arith.ori %scan3A_126, %shift_left3A_129 : i32
      %while3A_130 = arith.constant 0 : i32
      %while3A_131 = arith.subi %select_n3A_61, %while3A_130 : i32
      %while3A_132 = arith.addi %while3A_130, %while3A_131 : i32
      %while3A_133 = arith.constant 1 : i32
      %while3A_134 = arith.divsi %while3A_131, %while3A_133 : i32
      %while3A_135 = arith.muli %while3A_134, %while3A_133 : i32
      %while3A_136 = arith.addi %while3A_130, %while3A_135 : i32
      %while3A_137 = arith.constant 1 : i32
      %while3A_138 = scf.for %while3A_147 = %while3A_130 to %while3A_136 step %while3A_137 iter_args(%while3A_148 = %broadcast_in_dim3A_0) -> (vector<16xi32>)  : i32 {
        %mul3A_149 = arith.constant 16 : i32
        %mul3A_150 = arith.muli %while3A_147, %mul3A_149 : i32
        %get3A = arith.index_cast %mul3A_150 : i32 to index
        %get3A_151 = tpu.vector_load %arg6[%get3A] {strides = array<i32>} : memref<8192xi32, #tpu.memory_space<vmem>>, vector<16xi32>,
        %mul3A_152 = arith.constant 16 : i32
        %mul3A_153 = arith.muli %while3A_147, %mul3A_152 : i32
        %get3A_154 = arith.index_cast %mul3A_153 : i32 to index
        %get3A_155 = tpu.vector_load %arg7[%get3A_154] {strides = array<i32>} : memref<8192xi32, #tpu.memory_space<vmem>>, vector<16xi32>,
        %mul3A_156 = arith.constant 16 : i32
        %mul3A_157 = arith.muli %while3A_147, %mul3A_156 : i32
        %add3A_158 = vector.broadcast %mul3A_157 : i32 to vector<16xi32>
        %add3A_159 = arith.addi %add3A_158, %iota3A : vector<16xi32>
        %lt3A = vector.broadcast %scan3A_38 : i32 to vector<16xi32>
        %lt3A_160 = arith.cmpi slt, %add3A_159, %lt3A : vector<16xi32>
        %eq3A = vector.broadcast %scan3A_85 : i32 to vector<16xi32>
        %eq3A_161 = arith.cmpi eq, %get3A_151, %eq3A : vector<16xi32>
        %and3A_162 = arith.andi %lt3A_160, %eq3A_161 : vector<16xi1>
        %sub3A_163 = arith.constant 8191 : i32
        %sub3A_164 = vector.broadcast %sub3A_163 : i32 to vector<16xi32>
        %sub3A_165 = arith.subi %sub3A_164, %get3A_155 : vector<16xi32>
        %jit3A_166 = arith.constant -1 : i32
        %broadcast_in_dim3A_167 = vector.broadcast %jit3A_166 : i32 to vector<16xi32>
        %select_n3A_168 = arith.select %and3A_162, %sub3A_165, %broadcast_in_dim3A_167 : vector<16xi1>, vector<16xi32>
        %ge3A_169 = vector.broadcast %or3A : i32 to vector<16xi32>
        %ge3A_170 = arith.cmpi sge, %select_n3A_168, %ge3A_169 : vector<16xi32>
        %jit3A_171 = arith.constant 1 : i32
        %jit3A_172 = arith.constant 0 : i32
        %broadcast_in_dim3A_173 = vector.broadcast %jit3A_171 : i32 to vector<16xi32>
        %broadcast_in_dim3A_174 = vector.broadcast %jit3A_172 : i32 to vector<16xi32>
        %select_n3A_175 = arith.select %ge3A_170, %broadcast_in_dim3A_173, %broadcast_in_dim3A_174 : vector<16xi1>, vector<16xi32>
        %add3A_176 = arith.addi %while3A_148, %select_n3A_175 : vector<16xi32>
        scf.yield %add3A_176 : vector<16xi32>
      }
      %while3A_139 = arith.constant 1 : i32
      %while3A_140 = scf.for %while3A_147 = %while3A_136 to %while3A_132 step %while3A_139 iter_args(%while3A_148 = %while3A_138) -> (vector<16xi32>)  : i32 {
        %mul3A_149 = arith.constant 16 : i32
        %mul3A_150 = arith.muli %while3A_147, %mul3A_149 : i32
        %get3A = arith.index_cast %mul3A_150 : i32 to index
        %get3A_151 = tpu.vector_load %arg6[%get3A] {strides = array<i32>} : memref<8192xi32, #tpu.memory_space<vmem>>, vector<16xi32>,
        %mul3A_152 = arith.constant 16 : i32
        %mul3A_153 = arith.muli %while3A_147, %mul3A_152 : i32
        %get3A_154 = arith.index_cast %mul3A_153 : i32 to index
        %get3A_155 = tpu.vector_load %arg7[%get3A_154] {strides = array<i32>} : memref<8192xi32, #tpu.memory_space<vmem>>, vector<16xi32>,
        %mul3A_156 = arith.constant 16 : i32
        %mul3A_157 = arith.muli %while3A_147, %mul3A_156 : i32
        %add3A_158 = vector.broadcast %mul3A_157 : i32 to vector<16xi32>
        %add3A_159 = arith.addi %add3A_158, %iota3A : vector<16xi32>
        %lt3A = vector.broadcast %scan3A_38 : i32 to vector<16xi32>
        %lt3A_160 = arith.cmpi slt, %add3A_159, %lt3A : vector<16xi32>
        %eq3A = vector.broadcast %scan3A_85 : i32 to vector<16xi32>
        %eq3A_161 = arith.cmpi eq, %get3A_151, %eq3A : vector<16xi32>
        %and3A_162 = arith.andi %lt3A_160, %eq3A_161 : vector<16xi1>
        %sub3A_163 = arith.constant 8191 : i32
        %sub3A_164 = vector.broadcast %sub3A_163 : i32 to vector<16xi32>
        %sub3A_165 = arith.subi %sub3A_164, %get3A_155 : vector<16xi32>
        %jit3A_166 = arith.constant -1 : i32
        %broadcast_in_dim3A_167 = vector.broadcast %jit3A_166 : i32 to vector<16xi32>
        %select_n3A_168 = arith.select %and3A_162, %sub3A_165, %broadcast_in_dim3A_167 : vector<16xi1>, vector<16xi32>
        %ge3A_169 = vector.broadcast %or3A : i32 to vector<16xi32>
        %ge3A_170 = arith.cmpi sge, %select_n3A_168, %ge3A_169 : vector<16xi32>
        %jit3A_171 = arith.constant 1 : i32
        %jit3A_172 = arith.constant 0 : i32
        %broadcast_in_dim3A_173 = vector.broadcast %jit3A_171 : i32 to vector<16xi32>
        %broadcast_in_dim3A_174 = vector.broadcast %jit3A_172 : i32 to vector<16xi32>
        %select_n3A_175 = arith.select %ge3A_170, %broadcast_in_dim3A_173, %broadcast_in_dim3A_174 : vector<16xi1>, vector<16xi32>
        %add3A_176 = arith.addi %while3A_148, %select_n3A_175 : vector<16xi32>
        scf.yield %add3A_176 : vector<16xi32>
      }
      %reduce_sum3A_141 = arith.constant true
      %reduce_sum3A_142 = vector.broadcast %reduce_sum3A_141 : i1 to vector<16xi1>
      %reduce_sum3A_143 = tpu.scan <sum>, %while3A_140 masked %reduce_sum3A_142 : vector<16xi32>, vector<16xi1> -> vector<16xi32>
      %reduce_sum3A_144 = vector.extract %reduce_sum3A_143[15] : i32 from vector<16xi32>
      %ge3A_145 = arith.cmpi sge, %reduce_sum3A_144, %sub3A_103 : i32
      %select_n3A_146 = arith.select %ge3A_145, %or3A, %scan3A_126 : i32
      scf.yield %select_n3A_146 : i32
    }
    %scan3A_110 = arith.constant 13 : i32
    %while3A_111 = arith.constant 0 : i32
    %while3A_112 = arith.constant 0 : i32
    %while3A_113 = arith.subi %select_n3A_61, %while3A_111 : i32
    %while3A_114 = arith.addi %while3A_111, %while3A_113 : i32
    %while3A_115 = arith.constant 1 : i32
    %while3A_116 = arith.divsi %while3A_113, %while3A_115 : i32
    %while3A_117 = arith.muli %while3A_116, %while3A_115 : i32
    %while3A_118 = arith.addi %while3A_111, %while3A_117 : i32
    %while3A_119 = arith.constant 1 : i32
    %while3A_120 = scf.for %while3A_125 = %while3A_111 to %while3A_118 step %while3A_119 iter_args(%while3A_126 = %while3A_112) -> (i32)  : i32 {
      %mul3A_127 = arith.constant 16 : i32
      %mul3A_128 = arith.muli %while3A_125, %mul3A_127 : i32
      %get3A = arith.index_cast %mul3A_128 : i32 to index
      %get3A_129 = tpu.vector_load %arg6[%get3A] {strides = array<i32>} : memref<8192xi32, #tpu.memory_space<vmem>>, vector<16xi32>,
      %mul3A_130 = arith.constant 16 : i32
      %mul3A_131 = arith.muli %while3A_125, %mul3A_130 : i32
      %get3A_132 = arith.index_cast %mul3A_131 : i32 to index
      %get3A_133 = tpu.vector_load %arg7[%get3A_132] {strides = array<i32>} : memref<8192xi32, #tpu.memory_space<vmem>>, vector<16xi32>,
      %mul3A_134 = arith.constant 16 : i32
      %mul3A_135 = arith.muli %while3A_125, %mul3A_134 : i32
      %add3A_136 = vector.broadcast %mul3A_135 : i32 to vector<16xi32>
      %add3A_137 = arith.addi %add3A_136, %iota3A : vector<16xi32>
      %lt3A = vector.broadcast %scan3A_38 : i32 to vector<16xi32>
      %lt3A_138 = arith.cmpi slt, %add3A_137, %lt3A : vector<16xi32>
      %eq3A = vector.broadcast %scan3A_85 : i32 to vector<16xi32>
      %eq3A_139 = arith.cmpi eq, %get3A_129, %eq3A : vector<16xi32>
      %sub3A_140 = arith.constant 8191 : i32
      %sub3A_141 = vector.broadcast %sub3A_140 : i32 to vector<16xi32>
      %sub3A_142 = arith.subi %sub3A_141, %get3A_133 : vector<16xi32>
      %jit3A_143 = arith.constant -1 : i32
      %broadcast_in_dim3A_144 = vector.broadcast %jit3A_143 : i32 to vector<16xi32>
      %select_n3A_145 = arith.select %eq3A_139, %sub3A_142, %broadcast_in_dim3A_144 : vector<16xi1>, vector<16xi32>
      %gt3A = vector.broadcast %scan3A_85 : i32 to vector<16xi32>
      %gt3A_146 = arith.cmpi sgt, %get3A_129, %gt3A : vector<16xi32>
      %ge3A_147 = vector.broadcast %scan3A_109 : i32 to vector<16xi32>
      %ge3A_148 = arith.cmpi sge, %select_n3A_145, %ge3A_147 : vector<16xi32>
      %or3A = arith.ori %gt3A_146, %ge3A_148 : vector<16xi1>
      %jit3A_149 = arith.constant 1.000000e+00 : f32
      %jit3A_150 = arith.constant 0.000000e+00 : f32
      %broadcast_in_dim3A_151 = vector.broadcast %jit3A_149 : f32 to vector<16xf32>
      %broadcast_in_dim3A_152 = vector.broadcast %jit3A_150 : f32 to vector<16xf32>
      %select_n3A_153 = arith.select %or3A, %broadcast_in_dim3A_151, %broadcast_in_dim3A_152 : vector<16xi1>, vector<16xf32>
      tpu.vector_store_idx %arg9[%get3A_133], %select_n3A_153 masked %lt3A_138 : memref<8192xf32, #tpu.memory_space<vmem>>[vector<16xi32>], vector<16xf32>, vector<16xi1>
      %while3A_154 = arith.constant 0 : i32
      scf.yield %while3A_154 : i32
    }
    %while3A_121 = arith.constant 1 : i32
    %while3A_122 = scf.for %while3A_125 = %while3A_118 to %while3A_114 step %while3A_121 iter_args(%while3A_126 = %while3A_120) -> (i32)  : i32 {
      %mul3A_127 = arith.constant 16 : i32
      %mul3A_128 = arith.muli %while3A_125, %mul3A_127 : i32
      %get3A = arith.index_cast %mul3A_128 : i32 to index
      %get3A_129 = tpu.vector_load %arg6[%get3A] {strides = array<i32>} : memref<8192xi32, #tpu.memory_space<vmem>>, vector<16xi32>,
      %mul3A_130 = arith.constant 16 : i32
      %mul3A_131 = arith.muli %while3A_125, %mul3A_130 : i32
      %get3A_132 = arith.index_cast %mul3A_131 : i32 to index
      %get3A_133 = tpu.vector_load %arg7[%get3A_132] {strides = array<i32>} : memref<8192xi32, #tpu.memory_space<vmem>>, vector<16xi32>,
      %mul3A_134 = arith.constant 16 : i32
      %mul3A_135 = arith.muli %while3A_125, %mul3A_134 : i32
      %add3A_136 = vector.broadcast %mul3A_135 : i32 to vector<16xi32>
      %add3A_137 = arith.addi %add3A_136, %iota3A : vector<16xi32>
      %lt3A = vector.broadcast %scan3A_38 : i32 to vector<16xi32>
      %lt3A_138 = arith.cmpi slt, %add3A_137, %lt3A : vector<16xi32>
      %eq3A = vector.broadcast %scan3A_85 : i32 to vector<16xi32>
      %eq3A_139 = arith.cmpi eq, %get3A_129, %eq3A : vector<16xi32>
      %sub3A_140 = arith.constant 8191 : i32
      %sub3A_141 = vector.broadcast %sub3A_140 : i32 to vector<16xi32>
      %sub3A_142 = arith.subi %sub3A_141, %get3A_133 : vector<16xi32>
      %jit3A_143 = arith.constant -1 : i32
      %broadcast_in_dim3A_144 = vector.broadcast %jit3A_143 : i32 to vector<16xi32>
      %select_n3A_145 = arith.select %eq3A_139, %sub3A_142, %broadcast_in_dim3A_144 : vector<16xi1>, vector<16xi32>
      %gt3A = vector.broadcast %scan3A_85 : i32 to vector<16xi32>
      %gt3A_146 = arith.cmpi sgt, %get3A_129, %gt3A : vector<16xi32>
      %ge3A_147 = vector.broadcast %scan3A_109 : i32 to vector<16xi32>
      %ge3A_148 = arith.cmpi sge, %select_n3A_145, %ge3A_147 : vector<16xi32>
      %or3A = arith.ori %gt3A_146, %ge3A_148 : vector<16xi1>
      %jit3A_149 = arith.constant 1.000000e+00 : f32
      %jit3A_150 = arith.constant 0.000000e+00 : f32
      %broadcast_in_dim3A_151 = vector.broadcast %jit3A_149 : f32 to vector<16xf32>
      %broadcast_in_dim3A_152 = vector.broadcast %jit3A_150 : f32 to vector<16xf32>
      %select_n3A_153 = arith.select %or3A, %broadcast_in_dim3A_151, %broadcast_in_dim3A_152 : vector<16xi1>, vector<16xf32>
      tpu.vector_store_idx %arg9[%get3A_133], %select_n3A_153 masked %lt3A_138 : memref<8192xf32, #tpu.memory_space<vmem>>[vector<16xi32>], vector<16xf32>, vector<16xi1>
      %while3A_154 = arith.constant 0 : i32
      scf.yield %while3A_154 : i32
    }
    "tpu.region"() ({
      %run_scoped3A = tpu.sem_alloc : memref<!tpu.dma_semaphore, #tpu.memory_space<semaphore_mem>>
      %dma_start3A = arith.constant 0 : i32
      %dma_start3A_125 = tpu.memref_slice %arg3[%add3A_6, %dma_start3A] : memref<32x8192xf32, #tpu.memory_space<hbm>> -> memref<1x8192xf32, #tpu.memory_space<hbm>>
      %dma_start3A_126 = tpu.memref_squeeze %dma_start3A_125 : memref<1x8192xf32, #tpu.memory_space<hbm>> -> memref<8192xf32, #tpu.memory_space<hbm>>
      %dma_start3A_127 = arith.constant 0 : i32
      %dma_start3A_128 = tpu.memref_slice %arg3[%add3A_6, %dma_start3A_127] : memref<32x8192xf32, #tpu.memory_space<hbm>> -> memref<1x8192xf32, #tpu.memory_space<hbm>>
      %dma_start3A_129 = tpu.memref_squeeze %dma_start3A_128 : memref<1x8192xf32, #tpu.memory_space<hbm>> -> memref<8192xf32, #tpu.memory_space<hbm>>
      tpu.enqueue_dma source(%arg9 : memref<8192xf32, #tpu.memory_space<vmem>>) target(%dma_start3A_129 : memref<8192xf32, #tpu.memory_space<hbm>>) target_semaphore(%run_scoped3A : memref<!tpu.dma_semaphore, #tpu.memory_space<semaphore_mem>>)
      %dma_wait3A = arith.constant 0 : i32
      %dma_wait3A_130 = tpu.memref_slice %arg3[%add3A_6, %dma_wait3A] : memref<32x8192xf32, #tpu.memory_space<hbm>> -> memref<1x8192xf32, #tpu.memory_space<hbm>>
      %dma_wait3A_131 = tpu.memref_squeeze %dma_wait3A_130 : memref<1x8192xf32, #tpu.memory_space<hbm>> -> memref<8192xf32, #tpu.memory_space<hbm>>
      %dma_wait3A_132 = arith.constant 0 : i32
      %dma_wait3A_133 = tpu.memref_slice %arg3[%add3A_6, %dma_wait3A_132] : memref<32x8192xf32, #tpu.memory_space<hbm>> -> memref<1x8192xf32, #tpu.memory_space<hbm>>
      %dma_wait3A_134 = tpu.memref_squeeze %dma_wait3A_133 : memref<1x8192xf32, #tpu.memory_space<hbm>> -> memref<8192xf32, #tpu.memory_space<hbm>>
      tpu.wait_dma2 semaphore(%run_scoped3A : memref<!tpu.dma_semaphore, #tpu.memory_space<semaphore_mem>>) src(%arg9 : memref<8192xf32, #tpu.memory_space<vmem>>) dst(%dma_wait3A_134 : memref<8192xf32, #tpu.memory_space<hbm>>)
      tpu.yield
    }) : () -> ()
    %scan3A_123 = arith.constant 0 : i32
    %scan3A_124 = arith.constant 1 : i32
    return
  }
}

module attributes {stable_mosaic.version = 14 : i64} {
  func.func @_tc_body(%arg0: i32, %arg1: memref<96x8192xf32, #tpu.memory_space<vmem>>, %arg2: memref<96x8192xf32, #tpu.memory_space<vmem>>) attributes {dimension_semantics = [#tpu.dimension_semantics<arbitrary>], iteration_bounds = array<i64: 1>, scalar_prefetch = 0 : i64, scratch_operands = 0 : i64, tpu.core_type = #tpu.core_type<tc>, window_params = [{transform_indices = @transform_0, window_bounds = array<i64: 96, 8192>}, {transform_indices = @transform_1, window_bounds = array<i64: 96, 8192>}]} {
    %get3A = arith.constant 0 : index
    %get3A_0 = arith.constant 0 : index
    %get3A_1 = vector.load %arg1[%get3A, %get3A_0] : memref<96x8192xf32, #tpu.memory_space<vmem>>, vector<96x8192xf32>
    %bitcast_convert_type3A = tpu.bitcast %get3A_1 : vector<96x8192xf32> -> vector<96x8192xi32>
    %lt3A = arith.constant 0 : i32
    %lt3A_2 = vector.broadcast %lt3A : i32 to vector<96x8192xi32>
    %lt3A_3 = arith.cmpi slt, %bitcast_convert_type3A, %lt3A_2 : vector<96x8192xi32>
    %xor3A = arith.constant 2147483647 : i32
    %xor3A_4 = vector.broadcast %xor3A : i32 to vector<96x8192xi32>
    %xor3A_5 = arith.xori %bitcast_convert_type3A, %xor3A_4 : vector<96x8192xi32>
    %select_n3A = arith.select %lt3A_3, %xor3A_5, %bitcast_convert_type3A : vector<96x8192xi1>, vector<96x8192xi32>
    %ge3A = arith.constant 0 : i32
    %ge3A_6 = vector.broadcast %ge3A : i32 to vector<96x8192xi32>
    %ge3A_7 = arith.cmpi sge, %select_n3A, %ge3A_6 : vector<96x8192xi32>
    %convert_element_type3A = arith.extui %ge3A_7 : vector<96x8192xi1> to vector<96x8192xi32>
    %reduce_sum3A = arith.constant dense<0> : vector<96xi32>
    %reduce_sum3A_8 = vector.multi_reduction <add>, %convert_element_type3A, %reduce_sum3A [1] : vector<96x8192xi32> to vector<96xi32>
    %broadcast_in_dim3A = vector.shape_cast %reduce_sum3A_8 : vector<96xi32> to vector<96x1xi32>
    %ge3A_9 = arith.constant 64 : i32
    %ge3A_10 = vector.broadcast %ge3A_9 : i32 to vector<96x1xi32>
    %ge3A_11 = arith.cmpi sge, %broadcast_in_dim3A, %ge3A_10 : vector<96x1xi32>
    %jit3A = arith.constant 0 : i32
    %jit3A_12 = arith.constant -2147483648 : i32
    %broadcast_in_dim3A_13 = vector.broadcast %jit3A : i32 to vector<96x1xi32>
    %broadcast_in_dim3A_14 = vector.broadcast %jit3A_12 : i32 to vector<96x1xi32>
    %select_n3A_15 = arith.select %ge3A_11, %broadcast_in_dim3A_13, %broadcast_in_dim3A_14 : vector<96x1xi1>, vector<96x1xi32>
    %scan3A = arith.constant 0 : i32
    %sub3A = arith.constant 30 : i32
    %sub3A_16 = arith.subi %sub3A, %scan3A : i32
    %shift_left3A = arith.constant 1 : i32
    %shift_left3A_17 = arith.shli %shift_left3A, %sub3A_16 : i32
    %or3A = vector.broadcast %shift_left3A_17 : i32 to vector<96x1xi32>
    %or3A_18 = arith.ori %select_n3A_15, %or3A : vector<96x1xi32>
    %ge3A_19 = vector.broadcast %or3A_18 : vector<96x1xi32> to vector<96x8192xi32>
    %ge3A_20 = arith.cmpi sge, %select_n3A, %ge3A_19 : vector<96x8192xi32>
    %convert_element_type3A_21 = arith.extui %ge3A_20 : vector<96x8192xi1> to vector<96x8192xi32>
    %reduce_sum3A_22 = arith.constant dense<0> : vector<96xi32>
    %reduce_sum3A_23 = vector.multi_reduction <add>, %convert_element_type3A_21, %reduce_sum3A_22 [1] : vector<96x8192xi32> to vector<96xi32>
    %broadcast_in_dim3A_24 = vector.shape_cast %reduce_sum3A_23 : vector<96xi32> to vector<96x1xi32>
    %ge3A_25 = arith.constant 64 : i32
    %ge3A_26 = vector.broadcast %ge3A_25 : i32 to vector<96x1xi32>
    %ge3A_27 = arith.cmpi sge, %broadcast_in_dim3A_24, %ge3A_26 : vector<96x1xi32>
    %select_n3A_28 = arith.select %ge3A_27, %or3A_18, %select_n3A_15 : vector<96x1xi1>, vector<96x1xi32>
    %scan3A_29 = arith.constant 1 : i32
    %sub3A_30 = arith.constant 30 : i32
    %sub3A_31 = arith.subi %sub3A_30, %scan3A_29 : i32
    %shift_left3A_32 = arith.constant 1 : i32
    %shift_left3A_33 = arith.shli %shift_left3A_32, %sub3A_31 : i32
    %or3A_34 = vector.broadcast %shift_left3A_33 : i32 to vector<96x1xi32>
    %or3A_35 = arith.ori %select_n3A_28, %or3A_34 : vector<96x1xi32>
    %ge3A_36 = vector.broadcast %or3A_35 : vector<96x1xi32> to vector<96x8192xi32>
    %ge3A_37 = arith.cmpi sge, %select_n3A, %ge3A_36 : vector<96x8192xi32>
    %convert_element_type3A_38 = arith.extui %ge3A_37 : vector<96x8192xi1> to vector<96x8192xi32>
    %reduce_sum3A_39 = arith.constant dense<0> : vector<96xi32>
    %reduce_sum3A_40 = vector.multi_reduction <add>, %convert_element_type3A_38, %reduce_sum3A_39 [1] : vector<96x8192xi32> to vector<96xi32>
    %broadcast_in_dim3A_41 = vector.shape_cast %reduce_sum3A_40 : vector<96xi32> to vector<96x1xi32>
    %ge3A_42 = arith.constant 64 : i32
    %ge3A_43 = vector.broadcast %ge3A_42 : i32 to vector<96x1xi32>
    %ge3A_44 = arith.cmpi sge, %broadcast_in_dim3A_41, %ge3A_43 : vector<96x1xi32>
    %select_n3A_45 = arith.select %ge3A_44, %or3A_35, %select_n3A_28 : vector<96x1xi1>, vector<96x1xi32>
    %scan3A_46 = arith.constant 2 : i32
    %sub3A_47 = arith.constant 30 : i32
    %sub3A_48 = arith.subi %sub3A_47, %scan3A_46 : i32
    %shift_left3A_49 = arith.constant 1 : i32
    %shift_left3A_50 = arith.shli %shift_left3A_49, %sub3A_48 : i32
    %or3A_51 = vector.broadcast %shift_left3A_50 : i32 to vector<96x1xi32>
    %or3A_52 = arith.ori %select_n3A_45, %or3A_51 : vector<96x1xi32>
    %ge3A_53 = vector.broadcast %or3A_52 : vector<96x1xi32> to vector<96x8192xi32>
    %ge3A_54 = arith.cmpi sge, %select_n3A, %ge3A_53 : vector<96x8192xi32>
    %convert_element_type3A_55 = arith.extui %ge3A_54 : vector<96x8192xi1> to vector<96x8192xi32>
    %reduce_sum3A_56 = arith.constant dense<0> : vector<96xi32>
    %reduce_sum3A_57 = vector.multi_reduction <add>, %convert_element_type3A_55, %reduce_sum3A_56 [1] : vector<96x8192xi32> to vector<96xi32>
    %broadcast_in_dim3A_58 = vector.shape_cast %reduce_sum3A_57 : vector<96xi32> to vector<96x1xi32>
    %ge3A_59 = arith.constant 64 : i32
    %ge3A_60 = vector.broadcast %ge3A_59 : i32 to vector<96x1xi32>
    %ge3A_61 = arith.cmpi sge, %broadcast_in_dim3A_58, %ge3A_60 : vector<96x1xi32>
    %select_n3A_62 = arith.select %ge3A_61, %or3A_52, %select_n3A_45 : vector<96x1xi1>, vector<96x1xi32>
    %scan3A_63 = arith.constant 3 : i32
    %sub3A_64 = arith.constant 30 : i32
    %sub3A_65 = arith.subi %sub3A_64, %scan3A_63 : i32
    %shift_left3A_66 = arith.constant 1 : i32
    %shift_left3A_67 = arith.shli %shift_left3A_66, %sub3A_65 : i32
    %or3A_68 = vector.broadcast %shift_left3A_67 : i32 to vector<96x1xi32>
    %or3A_69 = arith.ori %select_n3A_62, %or3A_68 : vector<96x1xi32>
    %ge3A_70 = vector.broadcast %or3A_69 : vector<96x1xi32> to vector<96x8192xi32>
    %ge3A_71 = arith.cmpi sge, %select_n3A, %ge3A_70 : vector<96x8192xi32>
    %convert_element_type3A_72 = arith.extui %ge3A_71 : vector<96x8192xi1> to vector<96x8192xi32>
    %reduce_sum3A_73 = arith.constant dense<0> : vector<96xi32>
    %reduce_sum3A_74 = vector.multi_reduction <add>, %convert_element_type3A_72, %reduce_sum3A_73 [1] : vector<96x8192xi32> to vector<96xi32>
    %broadcast_in_dim3A_75 = vector.shape_cast %reduce_sum3A_74 : vector<96xi32> to vector<96x1xi32>
    %ge3A_76 = arith.constant 64 : i32
    %ge3A_77 = vector.broadcast %ge3A_76 : i32 to vector<96x1xi32>
    %ge3A_78 = arith.cmpi sge, %broadcast_in_dim3A_75, %ge3A_77 : vector<96x1xi32>
    %select_n3A_79 = arith.select %ge3A_78, %or3A_69, %select_n3A_62 : vector<96x1xi1>, vector<96x1xi32>
    %scan3A_80 = arith.constant 4 : i32
    %sub3A_81 = arith.constant 30 : i32
    %sub3A_82 = arith.subi %sub3A_81, %scan3A_80 : i32
    %shift_left3A_83 = arith.constant 1 : i32
    %shift_left3A_84 = arith.shli %shift_left3A_83, %sub3A_82 : i32
    %or3A_85 = vector.broadcast %shift_left3A_84 : i32 to vector<96x1xi32>
    %or3A_86 = arith.ori %select_n3A_79, %or3A_85 : vector<96x1xi32>
    %ge3A_87 = vector.broadcast %or3A_86 : vector<96x1xi32> to vector<96x8192xi32>
    %ge3A_88 = arith.cmpi sge, %select_n3A, %ge3A_87 : vector<96x8192xi32>
    %convert_element_type3A_89 = arith.extui %ge3A_88 : vector<96x8192xi1> to vector<96x8192xi32>
    %reduce_sum3A_90 = arith.constant dense<0> : vector<96xi32>
    %reduce_sum3A_91 = vector.multi_reduction <add>, %convert_element_type3A_89, %reduce_sum3A_90 [1] : vector<96x8192xi32> to vector<96xi32>
    %broadcast_in_dim3A_92 = vector.shape_cast %reduce_sum3A_91 : vector<96xi32> to vector<96x1xi32>
    %ge3A_93 = arith.constant 64 : i32
    %ge3A_94 = vector.broadcast %ge3A_93 : i32 to vector<96x1xi32>
    %ge3A_95 = arith.cmpi sge, %broadcast_in_dim3A_92, %ge3A_94 : vector<96x1xi32>
    %select_n3A_96 = arith.select %ge3A_95, %or3A_86, %select_n3A_79 : vector<96x1xi1>, vector<96x1xi32>
    %scan3A_97 = arith.constant 5 : i32
    %sub3A_98 = arith.constant 30 : i32
    %sub3A_99 = arith.subi %sub3A_98, %scan3A_97 : i32
    %shift_left3A_100 = arith.constant 1 : i32
    %shift_left3A_101 = arith.shli %shift_left3A_100, %sub3A_99 : i32
    %or3A_102 = vector.broadcast %shift_left3A_101 : i32 to vector<96x1xi32>
    %or3A_103 = arith.ori %select_n3A_96, %or3A_102 : vector<96x1xi32>
    %ge3A_104 = vector.broadcast %or3A_103 : vector<96x1xi32> to vector<96x8192xi32>
    %ge3A_105 = arith.cmpi sge, %select_n3A, %ge3A_104 : vector<96x8192xi32>
    %convert_element_type3A_106 = arith.extui %ge3A_105 : vector<96x8192xi1> to vector<96x8192xi32>
    %reduce_sum3A_107 = arith.constant dense<0> : vector<96xi32>
    %reduce_sum3A_108 = vector.multi_reduction <add>, %convert_element_type3A_106, %reduce_sum3A_107 [1] : vector<96x8192xi32> to vector<96xi32>
    %broadcast_in_dim3A_109 = vector.shape_cast %reduce_sum3A_108 : vector<96xi32> to vector<96x1xi32>
    %ge3A_110 = arith.constant 64 : i32
    %ge3A_111 = vector.broadcast %ge3A_110 : i32 to vector<96x1xi32>
    %ge3A_112 = arith.cmpi sge, %broadcast_in_dim3A_109, %ge3A_111 : vector<96x1xi32>
    %select_n3A_113 = arith.select %ge3A_112, %or3A_103, %select_n3A_96 : vector<96x1xi1>, vector<96x1xi32>
    %scan3A_114 = arith.constant 6 : i32
    %sub3A_115 = arith.constant 30 : i32
    %sub3A_116 = arith.subi %sub3A_115, %scan3A_114 : i32
    %shift_left3A_117 = arith.constant 1 : i32
    %shift_left3A_118 = arith.shli %shift_left3A_117, %sub3A_116 : i32
    %or3A_119 = vector.broadcast %shift_left3A_118 : i32 to vector<96x1xi32>
    %or3A_120 = arith.ori %select_n3A_113, %or3A_119 : vector<96x1xi32>
    %ge3A_121 = vector.broadcast %or3A_120 : vector<96x1xi32> to vector<96x8192xi32>
    %ge3A_122 = arith.cmpi sge, %select_n3A, %ge3A_121 : vector<96x8192xi32>
    %convert_element_type3A_123 = arith.extui %ge3A_122 : vector<96x8192xi1> to vector<96x8192xi32>
    %reduce_sum3A_124 = arith.constant dense<0> : vector<96xi32>
    %reduce_sum3A_125 = vector.multi_reduction <add>, %convert_element_type3A_123, %reduce_sum3A_124 [1] : vector<96x8192xi32> to vector<96xi32>
    %broadcast_in_dim3A_126 = vector.shape_cast %reduce_sum3A_125 : vector<96xi32> to vector<96x1xi32>
    %ge3A_127 = arith.constant 64 : i32
    %ge3A_128 = vector.broadcast %ge3A_127 : i32 to vector<96x1xi32>
    %ge3A_129 = arith.cmpi sge, %broadcast_in_dim3A_126, %ge3A_128 : vector<96x1xi32>
    %select_n3A_130 = arith.select %ge3A_129, %or3A_120, %select_n3A_113 : vector<96x1xi1>, vector<96x1xi32>
    %scan3A_131 = arith.constant 7 : i32
    %sub3A_132 = arith.constant 30 : i32
    %sub3A_133 = arith.subi %sub3A_132, %scan3A_131 : i32
    %shift_left3A_134 = arith.constant 1 : i32
    %shift_left3A_135 = arith.shli %shift_left3A_134, %sub3A_133 : i32
    %or3A_136 = vector.broadcast %shift_left3A_135 : i32 to vector<96x1xi32>
    %or3A_137 = arith.ori %select_n3A_130, %or3A_136 : vector<96x1xi32>
    %ge3A_138 = vector.broadcast %or3A_137 : vector<96x1xi32> to vector<96x8192xi32>
    %ge3A_139 = arith.cmpi sge, %select_n3A, %ge3A_138 : vector<96x8192xi32>
    %convert_element_type3A_140 = arith.extui %ge3A_139 : vector<96x8192xi1> to vector<96x8192xi32>
    %reduce_sum3A_141 = arith.constant dense<0> : vector<96xi32>
    %reduce_sum3A_142 = vector.multi_reduction <add>, %convert_element_type3A_140, %reduce_sum3A_141 [1] : vector<96x8192xi32> to vector<96xi32>
    %broadcast_in_dim3A_143 = vector.shape_cast %reduce_sum3A_142 : vector<96xi32> to vector<96x1xi32>
    %ge3A_144 = arith.constant 64 : i32
    %ge3A_145 = vector.broadcast %ge3A_144 : i32 to vector<96x1xi32>
    %ge3A_146 = arith.cmpi sge, %broadcast_in_dim3A_143, %ge3A_145 : vector<96x1xi32>
    %select_n3A_147 = arith.select %ge3A_146, %or3A_137, %select_n3A_130 : vector<96x1xi1>, vector<96x1xi32>
    %scan3A_148 = arith.constant 8 : i32
    %sub3A_149 = arith.constant 30 : i32
    %sub3A_150 = arith.subi %sub3A_149, %scan3A_148 : i32
    %shift_left3A_151 = arith.constant 1 : i32
    %shift_left3A_152 = arith.shli %shift_left3A_151, %sub3A_150 : i32
    %or3A_153 = vector.broadcast %shift_left3A_152 : i32 to vector<96x1xi32>
    %or3A_154 = arith.ori %select_n3A_147, %or3A_153 : vector<96x1xi32>
    %ge3A_155 = vector.broadcast %or3A_154 : vector<96x1xi32> to vector<96x8192xi32>
    %ge3A_156 = arith.cmpi sge, %select_n3A, %ge3A_155 : vector<96x8192xi32>
    %convert_element_type3A_157 = arith.extui %ge3A_156 : vector<96x8192xi1> to vector<96x8192xi32>
    %reduce_sum3A_158 = arith.constant dense<0> : vector<96xi32>
    %reduce_sum3A_159 = vector.multi_reduction <add>, %convert_element_type3A_157, %reduce_sum3A_158 [1] : vector<96x8192xi32> to vector<96xi32>
    %broadcast_in_dim3A_160 = vector.shape_cast %reduce_sum3A_159 : vector<96xi32> to vector<96x1xi32>
    %ge3A_161 = arith.constant 64 : i32
    %ge3A_162 = vector.broadcast %ge3A_161 : i32 to vector<96x1xi32>
    %ge3A_163 = arith.cmpi sge, %broadcast_in_dim3A_160, %ge3A_162 : vector<96x1xi32>
    %select_n3A_164 = arith.select %ge3A_163, %or3A_154, %select_n3A_147 : vector<96x1xi1>, vector<96x1xi32>
    %scan3A_165 = arith.constant 9 : i32
    %sub3A_166 = arith.constant 30 : i32
    %sub3A_167 = arith.subi %sub3A_166, %scan3A_165 : i32
    %shift_left3A_168 = arith.constant 1 : i32
    %shift_left3A_169 = arith.shli %shift_left3A_168, %sub3A_167 : i32
    %or3A_170 = vector.broadcast %shift_left3A_169 : i32 to vector<96x1xi32>
    %or3A_171 = arith.ori %select_n3A_164, %or3A_170 : vector<96x1xi32>
    %ge3A_172 = vector.broadcast %or3A_171 : vector<96x1xi32> to vector<96x8192xi32>
    %ge3A_173 = arith.cmpi sge, %select_n3A, %ge3A_172 : vector<96x8192xi32>
    %convert_element_type3A_174 = arith.extui %ge3A_173 : vector<96x8192xi1> to vector<96x8192xi32>
    %reduce_sum3A_175 = arith.constant dense<0> : vector<96xi32>
    %reduce_sum3A_176 = vector.multi_reduction <add>, %convert_element_type3A_174, %reduce_sum3A_175 [1] : vector<96x8192xi32> to vector<96xi32>
    %broadcast_in_dim3A_177 = vector.shape_cast %reduce_sum3A_176 : vector<96xi32> to vector<96x1xi32>
    %ge3A_178 = arith.constant 64 : i32
    %ge3A_179 = vector.broadcast %ge3A_178 : i32 to vector<96x1xi32>
    %ge3A_180 = arith.cmpi sge, %broadcast_in_dim3A_177, %ge3A_179 : vector<96x1xi32>
    %select_n3A_181 = arith.select %ge3A_180, %or3A_171, %select_n3A_164 : vector<96x1xi1>, vector<96x1xi32>
    %scan3A_182 = arith.constant 10 : i32
    %sub3A_183 = arith.constant 30 : i32
    %sub3A_184 = arith.subi %sub3A_183, %scan3A_182 : i32
    %shift_left3A_185 = arith.constant 1 : i32
    %shift_left3A_186 = arith.shli %shift_left3A_185, %sub3A_184 : i32
    %or3A_187 = vector.broadcast %shift_left3A_186 : i32 to vector<96x1xi32>
    %or3A_188 = arith.ori %select_n3A_181, %or3A_187 : vector<96x1xi32>
    %ge3A_189 = vector.broadcast %or3A_188 : vector<96x1xi32> to vector<96x8192xi32>
    %ge3A_190 = arith.cmpi sge, %select_n3A, %ge3A_189 : vector<96x8192xi32>
    %convert_element_type3A_191 = arith.extui %ge3A_190 : vector<96x8192xi1> to vector<96x8192xi32>
    %reduce_sum3A_192 = arith.constant dense<0> : vector<96xi32>
    %reduce_sum3A_193 = vector.multi_reduction <add>, %convert_element_type3A_191, %reduce_sum3A_192 [1] : vector<96x8192xi32> to vector<96xi32>
    %broadcast_in_dim3A_194 = vector.shape_cast %reduce_sum3A_193 : vector<96xi32> to vector<96x1xi32>
    %ge3A_195 = arith.constant 64 : i32
    %ge3A_196 = vector.broadcast %ge3A_195 : i32 to vector<96x1xi32>
    %ge3A_197 = arith.cmpi sge, %broadcast_in_dim3A_194, %ge3A_196 : vector<96x1xi32>
    %select_n3A_198 = arith.select %ge3A_197, %or3A_188, %select_n3A_181 : vector<96x1xi1>, vector<96x1xi32>
    %scan3A_199 = arith.constant 11 : i32
    %sub3A_200 = arith.constant 30 : i32
    %sub3A_201 = arith.subi %sub3A_200, %scan3A_199 : i32
    %shift_left3A_202 = arith.constant 1 : i32
    %shift_left3A_203 = arith.shli %shift_left3A_202, %sub3A_201 : i32
    %or3A_204 = vector.broadcast %shift_left3A_203 : i32 to vector<96x1xi32>
    %or3A_205 = arith.ori %select_n3A_198, %or3A_204 : vector<96x1xi32>
    %ge3A_206 = vector.broadcast %or3A_205 : vector<96x1xi32> to vector<96x8192xi32>
    %ge3A_207 = arith.cmpi sge, %select_n3A, %ge3A_206 : vector<96x8192xi32>
    %convert_element_type3A_208 = arith.extui %ge3A_207 : vector<96x8192xi1> to vector<96x8192xi32>
    %reduce_sum3A_209 = arith.constant dense<0> : vector<96xi32>
    %reduce_sum3A_210 = vector.multi_reduction <add>, %convert_element_type3A_208, %reduce_sum3A_209 [1] : vector<96x8192xi32> to vector<96xi32>
    %broadcast_in_dim3A_211 = vector.shape_cast %reduce_sum3A_210 : vector<96xi32> to vector<96x1xi32>
    %ge3A_212 = arith.constant 64 : i32
    %ge3A_213 = vector.broadcast %ge3A_212 : i32 to vector<96x1xi32>
    %ge3A_214 = arith.cmpi sge, %broadcast_in_dim3A_211, %ge3A_213 : vector<96x1xi32>
    %select_n3A_215 = arith.select %ge3A_214, %or3A_205, %select_n3A_198 : vector<96x1xi1>, vector<96x1xi32>
    %scan3A_216 = arith.constant 12 : i32
    %sub3A_217 = arith.constant 30 : i32
    %sub3A_218 = arith.subi %sub3A_217, %scan3A_216 : i32
    %shift_left3A_219 = arith.constant 1 : i32
    %shift_left3A_220 = arith.shli %shift_left3A_219, %sub3A_218 : i32
    %or3A_221 = vector.broadcast %shift_left3A_220 : i32 to vector<96x1xi32>
    %or3A_222 = arith.ori %select_n3A_215, %or3A_221 : vector<96x1xi32>
    %ge3A_223 = vector.broadcast %or3A_222 : vector<96x1xi32> to vector<96x8192xi32>
    %ge3A_224 = arith.cmpi sge, %select_n3A, %ge3A_223 : vector<96x8192xi32>
    %convert_element_type3A_225 = arith.extui %ge3A_224 : vector<96x8192xi1> to vector<96x8192xi32>
    %reduce_sum3A_226 = arith.constant dense<0> : vector<96xi32>
    %reduce_sum3A_227 = vector.multi_reduction <add>, %convert_element_type3A_225, %reduce_sum3A_226 [1] : vector<96x8192xi32> to vector<96xi32>
    %broadcast_in_dim3A_228 = vector.shape_cast %reduce_sum3A_227 : vector<96xi32> to vector<96x1xi32>
    %ge3A_229 = arith.constant 64 : i32
    %ge3A_230 = vector.broadcast %ge3A_229 : i32 to vector<96x1xi32>
    %ge3A_231 = arith.cmpi sge, %broadcast_in_dim3A_228, %ge3A_230 : vector<96x1xi32>
    %select_n3A_232 = arith.select %ge3A_231, %or3A_222, %select_n3A_215 : vector<96x1xi1>, vector<96x1xi32>
    %scan3A_233 = arith.constant 13 : i32
    %sub3A_234 = arith.constant 30 : i32
    %sub3A_235 = arith.subi %sub3A_234, %scan3A_233 : i32
    %shift_left3A_236 = arith.constant 1 : i32
    %shift_left3A_237 = arith.shli %shift_left3A_236, %sub3A_235 : i32
    %or3A_238 = vector.broadcast %shift_left3A_237 : i32 to vector<96x1xi32>
    %or3A_239 = arith.ori %select_n3A_232, %or3A_238 : vector<96x1xi32>
    %ge3A_240 = vector.broadcast %or3A_239 : vector<96x1xi32> to vector<96x8192xi32>
    %ge3A_241 = arith.cmpi sge, %select_n3A, %ge3A_240 : vector<96x8192xi32>
    %convert_element_type3A_242 = arith.extui %ge3A_241 : vector<96x8192xi1> to vector<96x8192xi32>
    %reduce_sum3A_243 = arith.constant dense<0> : vector<96xi32>
    %reduce_sum3A_244 = vector.multi_reduction <add>, %convert_element_type3A_242, %reduce_sum3A_243 [1] : vector<96x8192xi32> to vector<96xi32>
    %broadcast_in_dim3A_245 = vector.shape_cast %reduce_sum3A_244 : vector<96xi32> to vector<96x1xi32>
    %ge3A_246 = arith.constant 64 : i32
    %ge3A_247 = vector.broadcast %ge3A_246 : i32 to vector<96x1xi32>
    %ge3A_248 = arith.cmpi sge, %broadcast_in_dim3A_245, %ge3A_247 : vector<96x1xi32>
    %select_n3A_249 = arith.select %ge3A_248, %or3A_239, %select_n3A_232 : vector<96x1xi1>, vector<96x1xi32>
    %scan3A_250 = arith.constant 14 : i32
    %sub3A_251 = arith.constant 30 : i32
    %sub3A_252 = arith.subi %sub3A_251, %scan3A_250 : i32
    %shift_left3A_253 = arith.constant 1 : i32
    %shift_left3A_254 = arith.shli %shift_left3A_253, %sub3A_252 : i32
    %or3A_255 = vector.broadcast %shift_left3A_254 : i32 to vector<96x1xi32>
    %or3A_256 = arith.ori %select_n3A_249, %or3A_255 : vector<96x1xi32>
    %ge3A_257 = vector.broadcast %or3A_256 : vector<96x1xi32> to vector<96x8192xi32>
    %ge3A_258 = arith.cmpi sge, %select_n3A, %ge3A_257 : vector<96x8192xi32>
    %convert_element_type3A_259 = arith.extui %ge3A_258 : vector<96x8192xi1> to vector<96x8192xi32>
    %reduce_sum3A_260 = arith.constant dense<0> : vector<96xi32>
    %reduce_sum3A_261 = vector.multi_reduction <add>, %convert_element_type3A_259, %reduce_sum3A_260 [1] : vector<96x8192xi32> to vector<96xi32>
    %broadcast_in_dim3A_262 = vector.shape_cast %reduce_sum3A_261 : vector<96xi32> to vector<96x1xi32>
    %ge3A_263 = arith.constant 64 : i32
    %ge3A_264 = vector.broadcast %ge3A_263 : i32 to vector<96x1xi32>
    %ge3A_265 = arith.cmpi sge, %broadcast_in_dim3A_262, %ge3A_264 : vector<96x1xi32>
    %select_n3A_266 = arith.select %ge3A_265, %or3A_256, %select_n3A_249 : vector<96x1xi1>, vector<96x1xi32>
    %scan3A_267 = arith.constant 15 : i32
    %sub3A_268 = arith.constant 30 : i32
    %sub3A_269 = arith.subi %sub3A_268, %scan3A_267 : i32
    %shift_left3A_270 = arith.constant 1 : i32
    %shift_left3A_271 = arith.shli %shift_left3A_270, %sub3A_269 : i32
    %or3A_272 = vector.broadcast %shift_left3A_271 : i32 to vector<96x1xi32>
    %or3A_273 = arith.ori %select_n3A_266, %or3A_272 : vector<96x1xi32>
    %ge3A_274 = vector.broadcast %or3A_273 : vector<96x1xi32> to vector<96x8192xi32>
    %ge3A_275 = arith.cmpi sge, %select_n3A, %ge3A_274 : vector<96x8192xi32>
    %convert_element_type3A_276 = arith.extui %ge3A_275 : vector<96x8192xi1> to vector<96x8192xi32>
    %reduce_sum3A_277 = arith.constant dense<0> : vector<96xi32>
    %reduce_sum3A_278 = vector.multi_reduction <add>, %convert_element_type3A_276, %reduce_sum3A_277 [1] : vector<96x8192xi32> to vector<96xi32>
    %broadcast_in_dim3A_279 = vector.shape_cast %reduce_sum3A_278 : vector<96xi32> to vector<96x1xi32>
    %ge3A_280 = arith.constant 64 : i32
    %ge3A_281 = vector.broadcast %ge3A_280 : i32 to vector<96x1xi32>
    %ge3A_282 = arith.cmpi sge, %broadcast_in_dim3A_279, %ge3A_281 : vector<96x1xi32>
    %select_n3A_283 = arith.select %ge3A_282, %or3A_273, %select_n3A_266 : vector<96x1xi1>, vector<96x1xi32>
    %scan3A_284 = arith.constant 16 : i32
    %sub3A_285 = arith.constant 30 : i32
    %sub3A_286 = arith.subi %sub3A_285, %scan3A_284 : i32
    %shift_left3A_287 = arith.constant 1 : i32
    %shift_left3A_288 = arith.shli %shift_left3A_287, %sub3A_286 : i32
    %or3A_289 = vector.broadcast %shift_left3A_288 : i32 to vector<96x1xi32>
    %or3A_290 = arith.ori %select_n3A_283, %or3A_289 : vector<96x1xi32>
    %ge3A_291 = vector.broadcast %or3A_290 : vector<96x1xi32> to vector<96x8192xi32>
    %ge3A_292 = arith.cmpi sge, %select_n3A, %ge3A_291 : vector<96x8192xi32>
    %convert_element_type3A_293 = arith.extui %ge3A_292 : vector<96x8192xi1> to vector<96x8192xi32>
    %reduce_sum3A_294 = arith.constant dense<0> : vector<96xi32>
    %reduce_sum3A_295 = vector.multi_reduction <add>, %convert_element_type3A_293, %reduce_sum3A_294 [1] : vector<96x8192xi32> to vector<96xi32>
    %broadcast_in_dim3A_296 = vector.shape_cast %reduce_sum3A_295 : vector<96xi32> to vector<96x1xi32>
    %ge3A_297 = arith.constant 64 : i32
    %ge3A_298 = vector.broadcast %ge3A_297 : i32 to vector<96x1xi32>
    %ge3A_299 = arith.cmpi sge, %broadcast_in_dim3A_296, %ge3A_298 : vector<96x1xi32>
    %select_n3A_300 = arith.select %ge3A_299, %or3A_290, %select_n3A_283 : vector<96x1xi1>, vector<96x1xi32>
    %scan3A_301 = arith.constant 17 : i32
    %sub3A_302 = arith.constant 30 : i32
    %sub3A_303 = arith.subi %sub3A_302, %scan3A_301 : i32
    %shift_left3A_304 = arith.constant 1 : i32
    %shift_left3A_305 = arith.shli %shift_left3A_304, %sub3A_303 : i32
    %or3A_306 = vector.broadcast %shift_left3A_305 : i32 to vector<96x1xi32>
    %or3A_307 = arith.ori %select_n3A_300, %or3A_306 : vector<96x1xi32>
    %ge3A_308 = vector.broadcast %or3A_307 : vector<96x1xi32> to vector<96x8192xi32>
    %ge3A_309 = arith.cmpi sge, %select_n3A, %ge3A_308 : vector<96x8192xi32>
    %convert_element_type3A_310 = arith.extui %ge3A_309 : vector<96x8192xi1> to vector<96x8192xi32>
    %reduce_sum3A_311 = arith.constant dense<0> : vector<96xi32>
    %reduce_sum3A_312 = vector.multi_reduction <add>, %convert_element_type3A_310, %reduce_sum3A_311 [1] : vector<96x8192xi32> to vector<96xi32>
    %broadcast_in_dim3A_313 = vector.shape_cast %reduce_sum3A_312 : vector<96xi32> to vector<96x1xi32>
    %ge3A_314 = arith.constant 64 : i32
    %ge3A_315 = vector.broadcast %ge3A_314 : i32 to vector<96x1xi32>
    %ge3A_316 = arith.cmpi sge, %broadcast_in_dim3A_313, %ge3A_315 : vector<96x1xi32>
    %select_n3A_317 = arith.select %ge3A_316, %or3A_307, %select_n3A_300 : vector<96x1xi1>, vector<96x1xi32>
    %scan3A_318 = arith.constant 18 : i32
    %sub3A_319 = arith.constant 30 : i32
    %sub3A_320 = arith.subi %sub3A_319, %scan3A_318 : i32
    %shift_left3A_321 = arith.constant 1 : i32
    %shift_left3A_322 = arith.shli %shift_left3A_321, %sub3A_320 : i32
    %or3A_323 = vector.broadcast %shift_left3A_322 : i32 to vector<96x1xi32>
    %or3A_324 = arith.ori %select_n3A_317, %or3A_323 : vector<96x1xi32>
    %ge3A_325 = vector.broadcast %or3A_324 : vector<96x1xi32> to vector<96x8192xi32>
    %ge3A_326 = arith.cmpi sge, %select_n3A, %ge3A_325 : vector<96x8192xi32>
    %convert_element_type3A_327 = arith.extui %ge3A_326 : vector<96x8192xi1> to vector<96x8192xi32>
    %reduce_sum3A_328 = arith.constant dense<0> : vector<96xi32>
    %reduce_sum3A_329 = vector.multi_reduction <add>, %convert_element_type3A_327, %reduce_sum3A_328 [1] : vector<96x8192xi32> to vector<96xi32>
    %broadcast_in_dim3A_330 = vector.shape_cast %reduce_sum3A_329 : vector<96xi32> to vector<96x1xi32>
    %ge3A_331 = arith.constant 64 : i32
    %ge3A_332 = vector.broadcast %ge3A_331 : i32 to vector<96x1xi32>
    %ge3A_333 = arith.cmpi sge, %broadcast_in_dim3A_330, %ge3A_332 : vector<96x1xi32>
    %select_n3A_334 = arith.select %ge3A_333, %or3A_324, %select_n3A_317 : vector<96x1xi1>, vector<96x1xi32>
    %scan3A_335 = arith.constant 19 : i32
    %sub3A_336 = arith.constant 30 : i32
    %sub3A_337 = arith.subi %sub3A_336, %scan3A_335 : i32
    %shift_left3A_338 = arith.constant 1 : i32
    %shift_left3A_339 = arith.shli %shift_left3A_338, %sub3A_337 : i32
    %or3A_340 = vector.broadcast %shift_left3A_339 : i32 to vector<96x1xi32>
    %or3A_341 = arith.ori %select_n3A_334, %or3A_340 : vector<96x1xi32>
    %ge3A_342 = vector.broadcast %or3A_341 : vector<96x1xi32> to vector<96x8192xi32>
    %ge3A_343 = arith.cmpi sge, %select_n3A, %ge3A_342 : vector<96x8192xi32>
    %convert_element_type3A_344 = arith.extui %ge3A_343 : vector<96x8192xi1> to vector<96x8192xi32>
    %reduce_sum3A_345 = arith.constant dense<0> : vector<96xi32>
    %reduce_sum3A_346 = vector.multi_reduction <add>, %convert_element_type3A_344, %reduce_sum3A_345 [1] : vector<96x8192xi32> to vector<96xi32>
    %broadcast_in_dim3A_347 = vector.shape_cast %reduce_sum3A_346 : vector<96xi32> to vector<96x1xi32>
    %ge3A_348 = arith.constant 64 : i32
    %ge3A_349 = vector.broadcast %ge3A_348 : i32 to vector<96x1xi32>
    %ge3A_350 = arith.cmpi sge, %broadcast_in_dim3A_347, %ge3A_349 : vector<96x1xi32>
    %select_n3A_351 = arith.select %ge3A_350, %or3A_341, %select_n3A_334 : vector<96x1xi1>, vector<96x1xi32>
    %scan3A_352 = arith.constant 20 : i32
    %sub3A_353 = arith.constant 30 : i32
    %sub3A_354 = arith.subi %sub3A_353, %scan3A_352 : i32
    %shift_left3A_355 = arith.constant 1 : i32
    %shift_left3A_356 = arith.shli %shift_left3A_355, %sub3A_354 : i32
    %or3A_357 = vector.broadcast %shift_left3A_356 : i32 to vector<96x1xi32>
    %or3A_358 = arith.ori %select_n3A_351, %or3A_357 : vector<96x1xi32>
    %ge3A_359 = vector.broadcast %or3A_358 : vector<96x1xi32> to vector<96x8192xi32>
    %ge3A_360 = arith.cmpi sge, %select_n3A, %ge3A_359 : vector<96x8192xi32>
    %convert_element_type3A_361 = arith.extui %ge3A_360 : vector<96x8192xi1> to vector<96x8192xi32>
    %reduce_sum3A_362 = arith.constant dense<0> : vector<96xi32>
    %reduce_sum3A_363 = vector.multi_reduction <add>, %convert_element_type3A_361, %reduce_sum3A_362 [1] : vector<96x8192xi32> to vector<96xi32>
    %broadcast_in_dim3A_364 = vector.shape_cast %reduce_sum3A_363 : vector<96xi32> to vector<96x1xi32>
    %ge3A_365 = arith.constant 64 : i32
    %ge3A_366 = vector.broadcast %ge3A_365 : i32 to vector<96x1xi32>
    %ge3A_367 = arith.cmpi sge, %broadcast_in_dim3A_364, %ge3A_366 : vector<96x1xi32>
    %select_n3A_368 = arith.select %ge3A_367, %or3A_358, %select_n3A_351 : vector<96x1xi1>, vector<96x1xi32>
    %scan3A_369 = arith.constant 21 : i32
    %sub3A_370 = arith.constant 30 : i32
    %sub3A_371 = arith.subi %sub3A_370, %scan3A_369 : i32
    %shift_left3A_372 = arith.constant 1 : i32
    %shift_left3A_373 = arith.shli %shift_left3A_372, %sub3A_371 : i32
    %or3A_374 = vector.broadcast %shift_left3A_373 : i32 to vector<96x1xi32>
    %or3A_375 = arith.ori %select_n3A_368, %or3A_374 : vector<96x1xi32>
    %ge3A_376 = vector.broadcast %or3A_375 : vector<96x1xi32> to vector<96x8192xi32>
    %ge3A_377 = arith.cmpi sge, %select_n3A, %ge3A_376 : vector<96x8192xi32>
    %convert_element_type3A_378 = arith.extui %ge3A_377 : vector<96x8192xi1> to vector<96x8192xi32>
    %reduce_sum3A_379 = arith.constant dense<0> : vector<96xi32>
    %reduce_sum3A_380 = vector.multi_reduction <add>, %convert_element_type3A_378, %reduce_sum3A_379 [1] : vector<96x8192xi32> to vector<96xi32>
    %broadcast_in_dim3A_381 = vector.shape_cast %reduce_sum3A_380 : vector<96xi32> to vector<96x1xi32>
    %ge3A_382 = arith.constant 64 : i32
    %ge3A_383 = vector.broadcast %ge3A_382 : i32 to vector<96x1xi32>
    %ge3A_384 = arith.cmpi sge, %broadcast_in_dim3A_381, %ge3A_383 : vector<96x1xi32>
    %select_n3A_385 = arith.select %ge3A_384, %or3A_375, %select_n3A_368 : vector<96x1xi1>, vector<96x1xi32>
    %scan3A_386 = arith.constant 22 : i32
    %sub3A_387 = arith.constant 30 : i32
    %sub3A_388 = arith.subi %sub3A_387, %scan3A_386 : i32
    %shift_left3A_389 = arith.constant 1 : i32
    %shift_left3A_390 = arith.shli %shift_left3A_389, %sub3A_388 : i32
    %or3A_391 = vector.broadcast %shift_left3A_390 : i32 to vector<96x1xi32>
    %or3A_392 = arith.ori %select_n3A_385, %or3A_391 : vector<96x1xi32>
    %ge3A_393 = vector.broadcast %or3A_392 : vector<96x1xi32> to vector<96x8192xi32>
    %ge3A_394 = arith.cmpi sge, %select_n3A, %ge3A_393 : vector<96x8192xi32>
    %convert_element_type3A_395 = arith.extui %ge3A_394 : vector<96x8192xi1> to vector<96x8192xi32>
    %reduce_sum3A_396 = arith.constant dense<0> : vector<96xi32>
    %reduce_sum3A_397 = vector.multi_reduction <add>, %convert_element_type3A_395, %reduce_sum3A_396 [1] : vector<96x8192xi32> to vector<96xi32>
    %broadcast_in_dim3A_398 = vector.shape_cast %reduce_sum3A_397 : vector<96xi32> to vector<96x1xi32>
    %ge3A_399 = arith.constant 64 : i32
    %ge3A_400 = vector.broadcast %ge3A_399 : i32 to vector<96x1xi32>
    %ge3A_401 = arith.cmpi sge, %broadcast_in_dim3A_398, %ge3A_400 : vector<96x1xi32>
    %select_n3A_402 = arith.select %ge3A_401, %or3A_392, %select_n3A_385 : vector<96x1xi1>, vector<96x1xi32>
    %scan3A_403 = arith.constant 23 : i32
    %sub3A_404 = arith.constant 30 : i32
    %sub3A_405 = arith.subi %sub3A_404, %scan3A_403 : i32
    %shift_left3A_406 = arith.constant 1 : i32
    %shift_left3A_407 = arith.shli %shift_left3A_406, %sub3A_405 : i32
    %or3A_408 = vector.broadcast %shift_left3A_407 : i32 to vector<96x1xi32>
    %or3A_409 = arith.ori %select_n3A_402, %or3A_408 : vector<96x1xi32>
    %ge3A_410 = vector.broadcast %or3A_409 : vector<96x1xi32> to vector<96x8192xi32>
    %ge3A_411 = arith.cmpi sge, %select_n3A, %ge3A_410 : vector<96x8192xi32>
    %convert_element_type3A_412 = arith.extui %ge3A_411 : vector<96x8192xi1> to vector<96x8192xi32>
    %reduce_sum3A_413 = arith.constant dense<0> : vector<96xi32>
    %reduce_sum3A_414 = vector.multi_reduction <add>, %convert_element_type3A_412, %reduce_sum3A_413 [1] : vector<96x8192xi32> to vector<96xi32>
    %broadcast_in_dim3A_415 = vector.shape_cast %reduce_sum3A_414 : vector<96xi32> to vector<96x1xi32>
    %ge3A_416 = arith.constant 64 : i32
    %ge3A_417 = vector.broadcast %ge3A_416 : i32 to vector<96x1xi32>
    %ge3A_418 = arith.cmpi sge, %broadcast_in_dim3A_415, %ge3A_417 : vector<96x1xi32>
    %select_n3A_419 = arith.select %ge3A_418, %or3A_409, %select_n3A_402 : vector<96x1xi1>, vector<96x1xi32>
    %scan3A_420 = arith.constant 24 : i32
    %sub3A_421 = arith.constant 30 : i32
    %sub3A_422 = arith.subi %sub3A_421, %scan3A_420 : i32
    %shift_left3A_423 = arith.constant 1 : i32
    %shift_left3A_424 = arith.shli %shift_left3A_423, %sub3A_422 : i32
    %or3A_425 = vector.broadcast %shift_left3A_424 : i32 to vector<96x1xi32>
    %or3A_426 = arith.ori %select_n3A_419, %or3A_425 : vector<96x1xi32>
    %ge3A_427 = vector.broadcast %or3A_426 : vector<96x1xi32> to vector<96x8192xi32>
    %ge3A_428 = arith.cmpi sge, %select_n3A, %ge3A_427 : vector<96x8192xi32>
    %convert_element_type3A_429 = arith.extui %ge3A_428 : vector<96x8192xi1> to vector<96x8192xi32>
    %reduce_sum3A_430 = arith.constant dense<0> : vector<96xi32>
    %reduce_sum3A_431 = vector.multi_reduction <add>, %convert_element_type3A_429, %reduce_sum3A_430 [1] : vector<96x8192xi32> to vector<96xi32>
    %broadcast_in_dim3A_432 = vector.shape_cast %reduce_sum3A_431 : vector<96xi32> to vector<96x1xi32>
    %ge3A_433 = arith.constant 64 : i32
    %ge3A_434 = vector.broadcast %ge3A_433 : i32 to vector<96x1xi32>
    %ge3A_435 = arith.cmpi sge, %broadcast_in_dim3A_432, %ge3A_434 : vector<96x1xi32>
    %select_n3A_436 = arith.select %ge3A_435, %or3A_426, %select_n3A_419 : vector<96x1xi1>, vector<96x1xi32>
    %scan3A_437 = arith.constant 25 : i32
    %sub3A_438 = arith.constant 30 : i32
    %sub3A_439 = arith.subi %sub3A_438, %scan3A_437 : i32
    %shift_left3A_440 = arith.constant 1 : i32
    %shift_left3A_441 = arith.shli %shift_left3A_440, %sub3A_439 : i32
    %or3A_442 = vector.broadcast %shift_left3A_441 : i32 to vector<96x1xi32>
    %or3A_443 = arith.ori %select_n3A_436, %or3A_442 : vector<96x1xi32>
    %ge3A_444 = vector.broadcast %or3A_443 : vector<96x1xi32> to vector<96x8192xi32>
    %ge3A_445 = arith.cmpi sge, %select_n3A, %ge3A_444 : vector<96x8192xi32>
    %convert_element_type3A_446 = arith.extui %ge3A_445 : vector<96x8192xi1> to vector<96x8192xi32>
    %reduce_sum3A_447 = arith.constant dense<0> : vector<96xi32>
    %reduce_sum3A_448 = vector.multi_reduction <add>, %convert_element_type3A_446, %reduce_sum3A_447 [1] : vector<96x8192xi32> to vector<96xi32>
    %broadcast_in_dim3A_449 = vector.shape_cast %reduce_sum3A_448 : vector<96xi32> to vector<96x1xi32>
    %ge3A_450 = arith.constant 64 : i32
    %ge3A_451 = vector.broadcast %ge3A_450 : i32 to vector<96x1xi32>
    %ge3A_452 = arith.cmpi sge, %broadcast_in_dim3A_449, %ge3A_451 : vector<96x1xi32>
    %select_n3A_453 = arith.select %ge3A_452, %or3A_443, %select_n3A_436 : vector<96x1xi1>, vector<96x1xi32>
    %scan3A_454 = arith.constant 26 : i32
    %sub3A_455 = arith.constant 30 : i32
    %sub3A_456 = arith.subi %sub3A_455, %scan3A_454 : i32
    %shift_left3A_457 = arith.constant 1 : i32
    %shift_left3A_458 = arith.shli %shift_left3A_457, %sub3A_456 : i32
    %or3A_459 = vector.broadcast %shift_left3A_458 : i32 to vector<96x1xi32>
    %or3A_460 = arith.ori %select_n3A_453, %or3A_459 : vector<96x1xi32>
    %ge3A_461 = vector.broadcast %or3A_460 : vector<96x1xi32> to vector<96x8192xi32>
    %ge3A_462 = arith.cmpi sge, %select_n3A, %ge3A_461 : vector<96x8192xi32>
    %convert_element_type3A_463 = arith.extui %ge3A_462 : vector<96x8192xi1> to vector<96x8192xi32>
    %reduce_sum3A_464 = arith.constant dense<0> : vector<96xi32>
    %reduce_sum3A_465 = vector.multi_reduction <add>, %convert_element_type3A_463, %reduce_sum3A_464 [1] : vector<96x8192xi32> to vector<96xi32>
    %broadcast_in_dim3A_466 = vector.shape_cast %reduce_sum3A_465 : vector<96xi32> to vector<96x1xi32>
    %ge3A_467 = arith.constant 64 : i32
    %ge3A_468 = vector.broadcast %ge3A_467 : i32 to vector<96x1xi32>
    %ge3A_469 = arith.cmpi sge, %broadcast_in_dim3A_466, %ge3A_468 : vector<96x1xi32>
    %select_n3A_470 = arith.select %ge3A_469, %or3A_460, %select_n3A_453 : vector<96x1xi1>, vector<96x1xi32>
    %scan3A_471 = arith.constant 27 : i32
    %sub3A_472 = arith.constant 30 : i32
    %sub3A_473 = arith.subi %sub3A_472, %scan3A_471 : i32
    %shift_left3A_474 = arith.constant 1 : i32
    %shift_left3A_475 = arith.shli %shift_left3A_474, %sub3A_473 : i32
    %or3A_476 = vector.broadcast %shift_left3A_475 : i32 to vector<96x1xi32>
    %or3A_477 = arith.ori %select_n3A_470, %or3A_476 : vector<96x1xi32>
    %ge3A_478 = vector.broadcast %or3A_477 : vector<96x1xi32> to vector<96x8192xi32>
    %ge3A_479 = arith.cmpi sge, %select_n3A, %ge3A_478 : vector<96x8192xi32>
    %convert_element_type3A_480 = arith.extui %ge3A_479 : vector<96x8192xi1> to vector<96x8192xi32>
    %reduce_sum3A_481 = arith.constant dense<0> : vector<96xi32>
    %reduce_sum3A_482 = vector.multi_reduction <add>, %convert_element_type3A_480, %reduce_sum3A_481 [1] : vector<96x8192xi32> to vector<96xi32>
    %broadcast_in_dim3A_483 = vector.shape_cast %reduce_sum3A_482 : vector<96xi32> to vector<96x1xi32>
    %ge3A_484 = arith.constant 64 : i32
    %ge3A_485 = vector.broadcast %ge3A_484 : i32 to vector<96x1xi32>
    %ge3A_486 = arith.cmpi sge, %broadcast_in_dim3A_483, %ge3A_485 : vector<96x1xi32>
    %select_n3A_487 = arith.select %ge3A_486, %or3A_477, %select_n3A_470 : vector<96x1xi1>, vector<96x1xi32>
    %scan3A_488 = arith.constant 28 : i32
    %sub3A_489 = arith.constant 30 : i32
    %sub3A_490 = arith.subi %sub3A_489, %scan3A_488 : i32
    %shift_left3A_491 = arith.constant 1 : i32
    %shift_left3A_492 = arith.shli %shift_left3A_491, %sub3A_490 : i32
    %or3A_493 = vector.broadcast %shift_left3A_492 : i32 to vector<96x1xi32>
    %or3A_494 = arith.ori %select_n3A_487, %or3A_493 : vector<96x1xi32>
    %ge3A_495 = vector.broadcast %or3A_494 : vector<96x1xi32> to vector<96x8192xi32>
    %ge3A_496 = arith.cmpi sge, %select_n3A, %ge3A_495 : vector<96x8192xi32>
    %convert_element_type3A_497 = arith.extui %ge3A_496 : vector<96x8192xi1> to vector<96x8192xi32>
    %reduce_sum3A_498 = arith.constant dense<0> : vector<96xi32>
    %reduce_sum3A_499 = vector.multi_reduction <add>, %convert_element_type3A_497, %reduce_sum3A_498 [1] : vector<96x8192xi32> to vector<96xi32>
    %broadcast_in_dim3A_500 = vector.shape_cast %reduce_sum3A_499 : vector<96xi32> to vector<96x1xi32>
    %ge3A_501 = arith.constant 64 : i32
    %ge3A_502 = vector.broadcast %ge3A_501 : i32 to vector<96x1xi32>
    %ge3A_503 = arith.cmpi sge, %broadcast_in_dim3A_500, %ge3A_502 : vector<96x1xi32>
    %select_n3A_504 = arith.select %ge3A_503, %or3A_494, %select_n3A_487 : vector<96x1xi1>, vector<96x1xi32>
    %scan3A_505 = arith.constant 29 : i32
    %sub3A_506 = arith.constant 30 : i32
    %sub3A_507 = arith.subi %sub3A_506, %scan3A_505 : i32
    %shift_left3A_508 = arith.constant 1 : i32
    %shift_left3A_509 = arith.shli %shift_left3A_508, %sub3A_507 : i32
    %or3A_510 = vector.broadcast %shift_left3A_509 : i32 to vector<96x1xi32>
    %or3A_511 = arith.ori %select_n3A_504, %or3A_510 : vector<96x1xi32>
    %ge3A_512 = vector.broadcast %or3A_511 : vector<96x1xi32> to vector<96x8192xi32>
    %ge3A_513 = arith.cmpi sge, %select_n3A, %ge3A_512 : vector<96x8192xi32>
    %convert_element_type3A_514 = arith.extui %ge3A_513 : vector<96x8192xi1> to vector<96x8192xi32>
    %reduce_sum3A_515 = arith.constant dense<0> : vector<96xi32>
    %reduce_sum3A_516 = vector.multi_reduction <add>, %convert_element_type3A_514, %reduce_sum3A_515 [1] : vector<96x8192xi32> to vector<96xi32>
    %broadcast_in_dim3A_517 = vector.shape_cast %reduce_sum3A_516 : vector<96xi32> to vector<96x1xi32>
    %ge3A_518 = arith.constant 64 : i32
    %ge3A_519 = vector.broadcast %ge3A_518 : i32 to vector<96x1xi32>
    %ge3A_520 = arith.cmpi sge, %broadcast_in_dim3A_517, %ge3A_519 : vector<96x1xi32>
    %select_n3A_521 = arith.select %ge3A_520, %or3A_511, %select_n3A_504 : vector<96x1xi1>, vector<96x1xi32>
    %scan3A_522 = arith.constant 30 : i32
    %sub3A_523 = arith.constant 30 : i32
    %sub3A_524 = arith.subi %sub3A_523, %scan3A_522 : i32
    %shift_left3A_525 = arith.constant 1 : i32
    %shift_left3A_526 = arith.shli %shift_left3A_525, %sub3A_524 : i32
    %or3A_527 = vector.broadcast %shift_left3A_526 : i32 to vector<96x1xi32>
    %or3A_528 = arith.ori %select_n3A_521, %or3A_527 : vector<96x1xi32>
    %ge3A_529 = vector.broadcast %or3A_528 : vector<96x1xi32> to vector<96x8192xi32>
    %ge3A_530 = arith.cmpi sge, %select_n3A, %ge3A_529 : vector<96x8192xi32>
    %convert_element_type3A_531 = arith.extui %ge3A_530 : vector<96x8192xi1> to vector<96x8192xi32>
    %reduce_sum3A_532 = arith.constant dense<0> : vector<96xi32>
    %reduce_sum3A_533 = vector.multi_reduction <add>, %convert_element_type3A_531, %reduce_sum3A_532 [1] : vector<96x8192xi32> to vector<96xi32>
    %broadcast_in_dim3A_534 = vector.shape_cast %reduce_sum3A_533 : vector<96xi32> to vector<96x1xi32>
    %ge3A_535 = arith.constant 64 : i32
    %ge3A_536 = vector.broadcast %ge3A_535 : i32 to vector<96x1xi32>
    %ge3A_537 = arith.cmpi sge, %broadcast_in_dim3A_534, %ge3A_536 : vector<96x1xi32>
    %select_n3A_538 = arith.select %ge3A_537, %or3A_528, %select_n3A_521 : vector<96x1xi1>, vector<96x1xi32>
    %scan3A_539 = arith.constant 31 : i32
    %gt3A = vector.broadcast %select_n3A_538 : vector<96x1xi32> to vector<96x8192xi32>
    %gt3A_540 = arith.cmpi sgt, %select_n3A, %gt3A : vector<96x8192xi32>
    %convert_element_type3A_541 = arith.extui %gt3A_540 : vector<96x8192xi1> to vector<96x8192xi32>
    %reduce_sum3A_542 = arith.constant dense<0> : vector<96xi32>
    %reduce_sum3A_543 = vector.multi_reduction <add>, %convert_element_type3A_541, %reduce_sum3A_542 [1] : vector<96x8192xi32> to vector<96xi32>
    %broadcast_in_dim3A_544 = vector.shape_cast %reduce_sum3A_543 : vector<96xi32> to vector<96x1xi32>
    %sub3A_545 = arith.constant 64 : i32
    %sub3A_546 = vector.broadcast %sub3A_545 : i32 to vector<96x1xi32>
    %sub3A_547 = arith.subi %sub3A_546, %broadcast_in_dim3A_544 : vector<96x1xi32>
    %iota3A = tpu.iota {dimensions = array<i32: 1>} : vector<96x8192xi32>
    %eq3A = vector.broadcast %select_n3A_538 : vector<96x1xi32> to vector<96x8192xi32>
    %eq3A_548 = arith.cmpi eq, %select_n3A, %eq3A : vector<96x8192xi32>
    %sub3A_549 = arith.constant 8191 : i32
    %sub3A_550 = vector.broadcast %sub3A_549 : i32 to vector<96x8192xi32>
    %sub3A_551 = arith.subi %sub3A_550, %iota3A : vector<96x8192xi32>
    %jit3A_552 = arith.constant -1 : i32
    %broadcast_in_dim3A_553 = vector.broadcast %jit3A_552 : i32 to vector<96x8192xi32>
    %select_n3A_554 = arith.select %eq3A_548, %sub3A_551, %broadcast_in_dim3A_553 : vector<96x8192xi1>, vector<96x8192xi32>
    %broadcast_in_dim3A_555 = arith.constant 0 : i32
    %broadcast_in_dim3A_556 = vector.broadcast %broadcast_in_dim3A_555 : i32 to vector<96x1xi32>
    %scan3A_557 = arith.constant 0 : i32
    %sub3A_558 = arith.constant 12 : i32
    %sub3A_559 = arith.subi %sub3A_558, %scan3A_557 : i32
    %shift_left3A_560 = arith.constant 1 : i32
    %shift_left3A_561 = arith.shli %shift_left3A_560, %sub3A_559 : i32
    %or3A_562 = vector.broadcast %shift_left3A_561 : i32 to vector<96x1xi32>
    %or3A_563 = arith.ori %broadcast_in_dim3A_556, %or3A_562 : vector<96x1xi32>
    %ge3A_564 = vector.broadcast %or3A_563 : vector<96x1xi32> to vector<96x8192xi32>
    %ge3A_565 = arith.cmpi sge, %select_n3A_554, %ge3A_564 : vector<96x8192xi32>
    %convert_element_type3A_566 = arith.extui %ge3A_565 : vector<96x8192xi1> to vector<96x8192xi32>
    %reduce_sum3A_567 = arith.constant dense<0> : vector<96xi32>
    %reduce_sum3A_568 = vector.multi_reduction <add>, %convert_element_type3A_566, %reduce_sum3A_567 [1] : vector<96x8192xi32> to vector<96xi32>
    %broadcast_in_dim3A_569 = vector.shape_cast %reduce_sum3A_568 : vector<96xi32> to vector<96x1xi32>
    %ge3A_570 = arith.cmpi sge, %broadcast_in_dim3A_569, %sub3A_547 : vector<96x1xi32>
    %select_n3A_571 = arith.select %ge3A_570, %or3A_563, %broadcast_in_dim3A_556 : vector<96x1xi1>, vector<96x1xi32>
    %scan3A_572 = arith.constant 1 : i32
    %sub3A_573 = arith.constant 12 : i32
    %sub3A_574 = arith.subi %sub3A_573, %scan3A_572 : i32
    %shift_left3A_575 = arith.constant 1 : i32
    %shift_left3A_576 = arith.shli %shift_left3A_575, %sub3A_574 : i32
    %or3A_577 = vector.broadcast %shift_left3A_576 : i32 to vector<96x1xi32>
    %or3A_578 = arith.ori %select_n3A_571, %or3A_577 : vector<96x1xi32>
    %ge3A_579 = vector.broadcast %or3A_578 : vector<96x1xi32> to vector<96x8192xi32>
    %ge3A_580 = arith.cmpi sge, %select_n3A_554, %ge3A_579 : vector<96x8192xi32>
    %convert_element_type3A_581 = arith.extui %ge3A_580 : vector<96x8192xi1> to vector<96x8192xi32>
    %reduce_sum3A_582 = arith.constant dense<0> : vector<96xi32>
    %reduce_sum3A_583 = vector.multi_reduction <add>, %convert_element_type3A_581, %reduce_sum3A_582 [1] : vector<96x8192xi32> to vector<96xi32>
    %broadcast_in_dim3A_584 = vector.shape_cast %reduce_sum3A_583 : vector<96xi32> to vector<96x1xi32>
    %ge3A_585 = arith.cmpi sge, %broadcast_in_dim3A_584, %sub3A_547 : vector<96x1xi32>
    %select_n3A_586 = arith.select %ge3A_585, %or3A_578, %select_n3A_571 : vector<96x1xi1>, vector<96x1xi32>
    %scan3A_587 = arith.constant 2 : i32
    %sub3A_588 = arith.constant 12 : i32
    %sub3A_589 = arith.subi %sub3A_588, %scan3A_587 : i32
    %shift_left3A_590 = arith.constant 1 : i32
    %shift_left3A_591 = arith.shli %shift_left3A_590, %sub3A_589 : i32
    %or3A_592 = vector.broadcast %shift_left3A_591 : i32 to vector<96x1xi32>
    %or3A_593 = arith.ori %select_n3A_586, %or3A_592 : vector<96x1xi32>
    %ge3A_594 = vector.broadcast %or3A_593 : vector<96x1xi32> to vector<96x8192xi32>
    %ge3A_595 = arith.cmpi sge, %select_n3A_554, %ge3A_594 : vector<96x8192xi32>
    %convert_element_type3A_596 = arith.extui %ge3A_595 : vector<96x8192xi1> to vector<96x8192xi32>
    %reduce_sum3A_597 = arith.constant dense<0> : vector<96xi32>
    %reduce_sum3A_598 = vector.multi_reduction <add>, %convert_element_type3A_596, %reduce_sum3A_597 [1] : vector<96x8192xi32> to vector<96xi32>
    %broadcast_in_dim3A_599 = vector.shape_cast %reduce_sum3A_598 : vector<96xi32> to vector<96x1xi32>
    %ge3A_600 = arith.cmpi sge, %broadcast_in_dim3A_599, %sub3A_547 : vector<96x1xi32>
    %select_n3A_601 = arith.select %ge3A_600, %or3A_593, %select_n3A_586 : vector<96x1xi1>, vector<96x1xi32>
    %scan3A_602 = arith.constant 3 : i32
    %sub3A_603 = arith.constant 12 : i32
    %sub3A_604 = arith.subi %sub3A_603, %scan3A_602 : i32
    %shift_left3A_605 = arith.constant 1 : i32
    %shift_left3A_606 = arith.shli %shift_left3A_605, %sub3A_604 : i32
    %or3A_607 = vector.broadcast %shift_left3A_606 : i32 to vector<96x1xi32>
    %or3A_608 = arith.ori %select_n3A_601, %or3A_607 : vector<96x1xi32>
    %ge3A_609 = vector.broadcast %or3A_608 : vector<96x1xi32> to vector<96x8192xi32>
    %ge3A_610 = arith.cmpi sge, %select_n3A_554, %ge3A_609 : vector<96x8192xi32>
    %convert_element_type3A_611 = arith.extui %ge3A_610 : vector<96x8192xi1> to vector<96x8192xi32>
    %reduce_sum3A_612 = arith.constant dense<0> : vector<96xi32>
    %reduce_sum3A_613 = vector.multi_reduction <add>, %convert_element_type3A_611, %reduce_sum3A_612 [1] : vector<96x8192xi32> to vector<96xi32>
    %broadcast_in_dim3A_614 = vector.shape_cast %reduce_sum3A_613 : vector<96xi32> to vector<96x1xi32>
    %ge3A_615 = arith.cmpi sge, %broadcast_in_dim3A_614, %sub3A_547 : vector<96x1xi32>
    %select_n3A_616 = arith.select %ge3A_615, %or3A_608, %select_n3A_601 : vector<96x1xi1>, vector<96x1xi32>
    %scan3A_617 = arith.constant 4 : i32
    %sub3A_618 = arith.constant 12 : i32
    %sub3A_619 = arith.subi %sub3A_618, %scan3A_617 : i32
    %shift_left3A_620 = arith.constant 1 : i32
    %shift_left3A_621 = arith.shli %shift_left3A_620, %sub3A_619 : i32
    %or3A_622 = vector.broadcast %shift_left3A_621 : i32 to vector<96x1xi32>
    %or3A_623 = arith.ori %select_n3A_616, %or3A_622 : vector<96x1xi32>
    %ge3A_624 = vector.broadcast %or3A_623 : vector<96x1xi32> to vector<96x8192xi32>
    %ge3A_625 = arith.cmpi sge, %select_n3A_554, %ge3A_624 : vector<96x8192xi32>
    %convert_element_type3A_626 = arith.extui %ge3A_625 : vector<96x8192xi1> to vector<96x8192xi32>
    %reduce_sum3A_627 = arith.constant dense<0> : vector<96xi32>
    %reduce_sum3A_628 = vector.multi_reduction <add>, %convert_element_type3A_626, %reduce_sum3A_627 [1] : vector<96x8192xi32> to vector<96xi32>
    %broadcast_in_dim3A_629 = vector.shape_cast %reduce_sum3A_628 : vector<96xi32> to vector<96x1xi32>
    %ge3A_630 = arith.cmpi sge, %broadcast_in_dim3A_629, %sub3A_547 : vector<96x1xi32>
    %select_n3A_631 = arith.select %ge3A_630, %or3A_623, %select_n3A_616 : vector<96x1xi1>, vector<96x1xi32>
    %scan3A_632 = arith.constant 5 : i32
    %sub3A_633 = arith.constant 12 : i32
    %sub3A_634 = arith.subi %sub3A_633, %scan3A_632 : i32
    %shift_left3A_635 = arith.constant 1 : i32
    %shift_left3A_636 = arith.shli %shift_left3A_635, %sub3A_634 : i32
    %or3A_637 = vector.broadcast %shift_left3A_636 : i32 to vector<96x1xi32>
    %or3A_638 = arith.ori %select_n3A_631, %or3A_637 : vector<96x1xi32>
    %ge3A_639 = vector.broadcast %or3A_638 : vector<96x1xi32> to vector<96x8192xi32>
    %ge3A_640 = arith.cmpi sge, %select_n3A_554, %ge3A_639 : vector<96x8192xi32>
    %convert_element_type3A_641 = arith.extui %ge3A_640 : vector<96x8192xi1> to vector<96x8192xi32>
    %reduce_sum3A_642 = arith.constant dense<0> : vector<96xi32>
    %reduce_sum3A_643 = vector.multi_reduction <add>, %convert_element_type3A_641, %reduce_sum3A_642 [1] : vector<96x8192xi32> to vector<96xi32>
    %broadcast_in_dim3A_644 = vector.shape_cast %reduce_sum3A_643 : vector<96xi32> to vector<96x1xi32>
    %ge3A_645 = arith.cmpi sge, %broadcast_in_dim3A_644, %sub3A_547 : vector<96x1xi32>
    %select_n3A_646 = arith.select %ge3A_645, %or3A_638, %select_n3A_631 : vector<96x1xi1>, vector<96x1xi32>
    %scan3A_647 = arith.constant 6 : i32
    %sub3A_648 = arith.constant 12 : i32
    %sub3A_649 = arith.subi %sub3A_648, %scan3A_647 : i32
    %shift_left3A_650 = arith.constant 1 : i32
    %shift_left3A_651 = arith.shli %shift_left3A_650, %sub3A_649 : i32
    %or3A_652 = vector.broadcast %shift_left3A_651 : i32 to vector<96x1xi32>
    %or3A_653 = arith.ori %select_n3A_646, %or3A_652 : vector<96x1xi32>
    %ge3A_654 = vector.broadcast %or3A_653 : vector<96x1xi32> to vector<96x8192xi32>
    %ge3A_655 = arith.cmpi sge, %select_n3A_554, %ge3A_654 : vector<96x8192xi32>
    %convert_element_type3A_656 = arith.extui %ge3A_655 : vector<96x8192xi1> to vector<96x8192xi32>
    %reduce_sum3A_657 = arith.constant dense<0> : vector<96xi32>
    %reduce_sum3A_658 = vector.multi_reduction <add>, %convert_element_type3A_656, %reduce_sum3A_657 [1] : vector<96x8192xi32> to vector<96xi32>
    %broadcast_in_dim3A_659 = vector.shape_cast %reduce_sum3A_658 : vector<96xi32> to vector<96x1xi32>
    %ge3A_660 = arith.cmpi sge, %broadcast_in_dim3A_659, %sub3A_547 : vector<96x1xi32>
    %select_n3A_661 = arith.select %ge3A_660, %or3A_653, %select_n3A_646 : vector<96x1xi1>, vector<96x1xi32>
    %scan3A_662 = arith.constant 7 : i32
    %sub3A_663 = arith.constant 12 : i32
    %sub3A_664 = arith.subi %sub3A_663, %scan3A_662 : i32
    %shift_left3A_665 = arith.constant 1 : i32
    %shift_left3A_666 = arith.shli %shift_left3A_665, %sub3A_664 : i32
    %or3A_667 = vector.broadcast %shift_left3A_666 : i32 to vector<96x1xi32>
    %or3A_668 = arith.ori %select_n3A_661, %or3A_667 : vector<96x1xi32>
    %ge3A_669 = vector.broadcast %or3A_668 : vector<96x1xi32> to vector<96x8192xi32>
    %ge3A_670 = arith.cmpi sge, %select_n3A_554, %ge3A_669 : vector<96x8192xi32>
    %convert_element_type3A_671 = arith.extui %ge3A_670 : vector<96x8192xi1> to vector<96x8192xi32>
    %reduce_sum3A_672 = arith.constant dense<0> : vector<96xi32>
    %reduce_sum3A_673 = vector.multi_reduction <add>, %convert_element_type3A_671, %reduce_sum3A_672 [1] : vector<96x8192xi32> to vector<96xi32>
    %broadcast_in_dim3A_674 = vector.shape_cast %reduce_sum3A_673 : vector<96xi32> to vector<96x1xi32>
    %ge3A_675 = arith.cmpi sge, %broadcast_in_dim3A_674, %sub3A_547 : vector<96x1xi32>
    %select_n3A_676 = arith.select %ge3A_675, %or3A_668, %select_n3A_661 : vector<96x1xi1>, vector<96x1xi32>
    %scan3A_677 = arith.constant 8 : i32
    %sub3A_678 = arith.constant 12 : i32
    %sub3A_679 = arith.subi %sub3A_678, %scan3A_677 : i32
    %shift_left3A_680 = arith.constant 1 : i32
    %shift_left3A_681 = arith.shli %shift_left3A_680, %sub3A_679 : i32
    %or3A_682 = vector.broadcast %shift_left3A_681 : i32 to vector<96x1xi32>
    %or3A_683 = arith.ori %select_n3A_676, %or3A_682 : vector<96x1xi32>
    %ge3A_684 = vector.broadcast %or3A_683 : vector<96x1xi32> to vector<96x8192xi32>
    %ge3A_685 = arith.cmpi sge, %select_n3A_554, %ge3A_684 : vector<96x8192xi32>
    %convert_element_type3A_686 = arith.extui %ge3A_685 : vector<96x8192xi1> to vector<96x8192xi32>
    %reduce_sum3A_687 = arith.constant dense<0> : vector<96xi32>
    %reduce_sum3A_688 = vector.multi_reduction <add>, %convert_element_type3A_686, %reduce_sum3A_687 [1] : vector<96x8192xi32> to vector<96xi32>
    %broadcast_in_dim3A_689 = vector.shape_cast %reduce_sum3A_688 : vector<96xi32> to vector<96x1xi32>
    %ge3A_690 = arith.cmpi sge, %broadcast_in_dim3A_689, %sub3A_547 : vector<96x1xi32>
    %select_n3A_691 = arith.select %ge3A_690, %or3A_683, %select_n3A_676 : vector<96x1xi1>, vector<96x1xi32>
    %scan3A_692 = arith.constant 9 : i32
    %sub3A_693 = arith.constant 12 : i32
    %sub3A_694 = arith.subi %sub3A_693, %scan3A_692 : i32
    %shift_left3A_695 = arith.constant 1 : i32
    %shift_left3A_696 = arith.shli %shift_left3A_695, %sub3A_694 : i32
    %or3A_697 = vector.broadcast %shift_left3A_696 : i32 to vector<96x1xi32>
    %or3A_698 = arith.ori %select_n3A_691, %or3A_697 : vector<96x1xi32>
    %ge3A_699 = vector.broadcast %or3A_698 : vector<96x1xi32> to vector<96x8192xi32>
    %ge3A_700 = arith.cmpi sge, %select_n3A_554, %ge3A_699 : vector<96x8192xi32>
    %convert_element_type3A_701 = arith.extui %ge3A_700 : vector<96x8192xi1> to vector<96x8192xi32>
    %reduce_sum3A_702 = arith.constant dense<0> : vector<96xi32>
    %reduce_sum3A_703 = vector.multi_reduction <add>, %convert_element_type3A_701, %reduce_sum3A_702 [1] : vector<96x8192xi32> to vector<96xi32>
    %broadcast_in_dim3A_704 = vector.shape_cast %reduce_sum3A_703 : vector<96xi32> to vector<96x1xi32>
    %ge3A_705 = arith.cmpi sge, %broadcast_in_dim3A_704, %sub3A_547 : vector<96x1xi32>
    %select_n3A_706 = arith.select %ge3A_705, %or3A_698, %select_n3A_691 : vector<96x1xi1>, vector<96x1xi32>
    %scan3A_707 = arith.constant 10 : i32
    %sub3A_708 = arith.constant 12 : i32
    %sub3A_709 = arith.subi %sub3A_708, %scan3A_707 : i32
    %shift_left3A_710 = arith.constant 1 : i32
    %shift_left3A_711 = arith.shli %shift_left3A_710, %sub3A_709 : i32
    %or3A_712 = vector.broadcast %shift_left3A_711 : i32 to vector<96x1xi32>
    %or3A_713 = arith.ori %select_n3A_706, %or3A_712 : vector<96x1xi32>
    %ge3A_714 = vector.broadcast %or3A_713 : vector<96x1xi32> to vector<96x8192xi32>
    %ge3A_715 = arith.cmpi sge, %select_n3A_554, %ge3A_714 : vector<96x8192xi32>
    %convert_element_type3A_716 = arith.extui %ge3A_715 : vector<96x8192xi1> to vector<96x8192xi32>
    %reduce_sum3A_717 = arith.constant dense<0> : vector<96xi32>
    %reduce_sum3A_718 = vector.multi_reduction <add>, %convert_element_type3A_716, %reduce_sum3A_717 [1] : vector<96x8192xi32> to vector<96xi32>
    %broadcast_in_dim3A_719 = vector.shape_cast %reduce_sum3A_718 : vector<96xi32> to vector<96x1xi32>
    %ge3A_720 = arith.cmpi sge, %broadcast_in_dim3A_719, %sub3A_547 : vector<96x1xi32>
    %select_n3A_721 = arith.select %ge3A_720, %or3A_713, %select_n3A_706 : vector<96x1xi1>, vector<96x1xi32>
    %scan3A_722 = arith.constant 11 : i32
    %sub3A_723 = arith.constant 12 : i32
    %sub3A_724 = arith.subi %sub3A_723, %scan3A_722 : i32
    %shift_left3A_725 = arith.constant 1 : i32
    %shift_left3A_726 = arith.shli %shift_left3A_725, %sub3A_724 : i32
    %or3A_727 = vector.broadcast %shift_left3A_726 : i32 to vector<96x1xi32>
    %or3A_728 = arith.ori %select_n3A_721, %or3A_727 : vector<96x1xi32>
    %ge3A_729 = vector.broadcast %or3A_728 : vector<96x1xi32> to vector<96x8192xi32>
    %ge3A_730 = arith.cmpi sge, %select_n3A_554, %ge3A_729 : vector<96x8192xi32>
    %convert_element_type3A_731 = arith.extui %ge3A_730 : vector<96x8192xi1> to vector<96x8192xi32>
    %reduce_sum3A_732 = arith.constant dense<0> : vector<96xi32>
    %reduce_sum3A_733 = vector.multi_reduction <add>, %convert_element_type3A_731, %reduce_sum3A_732 [1] : vector<96x8192xi32> to vector<96xi32>
    %broadcast_in_dim3A_734 = vector.shape_cast %reduce_sum3A_733 : vector<96xi32> to vector<96x1xi32>
    %ge3A_735 = arith.cmpi sge, %broadcast_in_dim3A_734, %sub3A_547 : vector<96x1xi32>
    %select_n3A_736 = arith.select %ge3A_735, %or3A_728, %select_n3A_721 : vector<96x1xi1>, vector<96x1xi32>
    %scan3A_737 = arith.constant 12 : i32
    %sub3A_738 = arith.constant 12 : i32
    %sub3A_739 = arith.subi %sub3A_738, %scan3A_737 : i32
    %shift_left3A_740 = arith.constant 1 : i32
    %shift_left3A_741 = arith.shli %shift_left3A_740, %sub3A_739 : i32
    %or3A_742 = vector.broadcast %shift_left3A_741 : i32 to vector<96x1xi32>
    %or3A_743 = arith.ori %select_n3A_736, %or3A_742 : vector<96x1xi32>
    %ge3A_744 = vector.broadcast %or3A_743 : vector<96x1xi32> to vector<96x8192xi32>
    %ge3A_745 = arith.cmpi sge, %select_n3A_554, %ge3A_744 : vector<96x8192xi32>
    %convert_element_type3A_746 = arith.extui %ge3A_745 : vector<96x8192xi1> to vector<96x8192xi32>
    %reduce_sum3A_747 = arith.constant dense<0> : vector<96xi32>
    %reduce_sum3A_748 = vector.multi_reduction <add>, %convert_element_type3A_746, %reduce_sum3A_747 [1] : vector<96x8192xi32> to vector<96xi32>
    %broadcast_in_dim3A_749 = vector.shape_cast %reduce_sum3A_748 : vector<96xi32> to vector<96x1xi32>
    %ge3A_750 = arith.cmpi sge, %broadcast_in_dim3A_749, %sub3A_547 : vector<96x1xi32>
    %select_n3A_751 = arith.select %ge3A_750, %or3A_743, %select_n3A_736 : vector<96x1xi1>, vector<96x1xi32>
    %scan3A_752 = arith.constant 13 : i32
    %ge3A_753 = vector.broadcast %select_n3A_751 : vector<96x1xi32> to vector<96x8192xi32>
    %ge3A_754 = arith.cmpi sge, %select_n3A_554, %ge3A_753 : vector<96x8192xi32>
    %or3A_755 = arith.ori %gt3A_540, %ge3A_754 : vector<96x8192xi1>
    %convert_element_type3A_756 = arith.extui %or3A_755 : vector<96x8192xi1> to vector<96x8192xi32>
    %convert_element_type3A_757 = arith.sitofp %convert_element_type3A_756 : vector<96x8192xi32> to vector<96x8192xf32>
    %swap3A = arith.constant 0 : index
    %swap3A_758 = arith.constant 0 : index
    %swap3A_759 = vector.load %arg2[%swap3A, %swap3A_758] : memref<96x8192xf32, #tpu.memory_space<vmem>>, vector<96x8192xf32>
    tpu.vector_store %arg2[%swap3A, %swap3A_758], %convert_element_type3A_757 {strides = array<i32>} : memref<96x8192xf32, #tpu.memory_space<vmem>>, vector<96x8192xf32>,
    return
  }
  func.func @transform_0(%arg0: i32) -> (i32, i32) {
    %c0_i32 = arith.constant 0 : i32
    %c0_i32_0 = arith.constant 0 : i32
    %c0_i32_1 = arith.constant 0 : i32
    return %c0_i32, %c0_i32_0 : i32, i32
  }
  func.func @transform_1(%arg0: i32) -> (i32, i32) {
    %c0_i32 = arith.constant 0 : i32
    %c0_i32_0 = arith.constant 0 : i32
    %c0_i32_1 = arith.constant 0 : i32
    return %c0_i32, %c0_i32_0 : i32, i32
  }
}

</mosaic_0001>

<sc_bundles>
// kernel: kernel.4.cloned.1.call-start
scs
__scs_entry_jumppad:
0x0: {  	(pc) =	sbr.rel $0x88, $3  }
0x1: {  	(tag) =	ssettag $0x0;
	lr =	simm.s32 $0x1  }
0x2: {  	[smem:$0x3FA0] =	sst lr;
	_ =	strace $0xD0000000  }
0x3: {  	_ = 	snop  }
0x4: {  	_ = 	snop  }
0x5: {  	_ = 	snop  }
0x6: {  	_ = 	snop  }
0x7: {  	_ = 	snop  }
__scs_overlays_trampoline_lowered:
0x8: {  	[smem:$0x3FAF] =	sst s0  }
0x9: {  	[smem:$0x3FB0] =	sst s1  }
0xa: {  	[smem:$0x3FB1] =	sst s2  }
0xb: {  	[smem:$0x3FB2] =	sst s3  }
0xc: {  	[smem:$0x3FB3] =	sst s4  }
0xd: {  	[smem:$0x3FB4] =	sst s5  }
0xe: {  	[smem:$0x3FB5] =	sst s6  }
0xf: {  	[smem:$0x3FB6] =	sst s7  }
0x10: {  	[smem:$0x3FB7] =	sst s8  }
0x11: {  	[smem:$0x3FB8] =	sst s9;
	s0 =	simm.s32 @!p0 $0x0  }
0x12: {  	s1 =	sld [smem:$0x3F9E];
	s0 =	simm.s32 @p0 $0x1  }
0x13: {  	[smem:$0x3FB9] =	sst s0;
	s0 =	simm.s32 @!p1 $0x0  }
0x14: {  	s2 =	sld [smem:$0x3F9D];
	s0 =	simm.s32 @p1 $0x1  }
0x15: {  	[smem:$0x3FBA] =	sst s0;
	s0 =	simm.s32 @!p2 $0x0  }
0x16: {  	s3 =	sld [smem:$0x3FDB];
	s0 =	simm.s32 @p2 $0x1  }
0x17: {  	s4 =	simm.s32 $0x1BF5;
	[smem:$0x3FBC] =	sst s0  }
0x18: {  	s0 =	sld [smem:$0x3F9F];
	_ =	swait.ge [sflag:s4], $0x0  }
0x19: {  	s7 =	sld [smem:$0x3FA0]  }
0x1a: {  	s8 =	sadd.s32 $0xFFFFE003, lr  }
0x1b: {  	s9 =	sadd.s32 $0xFFFFFEF7, lr;
	s5 =	simm.s32 $0xFFFFFFFF;
	p2 =	slt.u32 s8, $0xFFFFF086  }
0x1c: {  	p1 =	slt.u32 s9, $0xF7A;
	s5 =	simm.s32 @!p2 $0x0  }
0x1d: {  	s5 =	simm.s32 @p1 $0x1;
	p0 =	seq.s32 s7, s2  }
0x1e: {  	s7 =	smul.u32 @!p0 $0xF7A, s2;
	p2 =	seq.s32 @!p0 s5, $0x0  }
0x1f: {  	s9 =	smul.u32 $0xF7A, s1;
	s8 =	simm.s32 @!p0 $0x1BF5;
	p2 =	por !p2, p0  }
0x20: {  	[sflag:s8] =	ssyncset.s32 @!p0 $0xFFFFF086;
	s6 =	sadd.s32 @!p0 s3, s7;
	s7 =	simm.s32 @!p0 $0x108  }
0x21: {  	s3 =	sadd.s32 s3, s9;
	s6 =	sadd.s32 @!p0 $0x88, s6;
	s7 =	simm.s32 @p2 $0x1082  }
0x22: {  	[simem:s7], [sflag:s8] =	dma.local @!p0 [hbm:s6], $0xF7A  }
0x23: {  	s9 =	sor.u32 $0xD0000000, s2;
	s6 =	simm.s32 $0x108;
	_ =	swait.ge @!p0 [sflag:s8], $0x0  }
0x24: {  	s3 =	sadd.s32 $0x88, s3;
	s6 =	simm.s32 @!p1 $0x1082;
	[sflag:s4] =	ssyncset.s32 $0xFFFFF086  }
0x25: {  	[simem:s6], [sflag:s4] =	dma.local [hbm:s3], $0xF7A  }
0x26: {  	[smem:$0x3FA0] =	sst s1;
	(tag) =	ssettag s2;
	_ =	strace s9  }
0x27: {  	s1 =	sld [smem:$0x3FB0]  }
0x28: {  	s2 =	sld [smem:$0x3FB1]  }
0x29: {  	s4 =	sld [smem:$0x3FB3]  }
0x2a: {  	p0 =	seq.s32 s5, $0x0;
	s5 =	sld [smem:$0x3FB4]  }
0x2b: {  	s6 =	sld [smem:$0x3FB5]  }
0x2c: {  	s7 =	sld [smem:$0x3FB6]  }
0x2d: {  	s3 =	simm.s32 $0x108;
	s8 =	sld [smem:$0x3FB7]  }
0x2e: {  	s3 =	simm.s32 @!p0 $0x1082;
	s9 =	sld [smem:$0x3FB8]  }
0x2f: {  	lr =	sadd.s32 s0, s3;
	s0 =	sld [smem:$0x3FAF]  }
0x30: {  	s3 =	sld [smem:$0x3FB2]  }
0x31: {  	[smem:$0x3FBB] =	sst s10  }
0x32: {  	s10 =	sld [smem:$0x3FB9];
	_ =	sdelay $0x3  }
0x33: {  	p0 =	seq.s32 s10, $0x1;
	s10 =	sld [smem:$0x3FBB];
	_ =	sdelay $0x3  }
0x34: {  	[smem:$0x3FBB] =	sst s10  }
0x35: {  	s10 =	sld [smem:$0x3FBA];
	_ =	sdelay $0x3  }
0x36: {  	p1 =	seq.s32 s10, $0x1;
	s10 =	sld [smem:$0x3FBB];
	_ =	sdelay $0x3  }
0x37: {  	[smem:$0x3FBB] =	sst s10  }
0x38: {  	s10 =	sld [smem:$0x3FBC]  }
0x39: {  	_ = 	snop;
	(pc) =	sbr.ind lr, $3  }
0x3a: {  	_ = 	snop  }
0x3b: {  	_ = 	snop  }
0x3c: {  	p2 =	seq.s32 s10, $0x1;
	s10 =	sld [smem:$0x3FBB]  }
0x3d: {  	_ =	shalt  }
0x3e: {  	_ =	shalt  }
0x3f: {  	_ =	shalt  }
0x40: {  	_ =	shalt  }
0x41: {  	_ =	shalt  }
0x42: {  	_ =	shalt  }
0x43: {  	_ =	shalt  }
0x44: {  	_ =	shalt  }
0x45: {  	_ =	shalt  }
0x46: {  	_ =	shalt  }
0x47: {  	_ =	shalt  }
0x48: {  	_ =	shalt  }
0x49: {  	_ =	shalt  }
0x4a: {  	_ =	shalt  }
0x4b: {  	_ =	shalt  }
0x4c: {  	_ =	shalt  }
0x4d: {  	_ =	shalt  }
0x4e: {  	_ =	shalt  }
0x4f: {  	_ =	shalt  }
0x50: {  	_ =	shalt  }
0x51: {  	_ =	shalt  }
0x52: {  	_ =	shalt  }
0x53: {  	_ =	shalt  }
0x54: {  	_ =	shalt  }
0x55: {  	_ =	shalt  }
0x56: {  	_ =	shalt  }
0x57: {  	_ =	shalt  }
0x58: {  	_ =	shalt  }
0x59: {  	_ =	shalt  }
0x5a: {  	_ =	shalt  }
0x5b: {  	_ =	shalt  }
0x5c: {  	_ =	shalt  }
0x5d: {  	_ =	shalt  }
0x5e: {  	_ =	shalt  }
0x5f: {  	_ =	shalt  }
0x60: {  	_ =	shalt  }
0x61: {  	_ =	shalt  }
0x62: {  	_ =	shalt  }
0x63: {  	_ =	shalt  }
0x64: {  	_ =	shalt  }
0x65: {  	_ =	shalt  }
0x66: {  	_ =	shalt  }
0x67: {  	_ =	shalt  }
0x68: {  	_ =	shalt  }
0x69: {  	_ =	shalt  }
0x6a: {  	_ =	shalt  }
0x6b: {  	_ =	shalt  }
0x6c: {  	_ =	shalt  }
0x6d: {  	_ =	shalt  }
0x6e: {  	_ =	shalt  }
0x6f: {  	_ =	shalt  }
0x70: {  	_ =	shalt  }
0x71: {  	_ =	shalt  }
0x72: {  	_ =	shalt  }
0x73: {  	_ =	shalt  }
0x74: {  	_ =	shalt  }
0x75: {  	_ =	shalt  }
0x76: {  	_ =	shalt  }
0x77: {  	_ =	shalt  }
0x78: {  	_ =	shalt  }
0x79: {  	_ =	shalt  }
0x7a: {  	_ =	shalt  }
0x7b: {  	_ =	shalt  }
0x7c: {  	_ =	shalt  }
0x7d: {  	_ =	shalt  }
0x7e: {  	_ =	shalt  }
0x7f: {  	_ =	shalt  }
0x80: {  	_ =	shalt  }
0x81: {  	_ =	shalt  }
0x82: {  	_ =	shalt  }
0x83: {  	_ =	shalt  }
0x84: {  	_ =	shalt  }
0x85: {  	_ =	shalt  }
0x86: {  	_ =	shalt  }
0x87: {  	_ =	shalt  }
.Lfunc_end0:
.L_simem_size_0:
called_computation_lowered:
.L_overlay_start_0:
0x88: {  	s2 =	sld [smem:$0x3FD9]  }
0x89: {  	s3 =	sld [smem:$0x3FFE];
	_ =	sdelay $0x1  }
0x8a: {  	s1 =	srdreg.scid  }
0x8b: {  	s0 =	sand.u32 $0x1, s1  }
0x8c: {  	s17 =	sshll.u32 s0, $0xA;
	s2 =	sadd.s32 s3, s2  }
0x8d: {  	s2 =	sadd.s32 s2, s17  }
0x8e: {  	[smem:$0x3FC7] =	sst s2  }
0x8f: {  	_ = 	snop  }
0x90: {  	s2 =	sld [smem:$0x3FC9];
	(tm) =	ssettm $0x1  }
0x91: {  	s18 =	sld [smem:$0x3FFB];
	_ =	sdelay $0x3  }
0x92: {  	_ =	strace s18  }
0x93: {  	s3 =	sld [smem:$0x3FFC];
	_ =	sdelay $0x3  }
0x94: {  	_ =	strace s3  }
0x95: {  	s3 =	sld [smem:$0x3FFD];
	_ =	sdelay $0x3  }
0x96: {  	_ =	strace s3  }
0x97: {  	_ =	strace $0x8FFFFFFF  }
0x98: {  	s19 =	sld [smem:$0x3FDB];
	_ =	sdelay $0x1  }
0x99: {  	s4 =	simm.s32 $_scs_section_size  }
0x9a: {  	s5 =	simm.s32 $_size__tile_overlayer_lowered;
	s6 =	simm.s32 $_tile_overlayer_lowered  }
0x9b: {  	s22 =	simm.s32 $0x1BFF;
	s21 =	sshll.u32 s6, $0x1;
	s3 =	sadd.s32 s4, s19  }
0x9c: {  	s7 =	simm.s32 $0x0;
	s20 =	sshll.u32 s5, $0x1;
	s5 =	sadd.s32 s21, s3  }
0x9d: {  	[timem:s7], [sflag:s22] =	dma.local [hbm:s5], s20  }
0x9e: {  	_ =	swait.ge [sflag:s22], s20  }
0x9f: {  	s4 =	ssub.s32 $0x0, s20;
	[sflag:s22] =	ssyncset.done $0x0  }
0xa0: {  	[sflag:s22] =	ssyncadd.s32 s4;
	_ =	sdelay $0x1  }
0xa1: {  	s23 =	simm.s32 $0x1B8B  }
0xa2: {  	_ =	swait.ge [sflag:s23], $0x1  }
0xa3: {  	[sflag:s23] =	ssyncset.done $0x0  }
0xa4: {  	s25 =	simm.s32 $0x1B8E;
	s24 =	sld [smem:$0x3FFE];
	[sflag:s23] =	ssyncadd.s32 $0xFFFFFFFF  }
0xa5: {  	s26 =	simm.s32 $execute0_lowered;
	[smem:$0x3FD2] =	sst s25  }
0xa6: {  	s5 =	sshll.u32 s26, $0x1;
	_ =	strace $0x80000046;
	[dreg:$0x1] =	wrdreg $0xFFFFFFFF  }
0xa7: {  	s28 =	simm.s32 $_size_execute0_lowered;
	s3 =	sadd.s32 s3, s5;
	[dreg:$0x0] =	wrdreg $0x0  }
0xa8: {  	s5 =	sshll.u32 s28, $0x1;
	[dreg:$0x2] =	wrdreg s3  }
0xa9: {  	[dreg:$0x3] =	wrdreg s5  }
0xaa: {  	[dreg:$0x4] =	wrdreg $0xC0  }
0xab: {  	_ =	task [dreg:s7], $0x5FFFF  }
0xac: {  	[dreg:$0x1] =	wrdreg $0xFFFFFFFF  }
0xad: {  	[dreg:$0x0] =	wrdreg $0x60  }
0xae: {  	[dreg:$0x2] =	wrdreg s2  }
0xaf: {  	[dreg:$0x3] =	wrdreg s24  }
0xb0: {  	[dreg:$0x4] =	wrdreg $0x9  }
0xb1: {  	_ =	task.clear_ibuf [dreg:s7], $0x5FFFF;
	_ =	strace $0x90000046  }
0xb2: {  	s29 =	simm.s32 $0x9;
	_ =	strace $0x80000048  }
0xb3: {  	_ =	swait.ge [sflag:s29], $0x1  }
0xb4: {  	[sflag:s29] =	ssyncadd.s32 $0xFFFFFFFF  }
0xb5: {  	_ =	strace $0x90000048  }
0xb6: {  	_ =	sfence  }
0xb7: {  	s30 =	sld [smem:$0x0];
	_ =	sdelay $0x2  }
0xb8: {  	s31 =	sshll.u32 s1, $0xD;
	s1 =	sshrl.u32 s1, $0x2  }
0xb9: {  	s3 =	sand.u32 $0x4000, s31;
	s1 =	sadd.s32 s1, s30  }
0xba: {  	s0 =	sor.u32 s3, s0;
	s1 =	sshll.u32 s1, $0x11  }
0xbb: {  	s0 =	sor.u32 s1, s0  }
0xbc: {  	s0 =	sadd.s32 $0x8F2B, s0  }
0xbd: {  	[sflag:s0] =	ssyncadd.remote.s32 $0x1  }
0xbe: {  	_ =	sfence.sel $0xFFFF  }
0xbf: {  	[dreg:$0x0] =	wrdreg $0xFFFFFFFF;
	(pc) =	sbr.abs _section_cstart, $3  }
0xc0: {  	[dreg:$0x1] =	wrdreg $0xFFFFFFFF  }
0xc1: {  	_ =	task.clear_ibuf [dreg:s7], $0x2FFFF;
	_ =	strace $0x9FFFFFFF  }
0xc2: {  	(tm) =	ssettm $0x7FFFFFFF  }
0xc3: {  	_ =	shalt  }
tec
execute0_lowered:
.L_overlay_start_1:
0x0: {  	(tag) =	ssettag $0x1  }
0x1: {  	s3 =	rddreg [dreg:$0x0]  }
0x2: {  	s4 =	rddreg [dreg:$0x1];
	s2 =	srdreg.scid  }
0x3: {  	s1 =	stileid.u32;
	s0 =	rddreg [dreg:$0x2]  }
0x4: {  	s9 =	simm.s32 $0x40000000;
	s10 =	simm.s32 $0x1000;
	s11 =	simm.s32 $0x8200  }
0x5: {  	s12 =	simm.s32 $0x0;
	s5 =	sand.u32 $0x1, s2;
	s30 =	sshll.u32 s1, $0x5  }
0x6: {  	s6 =	sshll.u32 s1, $0xB;
	s2 =	simm.s32 $0x0;
	s7 =	sshll.u32 s5, $0x4  }
0x7: {  	s8 =	sand.u32 $0x60, s30;
	s6 =	sand.u32 $0x6000, s6;
	[smem:$0x7FF] =	sst s2  }
.Ltmp0:
0x8: {  	s5 =	ssub.s32 $0x2, s5;
	s7 =	sor.u32 s7, s8;
	(pc) =	sbr.rel .LBB2_1-.Ltmp0, $4  }
0x9: {  	_ =	strace $0x80000047;
	s31 =	sshrl.u32 s5, $0x1;
	s8 =	simm.s32 $0x1  }
0xa: {  	s6 =	sor.u32 s6, s7;
	s5 =	ssub.s32 s5, s31;
	s7 =	simm.s32 $0x400  }
0xb: {  	s3 =	sadd.s32 s6, s3;
	s4 =	sadd.s32 s6, s4;
	s5 =	smax.u32 s5, $0x1  }
0xc: {  	v0 =	vimm.s32 $0x0;
	v1 =	vimm.f32 $0.0e+00;
	v2 =	vlaneseq.u32;
	s6 =	simm.s32 $0x80;
	s3 =	sadd.s32 $0x18000, s3;
	s4 =	sadd.s32 $0x600, s4  }
.LBB2_27:
0xd: {  	s15 =	simm.s32 $0x0  }
.LBB2_35:
0xe: {  	s14 =	sadd.s32 @p0 $0x10, s15  }
0xf: {  	s13 =	smov.u32 @p0 s14  }
0x10: {  	v8 =	vor.u32 s13, v2  }
0x11: {  	vm0 =	vlt.s32 v8, v3  }
0x12: {  	vm1 =	veq.s32 v7, v4;
	v3 =	vsub.s32 $0x1FFF, v6  }
0x13: {  	v3 =	vnsel vm1, $0xFFFFFFFF, v3  }
0x14: {  	vm15 =	vgt.s32 v7, v4;
	vm2 =	vge.s32 v3, v5  }
0x15: {  	vm1 =	vmor vm15, vm2  }
0x16: {  	v3 =	vsel vm1, $0x3F800000, v1  }
0x17: {  	[tilespmem:v6+s11+$0x0] =	vst.idx.msk vm0, v3  }
.LBB2_36:
0x18: {  	s12 =	sadd.s32 $0x1, s12  }
0x19: {  	p0 =	sne.s32 s12, s5  }
.Ltmp1:
0x1a: {  	_ = 	snop;
	(pc) =	sbr.rel @!p0 .LBB2_37-.Ltmp1, $4  }
0x1b: {  	[hbm4b:s4+s6] =	stream.strided.scatter [tilespmem:s11], [sflag:$0x1], $0x2000, s7, s6, $0x38;
	[tilespmem:$0xA200] =	vst v63  }
0x1c: {  	_ =	swait.ge [sflag:s8], $0x2000  }
0x1d: {  	[sflag:s8] =	ssyncset.done $0x0  }
0x1e: {  	[sflag:s8] =	ssyncadd.s32 $0xFFFFE000  }
.LBB2_1:
0x1f: {  	[tilespmem:s2], [sflag:$0x1] =	stream.strided.gather [hbm4b:s3+s6], $0x2000, s7, s6, $0x38;
	[tilespmem:$0xA200] =	vst v63  }
0x20: {  	_ =	swait.ge [sflag:s8], $0x2000  }
0x21: {  	[sflag:s8] =	ssyncset.done $0x0  }
0x22: {  	s15 =	simm.s32 $0x0;
	[sflag:s8] =	ssyncadd.s32 $0xFFFFE000  }
0x23: {  	v3 =	vld [tilespmem:s15+$0x0]  }
0x24: {  	v4 =	vld [tilespmem:s15+$0x10];
	_ =	sdelay $0x1  }
0x25: {  	v5 =	vld [tilespmem:s15+$0x20];
	_ =	sdelay $0x1  }
0x26: {  	v6 =	vld [tilespmem:s15+$0x30];
	vm0 =	vlt.s32 v3, $0x0  }
0x27: {  	v7 =	vxor.u32 $0x7FFFFFFF, v3;
	vm1 =	vlt.s32 v4, $0x0;
	v8 =	vxor.u32 $0x7FFFFFFF, v4  }
0x28: {  	v3 =	vsel vm0, v7, v3;
	v7 =	vld [tilespmem:s15+$0x40];
	v4 =	vsel vm1, v8, v4  }
0x29: {  	v53 =	vxor.u32 $0x7FFFFFFF, v5;
	vm0 =	vlt.s32 v5, $0x0;
	vm1 =	vgt.s32 v3, v4  }
0x2a: {  	v54 =	vld [tilespmem:s15+$0x50];
	v5 =	vsel vm0, v53, v5;
	v9 =	vsel vm1, v3, v4  }
0x2b: {  	v10 =	vxor.u32 $0x7FFFFFFF, v6;
	vm0 =	vlt.s32 v6, $0x0;
	vm1 =	vgt.s32 v9, v5  }
0x2c: {  	v55 =	vld [tilespmem:s15+$0x60];
	v6 =	vsel vm0, v10, v6;
	v9 =	vsel vm1, v9, v5  }
0x2d: {  	vm0 =	vlt.s32 v7, $0x0;
	v11 =	vxor.u32 $0x7FFFFFFF, v7;
	vm1 =	vgt.s32 v9, v6  }
0x2e: {  	v56 =	vld [tilespmem:s15+$0x70];
	v7 =	vsel vm0, v11, v7;
	v9 =	vsel vm1, v9, v6  }
0x2f: {  	v12 =	vxor.u32 $0x7FFFFFFF, v54;
	vm0 =	vlt.s32 v54, $0x0;
	vm1 =	vgt.s32 v9, v7  }
0x30: {  	v57 =	vld [tilespmem:s15+$0x80];
	v8 =	vsel vm0, v12, v54;
	v9 =	vsel vm1, v9, v7  }
0x31: {  	v13 =	vxor.u32 $0x7FFFFFFF, v55;
	vm0 =	vlt.s32 v55, $0x0;
	vm1 =	vgt.s32 v9, v8  }
0x32: {  	v58 =	vld [tilespmem:s15+$0x90];
	v10 =	vsel vm0, v13, v55;
	v9 =	vsel vm1, v9, v8  }
0x33: {  	v14 =	vxor.u32 $0x7FFFFFFF, v56;
	vm0 =	vlt.s32 v56, $0x0;
	vm1 =	vgt.s32 v9, v10  }
0x34: {  	v59 =	vld [tilespmem:s15+$0xA0];
	v11 =	vsel vm0, v14, v56;
	v9 =	vsel vm1, v9, v10  }
0x35: {  	v15 =	vxor.u32 $0x7FFFFFFF, v57;
	vm0 =	vlt.s32 v57, $0x0;
	vm1 =	vgt.s32 v9, v11  }
0x36: {  	v60 =	vld [tilespmem:s15+$0xB0];
	[tilespmem:s15+$0x2000] =	vst v3;
	v3 =	vsel vm0, v15, v57;
	v9 =	vsel vm1, v9, v11  }
0x37: {  	[tilespmem:s15+$0x2010] =	vst v4;
	v4 =	vxor.u32 $0x7FFFFFFF, v58;
	vm0 =	vlt.s32 v58, $0x0;
	vm1 =	vgt.s32 v9, v3  }
0x38: {  	[tilespmem:s15+$0x2020] =	vst v5;
	v5 =	vld [tilespmem:s15+$0xC0];
	v4 =	vsel vm0, v4, v58;
	v9 =	vsel vm1, v9, v3  }
0x39: {  	[tilespmem:s15+$0x2030] =	vst v6;
	v6 =	vxor.u32 $0x7FFFFFFF, v59;
	vm0 =	vlt.s32 v59, $0x0;
	vm1 =	vgt.s32 v9, v4  }
0x3a: {  	[tilespmem:s15+$0x2040] =	vst v7;
	v7 =	vld [tilespmem:s15+$0xD0];
	v6 =	vsel vm0, v6, v59;
	v9 =	vsel vm1, v9, v4  }
0x3b: {  	v61 =	vxor.u32 $0x7FFFFFFF, v60;
	[tilespmem:s15+$0x2050] =	vst v8;
	vm0 =	vlt.s32 v60, $0x0;
	vm1 =	vgt.s32 v9, v6  }
0x3c: {  	v62 =	vld [tilespmem:s15+$0xE0];
	[tilespmem:s15+$0x2060] =	vst v10;
	v8 =	vsel vm0, v61, v60;
	v9 =	vsel vm1, v9, v6  }
0x3d: {  	v63 =	vxor.u32 $0x7FFFFFFF, v5;
	[tilespmem:s15+$0x2070] =	vst v11;
	vm0 =	vlt.s32 v5, $0x0;
	vm1 =	vgt.s32 v9, v8  }
0x3e: {  	[tilespmem:s15+$0x2080] =	vst v3;
	v3 =	vsel vm0, v63, v5;
	v5 =	vld [tilespmem:s15+$0xF0];
	v9 =	vsel vm1, v9, v8  }
0x3f: {  	[tilespmem:s15+$0x2090] =	vst v4;
	vm0 =	vlt.s32 v7, $0x0;
	v4 =	vxor.u32 $0x7FFFFFFF, v7;
	vm1 =	vgt.s32 v9, v3  }
0x40: {  	[tilespmem:s15+$0x20A0] =	vst v6;
	v4 =	vsel vm0, v4, v7;
	v6 =	vsel vm1, v9, v3  }
0x41: {  	[tilespmem:s15+$0x20B0] =	vst v8;
	vm0 =	vlt.s32 v62, $0x0;
	v7 =	vxor.u32 $0x7FFFFFFF, v62;
	vm1 =	vgt.s32 v6, v4  }
0x42: {  	[tilespmem:s15+$0x20C0] =	vst v3;
	v7 =	vsel vm0, v7, v62;
	v6 =	vsel vm1, v6, v4  }
0x43: {  	[tilespmem:s15+$0x20D0] =	vst v4;
	vm0 =	vlt.s32 v5, $0x0;
	v3 =	vxor.u32 $0x7FFFFFFF, v5;
	vm1 =	vgt.s32 v6, v7  }
0x44: {  	[tilespmem:s15+$0x20E0] =	vst v7;
	v3 =	vsel vm0, v3, v5;
	v4 =	vsel vm1, v6, v7  }
0x45: {  	s13 =	simm.s32 $0x8000;
	s14 =	simm.s32 $0x400;
	[tilespmem:s15+$0x20F0] =	vst v3;
	s15 =	simm.s32 $0x8000;
	vm0 =	vgt.s32 v4, v3  }
.LBB2_2:
0x46: {  	p0 =	sne.s32 s14, $0x7C00  }
0x47: {  	v3 =	vsel vm0, v4, v3;
	s13 =	sadd.s32 $0x10, s13;
	s16 =	smov.u32 s14;
	s14 =	sadd.s32 $0x400, s14  }
0x48: {  	s16 =	sshra.s32 s16, $0x2;
	[tilespmem:s15+$0x0] =	vst v3;
	s15 =	smov.u32 s13  }
0x49: {  	v3 =	vld [tilespmem:s16+$0x0]  }
0x4a: {  	v4 =	vld [tilespmem:s16+$0x10]  }
0x4b: {  	v5 =	vld [tilespmem:s16+$0x20];
	_ =	sdelay $0x1  }
0x4c: {  	v6 =	vld [tilespmem:s16+$0x30]  }
0x4d: {  	vm0 =	vlt.s32 v3, $0x0;
	v7 =	vxor.u32 $0x7FFFFFFF, v3  }
0x4e: {  	v3 =	vsel vm0, v7, v3;
	vm0 =	vlt.s32 v4, $0x0;
	v7 =	vxor.u32 $0x7FFFFFFF, v4;
	v8 =	vld [tilespmem:s16+$0x40]  }
0x4f: {  	[tilespmem:s16+$0x2000] =	vst v3;
	v4 =	vsel vm0, v7, v4;
	vm0 =	vlt.s32 v5, $0x0;
	v7 =	vxor.u32 $0x7FFFFFFF, v5  }
0x50: {  	[tilespmem:s16+$0x2010] =	vst v4;
	vm1 =	vgt.s32 v3, v4;
	v5 =	vsel vm0, v7, v5;
	v7 =	vld [tilespmem:s16+$0x50]  }
0x51: {  	v3 =	vsel vm1, v3, v4;
	[tilespmem:s16+$0x2020] =	vst v5;
	vm0 =	vlt.s32 v6, $0x0;
	v4 =	vxor.u32 $0x7FFFFFFF, v6  }
0x52: {  	vm1 =	vgt.s32 v3, v5;
	v4 =	vsel vm0, v4, v6;
	v6 =	vld [tilespmem:s16+$0x60]  }
0x53: {  	v3 =	vsel vm1, v3, v5;
	[tilespmem:s16+$0x2030] =	vst v4;
	vm0 =	vlt.s32 v8, $0x0;
	v5 =	vxor.u32 $0x7FFFFFFF, v8  }
0x54: {  	vm1 =	vgt.s32 v3, v4;
	v5 =	vsel vm0, v5, v8;
	v8 =	vld [tilespmem:s16+$0x70]  }
0x55: {  	v3 =	vsel vm1, v3, v4;
	[tilespmem:s16+$0x2040] =	vst v5;
	vm0 =	vlt.s32 v7, $0x0;
	v4 =	vxor.u32 $0x7FFFFFFF, v7  }
0x56: {  	vm1 =	vgt.s32 v3, v5;
	v4 =	vsel vm0, v4, v7;
	v7 =	vld [tilespmem:s16+$0x80]  }
0x57: {  	v3 =	vsel vm1, v3, v5;
	[tilespmem:s16+$0x2050] =	vst v4;
	vm0 =	vlt.s32 v6, $0x0;
	v5 =	vxor.u32 $0x7FFFFFFF, v6  }
0x58: {  	vm1 =	vgt.s32 v3, v4;
	v5 =	vsel vm0, v5, v6;
	v6 =	vld [tilespmem:s16+$0x90]  }
0x59: {  	v3 =	vsel vm1, v3, v4;
	[tilespmem:s16+$0x2060] =	vst v5;
	vm0 =	vlt.s32 v8, $0x0;
	v4 =	vxor.u32 $0x7FFFFFFF, v8  }
0x5a: {  	vm1 =	vgt.s32 v3, v5;
	v4 =	vsel vm0, v4, v8;
	v8 =	vld [tilespmem:s16+$0xA0]  }
0x5b: {  	v3 =	vsel vm1, v3, v5;
	[tilespmem:s16+$0x2070] =	vst v4;
	vm0 =	vlt.s32 v7, $0x0;
	v5 =	vxor.u32 $0x7FFFFFFF, v7  }
0x5c: {  	vm1 =	vgt.s32 v3, v4;
	v5 =	vsel vm0, v5, v7;
	v7 =	vld [tilespmem:s16+$0xB0]  }
0x5d: {  	v3 =	vsel vm1, v3, v4;
	[tilespmem:s16+$0x2080] =	vst v5;
	vm0 =	vlt.s32 v6, $0x0;
	v4 =	vxor.u32 $0x7FFFFFFF, v6  }
0x5e: {  	vm1 =	vgt.s32 v3, v5;
	v4 =	vsel vm0, v4, v6;
	v6 =	vld [tilespmem:s16+$0xC0]  }
0x5f: {  	v3 =	vsel vm1, v3, v5;
	[tilespmem:s16+$0x2090] =	vst v4;
	vm0 =	vlt.s32 v8, $0x0;
	v5 =	vxor.u32 $0x7FFFFFFF, v8  }
0x60: {  	vm1 =	vgt.s32 v3, v4;
	v5 =	vsel vm0, v5, v8;
	v8 =	vld [tilespmem:s16+$0xD0]  }
0x61: {  	v3 =	vsel vm1, v3, v4;
	[tilespmem:s16+$0x20A0] =	vst v5;
	vm0 =	vlt.s32 v7, $0x0;
	v4 =	vxor.u32 $0x7FFFFFFF, v7  }
0x62: {  	vm1 =	vgt.s32 v3, v5;
	v4 =	vsel vm0, v4, v7;
	v7 =	vld [tilespmem:s16+$0xE0]  }
0x63: {  	v3 =	vsel vm1, v3, v5;
	[tilespmem:s16+$0x20B0] =	vst v4;
	vm0 =	vlt.s32 v6, $0x0;
	v5 =	vxor.u32 $0x7FFFFFFF, v6  }
0x64: {  	vm1 =	vgt.s32 v3, v4;
	v5 =	vsel vm0, v5, v6;
	v6 =	vld [tilespmem:s16+$0xF0]  }
0x65: {  	v3 =	vsel vm1, v3, v4;
	[tilespmem:s16+$0x20C0] =	vst v5;
	vm0 =	vlt.s32 v8, $0x0;
	v4 =	vxor.u32 $0x7FFFFFFF, v8  }
0x66: {  	vm1 =	vgt.s32 v3, v5;
	v4 =	vsel vm0, v4, v8  }
0x67: {  	v3 =	vsel vm1, v3, v5;
	[tilespmem:s16+$0x20D0] =	vst v4;
	vm0 =	vlt.s32 v7, $0x0;
	v5 =	vxor.u32 $0x7FFFFFFF, v7  }
.Ltmp2:
0x68: {  	vm1 =	vgt.s32 v3, v4;
	v5 =	vsel vm0, v5, v7;
	(pc) =	sbr.rel @p0 .LBB2_2-.Ltmp2, $4  }
0x69: {  	v4 =	vsel vm1, v3, v4;
	[tilespmem:s16+$0x20E0] =	vst v5;
	vm0 =	vlt.s32 v6, $0x0;
	v3 =	vxor.u32 $0x7FFFFFFF, v6  }
0x6a: {  	vm1 =	vgt.s32 v4, v5;
	v3 =	vsel vm0, v3, v6  }
0x6b: {  	v4 =	vsel vm1, v4, v5;
	[tilespmem:s16+$0x20F0] =	vst v3  }
0x6c: {  	vm0 =	vgt.s32 v4, v3  }
0x6d: {  	v3 =	vsel vm0, v4, v3  }
0x6e: {  	[tilespmem:s15+$0x0] =	vst v3  }
0x6f: {  	v15 =	vld [tilespmem:$0x8000]  }
0x70: {  	v16 =	vld [tilespmem:$0x8010]  }
0x71: {  	v12 =	vld [tilespmem:$0x8020]  }
0x72: {  	v9 =	vld [tilespmem:$0x8030]  }
0x73: {  	v6 =	vld [tilespmem:$0x8040]  }
0x74: {  	v3 =	vld [tilespmem:$0x8050]  }
0x75: {  	v4 =	vld [tilespmem:$0x8060];
	vm9 =	vgt.s32 v15, $0xFFFFFFFF;
	vm1 =	vgt.s32 v16, $0xFFFFFFFF  }
0x76: {  	v5 =	vld [tilespmem:$0x8070];
	vm10 =	vgt.s32 v12, $0xFFFFFFFF;
	v7 =	vsel vm9, $0x1, v0;
	v8 =	vsel vm1, $0x1, v0  }
0x77: {  	vm11 =	vgt.s32 v9, $0xFFFFFFFF;
	v10 =	vsel vm10, $0x1, v0;
	v8 =	vadd.s32 v8, v7;
	v7 =	vld [tilespmem:$0x8080]  }
0x78: {  	vm12 =	vgt.s32 v6, $0xFFFFFFFF;
	v11 =	vsel vm11, $0x1, v0;
	v10 =	vadd.s32 v10, v8;
	v8 =	vld [tilespmem:$0x8090]  }
0x79: {  	vm13 =	vgt.s32 v3, $0xFFFFFFFF;
	v13 =	vsel vm12, $0x1, v0;
	v11 =	vadd.s32 v11, v10;
	v10 =	vld [tilespmem:$0x80A0]  }
0x7a: {  	vm14 =	vgt.s32 v4, $0xFFFFFFFF;
	v14 =	vsel vm13, $0x1, v0;
	v13 =	vadd.s32 v13, v11;
	v11 =	vld [tilespmem:$0x80B0]  }
0x7b: {  	vm15 =	vgt.s32 v5, $0xFFFFFFFF;
	v17 =	vsel vm14, $0x1, v0;
	v14 =	vadd.s32 v14, v13;
	v13 =	vld [tilespmem:$0x80C0]  }
0x7c: {  	v18 =	vsel vm15, $0x1, v0;
	v17 =	vadd.s32 v17, v14;
	vm4 =	vgt.s32 v7, $0xFFFFFFFF;
	v14 =	vld [tilespmem:$0x80D0]  }
0x7d: {  	v18 =	vadd.s32 v18, v17;
	v19 =	vsel vm4, $0x1, v0;
	vm5 =	vgt.s32 v8, $0xFFFFFFFF;
	v17 =	vld [tilespmem:$0x80E0]  }
0x7e: {  	v19 =	vadd.s32 v19, v18;
	v20 =	vsel vm5, $0x1, v0;
	vm6 =	vgt.s32 v10, $0xFFFFFFFF;
	v18 =	vld [tilespmem:$0x80F0]  }
0x7f: {  	v20 =	vadd.s32 v20, v19;
	v21 =	vsel vm6, $0x1, v0;
	vm7 =	vgt.s32 v11, $0xFFFFFFFF;
	v19 =	vld [tilespmem:$0x8100]  }
0x80: {  	v21 =	vadd.s32 v21, v20;
	v22 =	vsel vm7, $0x1, v0;
	vm8 =	vgt.s32 v13, $0xFFFFFFFF;
	v20 =	vld [tilespmem:$0x8110]  }
0x81: {  	v22 =	vadd.s32 v22, v21;
	v23 =	vsel vm8, $0x1, v0;
	vm9 =	vgt.s32 v14, $0xFFFFFFFF;
	v21 =	vld [tilespmem:$0x8120]  }
0x82: {  	v23 =	vadd.s32 v23, v22;
	v24 =	vsel vm9, $0x1, v0;
	vm10 =	vgt.s32 v17, $0xFFFFFFFF;
	v22 =	vld [tilespmem:$0x8130]  }
0x83: {  	v24 =	vadd.s32 v24, v23;
	v25 =	vsel vm10, $0x1, v0;
	vm11 =	vgt.s32 v18, $0xFFFFFFFF;
	v23 =	vld [tilespmem:$0x8140]  }
0x84: {  	v25 =	vadd.s32 v25, v24;
	v26 =	vsel vm11, $0x1, v0;
	vm12 =	vgt.s32 v19, $0xFFFFFFFF;
	v24 =	vld [tilespmem:$0x8150]  }
0x85: {  	v26 =	vadd.s32 v26, v25;
	v27 =	vsel vm12, $0x1, v0;
	vm13 =	vgt.s32 v20, $0xFFFFFFFF;
	v25 =	vld [tilespmem:$0x8160]  }
0x86: {  	v27 =	vadd.s32 v27, v26;
	v28 =	vsel vm13, $0x1, v0;
	vm14 =	vgt.s32 v21, $0xFFFFFFFF;
	v26 =	vld [tilespmem:$0x8170]  }
0x87: {  	v28 =	vadd.s32 v28, v27;
	v29 =	vsel vm14, $0x1, v0;
	vm15 =	vgt.s32 v22, $0xFFFFFFFF;
	v27 =	vld [tilespmem:$0x8180]  }
0x88: {  	v29 =	vadd.s32 v29, v28;
	v30 =	vsel vm15, $0x1, v0;
	vm4 =	vgt.s32 v23, $0xFFFFFFFF;
	v28 =	vld [tilespmem:$0x8190]  }
0x89: {  	v30 =	vadd.s32 v30, v29;
	v31 =	vsel vm4, $0x1, v0;
	vm5 =	vgt.s32 v24, $0xFFFFFFFF;
	v29 =	vld [tilespmem:$0x81A0]  }
0x8a: {  	v31 =	vadd.s32 v31, v30;
	v32 =	vsel vm5, $0x1, v0;
	vm6 =	vgt.s32 v25, $0xFFFFFFFF;
	v30 =	vld [tilespmem:$0x81B0]  }
0x8b: {  	v32 =	vadd.s32 v32, v31;
	v33 =	vsel vm6, $0x1, v0;
	vm7 =	vgt.s32 v26, $0xFFFFFFFF;
	v31 =	vld [tilespmem:$0x81C0]  }
0x8c: {  	v33 =	vadd.s32 v33, v32;
	v34 =	vsel vm7, $0x1, v0;
	vm8 =	vgt.s32 v27, $0xFFFFFFFF;
	v32 =	vld [tilespmem:$0x81D0]  }
0x8d: {  	v34 =	vadd.s32 v34, v33;
	v35 =	vsel vm8, $0x1, v0;
	vm9 =	vgt.s32 v28, $0xFFFFFFFF;
	v33 =	vld [tilespmem:$0x81E0]  }
0x8e: {  	v35 =	vadd.s32 v35, v34;
	v36 =	vsel vm9, $0x1, v0;
	vm10 =	vgt.s32 v29, $0xFFFFFFFF;
	v34 =	vld [tilespmem:$0x81F0]  }
0x8f: {  	v35 =	vadd.s32 v36, v35;
	v58 =	vsel vm10, $0x1, v0;
	vm11 =	vgt.s32 v30, $0xFFFFFFFF  }
0x90: {  	v35 =	vadd.s32 v58, v35;
	v59 =	vsel vm11, $0x1, v0;
	vm12 =	vgt.s32 v31, $0xFFFFFFFF  }
0x91: {  	v35 =	vadd.s32 v59, v35;
	v60 =	vsel vm12, $0x1, v0;
	vm13 =	vgt.s32 v32, $0xFFFFFFFF  }
0x92: {  	v35 =	vadd.s32 v60, v35;
	v61 =	vsel vm13, $0x1, v0;
	vm14 =	vgt.s32 v33, $0xFFFFFFFF  }
0x93: {  	v35 =	vadd.s32 v61, v35;
	v62 =	vsel vm14, $0x1, v0;
	vm15 =	vgt.s32 v34, $0xFFFFFFFF  }
0x94: {  	v35 =	vadd.s32 v62, v35;
	v63 =	vsel vm15, $0x1, v0  }
0x95: {  	v35 =	vadd.s32 v63, v35  }
0x96: {  	(xrf0) =	vadd.scan.msk.s32 $0xffff, v35;
	_ =	sdelay $0x5  }
0x97: {  	v35, _, _ =	vpop (xrf0)  }
0x98: {  	(v2sf) =	vpush v35, $0xF;
	_ =	sdelay $0xe  }
0x99: {  	s13 =	spop (v2sf)  }
0x9a: {  	p0 =	sgt.s32 s13, $0x3F;
	s13 =	simm.s32 $0x0  }
0x9b: {  	s16 =	simm.s32 $0x40000000;
	s14 =	simm.s32 $0x1;
	s13 =	simm.s32 @!p0 $0x80000000  }
.LBB2_4:
0x9c: {  	p0 =	seq.s32 s14, $0xE;
	s15 =	sor.u32 s16, s13  }
0x9d: {  	vm0 =	vge.s32 v15, s15;
	vm1 =	vge.s32 v16, s15  }
0x9e: {  	v35 =	vsel vm0, $0x1, v0;
	v36 =	vsel vm1, $0x1, v0;
	vm0 =	vge.s32 v12, s15  }
0x9f: {  	v35 =	vadd.s32 v36, v35;
	v36 =	vsel vm0, $0x1, v0;
	vm0 =	vge.s32 v9, s15  }
0xa0: {  	v35 =	vadd.s32 v36, v35;
	v36 =	vsel vm0, $0x1, v0;
	vm0 =	vge.s32 v6, s15  }
0xa1: {  	v35 =	vadd.s32 v36, v35;
	v36 =	vsel vm0, $0x1, v0;
	vm0 =	vge.s32 v3, s15  }
0xa2: {  	v35 =	vadd.s32 v36, v35;
	v36 =	vsel vm0, $0x1, v0;
	vm0 =	vge.s32 v4, s15  }
0xa3: {  	v35 =	vadd.s32 v36, v35;
	v36 =	vsel vm0, $0x1, v0;
	vm0 =	vge.s32 v5, s15  }
0xa4: {  	v35 =	vadd.s32 v36, v35;
	v36 =	vsel vm0, $0x1, v0;
	vm0 =	vge.s32 v7, s15  }
0xa5: {  	v35 =	vadd.s32 v36, v35;
	v36 =	vsel vm0, $0x1, v0;
	vm0 =	vge.s32 v8, s15  }
0xa6: {  	v35 =	vadd.s32 v36, v35;
	v36 =	vsel vm0, $0x1, v0;
	vm0 =	vge.s32 v10, s15  }
0xa7: {  	v35 =	vadd.s32 v36, v35;
	v36 =	vsel vm0, $0x1, v0;
	vm0 =	vge.s32 v11, s15  }
0xa8: {  	v35 =	vadd.s32 v36, v35;
	v36 =	vsel vm0, $0x1, v0;
	vm0 =	vge.s32 v13, s15  }
0xa9: {  	v35 =	vadd.s32 v36, v35;
	v36 =	vsel vm0, $0x1, v0;
	vm0 =	vge.s32 v14, s15  }
0xaa: {  	v35 =	vadd.s32 v36, v35;
	v36 =	vsel vm0, $0x1, v0;
	vm0 =	vge.s32 v17, s15  }
0xab: {  	v35 =	vadd.s32 v36, v35;
	v36 =	vsel vm0, $0x1, v0;
	vm0 =	vge.s32 v18, s15  }
0xac: {  	v35 =	vadd.s32 v36, v35;
	v36 =	vsel vm0, $0x1, v0;
	vm0 =	vge.s32 v19, s15  }
0xad: {  	v35 =	vadd.s32 v36, v35;
	v36 =	vsel vm0, $0x1, v0;
	vm0 =	vge.s32 v20, s15  }
0xae: {  	v35 =	vadd.s32 v36, v35;
	v36 =	vsel vm0, $0x1, v0;
	vm0 =	vge.s32 v21, s15  }
0xaf: {  	v35 =	vadd.s32 v36, v35;
	v36 =	vsel vm0, $0x1, v0;
	vm0 =	vge.s32 v22, s15  }
0xb0: {  	v35 =	vadd.s32 v36, v35;
	v36 =	vsel vm0, $0x1, v0;
	vm0 =	vge.s32 v23, s15  }
0xb1: {  	v35 =	vadd.s32 v36, v35;
	v36 =	vsel vm0, $0x1, v0;
	vm0 =	vge.s32 v24, s15  }
0xb2: {  	v35 =	vadd.s32 v36, v35;
	v36 =	vsel vm0, $0x1, v0;
	vm0 =	vge.s32 v25, s15  }
0xb3: {  	v35 =	vadd.s32 v36, v35;
	v36 =	vsel vm0, $0x1, v0;
	vm0 =	vge.s32 v26, s15  }
0xb4: {  	v35 =	vadd.s32 v36, v35;
	v36 =	vsel vm0, $0x1, v0;
	vm0 =	vge.s32 v27, s15  }
0xb5: {  	v35 =	vadd.s32 v36, v35;
	v36 =	vsel vm0, $0x1, v0;
	vm0 =	vge.s32 v28, s15  }
0xb6: {  	v35 =	vadd.s32 v36, v35;
	v36 =	vsel vm0, $0x1, v0;
	vm0 =	vge.s32 v29, s15  }
0xb7: {  	v35 =	vadd.s32 v36, v35;
	v36 =	vsel vm0, $0x1, v0;
	vm0 =	vge.s32 v30, s15  }
0xb8: {  	v35 =	vadd.s32 v36, v35;
	v36 =	vsel vm0, $0x1, v0;
	vm0 =	vge.s32 v31, s15  }
0xb9: {  	v35 =	vadd.s32 v36, v35;
	v36 =	vsel vm0, $0x1, v0;
	vm0 =	vge.s32 v32, s15  }
0xba: {  	v35 =	vadd.s32 v36, v35;
	v36 =	vsel vm0, $0x1, v0;
	vm0 =	vge.s32 v33, s15  }
0xbb: {  	v35 =	vadd.s32 v36, v35;
	v36 =	vsel vm0, $0x1, v0;
	vm0 =	vge.s32 v34, s15  }
0xbc: {  	v35 =	vadd.s32 v36, v35;
	v36 =	vsel vm0, $0x1, v0  }
0xbd: {  	v35 =	vadd.s32 v36, v35  }
0xbe: {  	(xrf0) =	vadd.scan.msk.s32 $0xffff, v35;
	_ =	sdelay $0x5  }
0xbf: {  	v35, _, _ =	vpop (xrf0)  }
0xc0: {  	(v2sf) =	vpush v35, $0xF;
	_ =	sdelay $0xc  }
.Ltmp3:
0xc1: {  	(pc) =	sbr.rel @!p0 .LBB2_4-.Ltmp3, $4  }
0xc2: {  	_ = 	snop  }
0xc3: {  	s16 =	spop (v2sf)  }
0xc4: {  	p1 =	sgt.s32 s16, $0x3F  }
0xc5: {  	s16 =	sshrl.u32 s9, s14;
	s14 =	sadd.s32 $0x1, s14;
	s13 =	smov.u32 @p1 s15  }
0xc6: {  	s14 =	sor.u32 s16, s13  }
0xc7: {  	vm0 =	vge.s32 v15, s14;
	vm1 =	vge.s32 v16, s14  }
0xc8: {  	v15 =	vsel vm0, $0x1, v0;
	v16 =	vsel vm1, $0x1, v0;
	vm0 =	vge.s32 v12, s14  }
0xc9: {  	v59 =	vadd.s32 v16, v15;
	v60 =	vsel vm0, $0x1, v0;
	vm0 =	vge.s32 v9, s14  }
0xca: {  	v61 =	vadd.s32 v60, v59;
	v62 =	vsel vm0, $0x1, v0;
	vm0 =	vge.s32 v6, s14  }
0xcb: {  	v6 =	vadd.s32 v62, v61;
	v63 =	vsel vm0, $0x1, v0;
	vm0 =	vge.s32 v3, s14  }
0xcc: {  	v3 =	vadd.s32 v63, v6;
	v6 =	vsel vm0, $0x1, v0;
	vm0 =	vge.s32 v4, s14  }
0xcd: {  	v3 =	vadd.s32 v6, v3;
	v4 =	vsel vm0, $0x1, v0;
	vm0 =	vge.s32 v5, s14  }
0xce: {  	v3 =	vadd.s32 v4, v3;
	v4 =	vsel vm0, $0x1, v0;
	vm0 =	vge.s32 v7, s14  }
0xcf: {  	v3 =	vadd.s32 v4, v3;
	v4 =	vsel vm0, $0x1, v0;
	vm0 =	vge.s32 v8, s14  }
0xd0: {  	v3 =	vadd.s32 v4, v3;
	v4 =	vsel vm0, $0x1, v0;
	vm0 =	vge.s32 v10, s14  }
0xd1: {  	v3 =	vadd.s32 v4, v3;
	v4 =	vsel vm0, $0x1, v0;
	vm0 =	vge.s32 v11, s14  }
0xd2: {  	v3 =	vadd.s32 v4, v3;
	v4 =	vsel vm0, $0x1, v0;
	vm0 =	vge.s32 v13, s14  }
0xd3: {  	v3 =	vadd.s32 v4, v3;
	v4 =	vsel vm0, $0x1, v0;
	vm0 =	vge.s32 v14, s14  }
0xd4: {  	v3 =	vadd.s32 v4, v3;
	v4 =	vsel vm0, $0x1, v0;
	vm0 =	vge.s32 v17, s14  }
0xd5: {  	v3 =	vadd.s32 v4, v3;
	v4 =	vsel vm0, $0x1, v0;
	vm0 =	vge.s32 v18, s14  }
0xd6: {  	v3 =	vadd.s32 v4, v3;
	v4 =	vsel vm0, $0x1, v0;
	vm0 =	vge.s32 v19, s14  }
0xd7: {  	v3 =	vadd.s32 v4, v3;
	v4 =	vsel vm0, $0x1, v0;
	vm0 =	vge.s32 v20, s14  }
0xd8: {  	v3 =	vadd.s32 v4, v3;
	v4 =	vsel vm0, $0x1, v0;
	vm0 =	vge.s32 v21, s14  }
0xd9: {  	v3 =	vadd.s32 v4, v3;
	v4 =	vsel vm0, $0x1, v0;
	vm0 =	vge.s32 v22, s14  }
0xda: {  	v3 =	vadd.s32 v4, v3;
	v4 =	vsel vm0, $0x1, v0;
	vm0 =	vge.s32 v23, s14  }
0xdb: {  	v3 =	vadd.s32 v4, v3;
	v4 =	vsel vm0, $0x1, v0;
	vm0 =	vge.s32 v24, s14  }
0xdc: {  	v3 =	vadd.s32 v4, v3;
	v4 =	vsel vm0, $0x1, v0;
	vm0 =	vge.s32 v25, s14  }
0xdd: {  	v3 =	vadd.s32 v4, v3;
	v4 =	vsel vm0, $0x1, v0;
	vm0 =	vge.s32 v26, s14  }
0xde: {  	v3 =	vadd.s32 v4, v3;
	v4 =	vsel vm0, $0x1, v0;
	vm0 =	vge.s32 v27, s14  }
0xdf: {  	v3 =	vadd.s32 v4, v3;
	v4 =	vsel vm0, $0x1, v0;
	vm0 =	vge.s32 v28, s14  }
0xe0: {  	v3 =	vadd.s32 v4, v3;
	v4 =	vsel vm0, $0x1, v0;
	vm0 =	vge.s32 v29, s14  }
0xe1: {  	v3 =	vadd.s32 v4, v3;
	v4 =	vsel vm0, $0x1, v0;
	vm0 =	vge.s32 v30, s14  }
0xe2: {  	v3 =	vadd.s32 v4, v3;
	v4 =	vsel vm0, $0x1, v0;
	vm0 =	vge.s32 v31, s14  }
0xe3: {  	v3 =	vadd.s32 v4, v3;
	v4 =	vsel vm0, $0x1, v0;
	vm0 =	vge.s32 v32, s14  }
0xe4: {  	v3 =	vadd.s32 v4, v3;
	v4 =	vsel vm0, $0x1, v0;
	vm0 =	vge.s32 v33, s14  }
0xe5: {  	v3 =	vadd.s32 v4, v3;
	v4 =	vsel vm0, $0x1, v0;
	vm0 =	vge.s32 v34, s14  }
0xe6: {  	v3 =	vadd.s32 v4, v3;
	v4 =	vsel vm0, $0x1, v0  }
0xe7: {  	v3 =	vadd.s32 v4, v3  }
0xe8: {  	(xrf0) =	vadd.scan.msk.s32 $0xffff, v3;
	_ =	sdelay $0x5  }
0xe9: {  	v3, _, _ =	vpop (xrf0)  }
0xea: {  	(v2sf) =	vpush v3, $0xF;
	_ =	sdelay $0xc  }
0xeb: {  	s31 =	simm.s32 $0x2040  }
0xec: {  	v4 =	vld [tilespmem:s31+$0xFFFFFFC0]  }
0xed: {  	s15 =	spop (v2sf)  }
0xee: {  	p0 =	sgt.s32 s15, $0x3F  }
0xef: {  	s13 =	smov.u32 @p0 s14  }
0xf0: {  	v3 =	vmov s13  }
0xf1: {  	vm0 =	vge.s32 v4, v3  }
0xf2: {  	s14 =	simm.s32 $0x8240;
	v5 =	vsel vm0, $0x3F800000, v1;
	v6 =	vsel vm0, $0x1, v0  }
0xf3: {  	s30 =	simm.s32 $0x0;
	s17 =	simm.s32 $0x0;
	[tilespmem:s14+$0xFFFFFFC0] =	vst v5;
	(xrf0) =	vadd.scan.msk.s32 $0xffff, v6  }
0xf4: {  	[tilespmem:s30+$0x4000] =	vst.msk vm0, v4;
	v4 =	vor.u32 s17, v2  }
0xf5: {  	[tilespmem:s30+$0x6000] =	vst.msk vm0, v4  }
0xf6: {  	v4 =	vld [tilespmem:s31+$0xFFFFFFD0];
	_ =	sdelay $0x2  }
0xf7: {  	v5, _, _ =	vpop (xrf0)  }
0xf8: {  	(v2sf) =	vpush v5, $0xF  }
0xf9: {  	vm0 =	vge.s32 v4, v3  }
0xfa: {  	v5 =	vsel vm0, $0x1, v0  }
0xfb: {  	(xrf0) =	vadd.scan.msk.s32 $0xffff, v5;
	_ =	sdelay $0x5  }
0xfc: {  	v5, _, _ =	vpop (xrf0)  }
0xfd: {  	(v2sf) =	vpush v5, $0xF;
	_ =	sdelay $0x4  }
0xfe: {  	v5 =	vsel vm0, $0x3F800000, v1;
	s18 =	spop (v2sf)  }
0xff: {  	s19 =	simm.s32 $0x10;
	[tilespmem:s14+$0xFFFFFFD0] =	vst v5;
	s16 =	sadd.s32 $0x0, s18  }
0x100: {  	[tilespmem:s16+$0x4000] =	vst.msk vm0, v4;
	v4 =	vor.u32 s19, v2  }
0x101: {  	[tilespmem:s16+$0x6000] =	vst.msk vm0, v4  }
0x102: {  	v4 =	vld [tilespmem:s31+$0xFFFFFFE0];
	_ =	sdelay $0x4  }
0x103: {  	vm0 =	vge.s32 v4, v3  }
0x104: {  	v5 =	vsel vm0, $0x3F800000, v1;
	v6 =	vsel vm0, $0x1, v0;
	s20 =	spop (v2sf)  }
0x105: {  	s21 =	simm.s32 $0x20;
	s16 =	sadd.s32 s16, s20;
	[tilespmem:s14+$0xFFFFFFE0] =	vst v5;
	(xrf0) =	vadd.scan.msk.s32 $0xffff, v6  }
0x106: {  	[tilespmem:s16+$0x4000] =	vst.msk vm0, v4;
	v4 =	vor.u32 s21, v2  }
0x107: {  	[tilespmem:s16+$0x6000] =	vst.msk vm0, v4  }
0x108: {  	v4 =	vld [tilespmem:s31+$0xFFFFFFF0];
	_ =	sdelay $0x2  }
0x109: {  	v5, _, _ =	vpop (xrf0)  }
0x10a: {  	(v2sf) =	vpush v5, $0xF  }
0x10b: {  	vm0 =	vge.s32 v4, v3  }
0x10c: {  	v5 =	vsel vm0, $0x1, v0  }
0x10d: {  	(xrf0) =	vadd.scan.msk.s32 $0xffff, v5;
	_ =	sdelay $0x5  }
0x10e: {  	v5, _, _ =	vpop (xrf0)  }
0x10f: {  	(v2sf) =	vpush v5, $0xF;
	_ =	sdelay $0x4  }
0x110: {  	v5 =	vsel vm0, $0x3F800000, v1;
	s22 =	spop (v2sf)  }
0x111: {  	s23 =	simm.s32 $0x30;
	[tilespmem:s14+$0xFFFFFFF0] =	vst v5;
	s16 =	sadd.s32 s16, s22  }
0x112: {  	[tilespmem:s16+$0x4000] =	vst.msk vm0, v4;
	v4 =	vor.u32 s23, v2  }
0x113: {  	[tilespmem:s16+$0x6000] =	vst.msk vm0, v4  }
0x114: {  	v4 =	vld [tilespmem:s31+$0x0];
	_ =	sdelay $0x4  }
0x115: {  	vm0 =	vge.s32 v4, v3  }
0x116: {  	v5 =	vsel vm0, $0x3F800000, v1;
	v6 =	vsel vm0, $0x1, v0;
	s24 =	spop (v2sf)  }
0x117: {  	s25 =	simm.s32 $0x40;
	s16 =	sadd.s32 s16, s24;
	[tilespmem:s14+$0x0] =	vst v5;
	(xrf0) =	vadd.scan.msk.s32 $0xffff, v6  }
0x118: {  	[tilespmem:s16+$0x4000] =	vst.msk vm0, v4;
	v4 =	vor.u32 s25, v2  }
0x119: {  	[tilespmem:s16+$0x6000] =	vst.msk vm0, v4  }
0x11a: {  	v4 =	vld [tilespmem:s31+$0x10];
	_ =	sdelay $0x2  }
0x11b: {  	v5, _, _ =	vpop (xrf0)  }
0x11c: {  	(v2sf) =	vpush v5, $0xF  }
0x11d: {  	vm0 =	vge.s32 v4, v3  }
0x11e: {  	v5 =	vsel vm0, $0x1, v0  }
0x11f: {  	(xrf0) =	vadd.scan.msk.s32 $0xffff, v5;
	_ =	sdelay $0x5  }
0x120: {  	v5, _, _ =	vpop (xrf0)  }
0x121: {  	(v2sf) =	vpush v5, $0xF;
	_ =	sdelay $0x4  }
0x122: {  	v5 =	vsel vm0, $0x3F800000, v1;
	s26 =	spop (v2sf)  }
0x123: {  	s28 =	simm.s32 $0x50;
	[tilespmem:s14+$0x10] =	vst v5;
	s16 =	sadd.s32 s16, s26  }
0x124: {  	[tilespmem:s16+$0x4000] =	vst.msk vm0, v4;
	v4 =	vor.u32 s28, v2  }
0x125: {  	[tilespmem:s16+$0x6000] =	vst.msk vm0, v4  }
0x126: {  	v4 =	vld [tilespmem:s31+$0x20];
	_ =	sdelay $0x4  }
0x127: {  	vm0 =	vge.s32 v4, v3  }
0x128: {  	v5 =	vsel vm0, $0x3F800000, v1;
	v6 =	vsel vm0, $0x1, v0;
	s29 =	spop (v2sf)  }
0x129: {  	s30 =	simm.s32 $0x60;
	s16 =	sadd.s32 s16, s29;
	[tilespmem:s14+$0x20] =	vst v5;
	(xrf0) =	vadd.scan.msk.s32 $0xffff, v6  }
0x12a: {  	[tilespmem:s16+$0x4000] =	vst.msk vm0, v4;
	v4 =	vor.u32 s30, v2  }
0x12b: {  	[tilespmem:s16+$0x6000] =	vst.msk vm0, v4  }
0x12c: {  	v4 =	vld [tilespmem:s31+$0x30];
	_ =	sdelay $0x2  }
0x12d: {  	v5, _, _ =	vpop (xrf0)  }
0x12e: {  	(v2sf) =	vpush v5, $0xF  }
0x12f: {  	vm0 =	vge.s32 v4, v3  }
0x130: {  	v5 =	vsel vm0, $0x1, v0  }
0x131: {  	(xrf0) =	vadd.scan.msk.s32 $0xffff, v5;
	_ =	sdelay $0x5  }
0x132: {  	v5, _, _ =	vpop (xrf0)  }
0x133: {  	(v2sf) =	vpush v5, $0xF;
	_ =	sdelay $0x4  }
0x134: {  	v5 =	vsel vm0, $0x3F800000, v1;
	s31 =	spop (v2sf)  }
0x135: {  	s13 =	simm.s32 $0x70;
	[tilespmem:s14+$0x30] =	vst v5;
	s17 =	sadd.s32 s16, s31  }
0x136: {  	[tilespmem:s17+$0x4000] =	vst.msk vm0, v4;
	v4 =	vor.u32 s13, v2  }
0x137: {  	s15 =	simm.s32 $0x20C0;
	[tilespmem:s17+$0x6000] =	vst.msk vm0, v4  }
0x138: {  	v4 =	vld [tilespmem:s15+$0xFFFFFFC0];
	_ =	sdelay $0x4  }
0x139: {  	s14 =	simm.s32 $0x82C0;
	vm0 =	vge.s32 v4, v3  }
0x13a: {  	s16 =	simm.s32 $0x8;
	s13 =	simm.s32 $0xF0;
	v5 =	vsel vm0, $0x3F800000, v1;
	v6 =	vsel vm0, $0x1, v0;
	s18 =	spop (v2sf)  }
.LBB2_6:
0x13b: {  	s16 =	sadd.s32 $0x8, s16;
	s19 =	sadd.s32 $0xFFFFFF90, s13;
	[tilespmem:s14+$0xFFFFFFC0] =	vst v5;
	(xrf0) =	vadd.scan.msk.s32 $0xffff, v6;
	s17 =	sadd.s32 s17, s18  }
0x13c: {  	p0 =	slt.u32 s16, $0x1F8;
	[tilespmem:s17+$0x4000] =	vst.msk vm0, v4;
	v4 =	vor.u32 s19, v2  }
0x13d: {  	[tilespmem:s17+$0x6000] =	vst.msk vm0, v4  }
0x13e: {  	v4 =	vld [tilespmem:s15+$0xFFFFFFD0];
	_ =	sdelay $0x2  }
0x13f: {  	v5, _, _ =	vpop (xrf0)  }
0x140: {  	(v2sf) =	vpush v5, $0xF  }
0x141: {  	vm0 =	vge.s32 v4, v3  }
0x142: {  	v5 =	vsel vm0, $0x3F800000, v1;
	v6 =	vsel vm0, $0x1, v0  }
0x143: {  	(xrf0) =	vadd.scan.msk.s32 $0xffff, v6;
	_ =	sdelay $0x5  }
0x144: {  	v6, _, _ =	vpop (xrf0)  }
0x145: {  	(v2sf) =	vpush v6, $0xF;
	_ =	sdelay $0x4  }
0x146: {  	s18 =	spop (v2sf)  }
0x147: {  	s17 =	sadd.s32 s17, s18;
	s18 =	sadd.s32 $0xFFFFFFA0, s13;
	[tilespmem:s14+$0xFFFFFFD0] =	vst v5  }
0x148: {  	[tilespmem:s17+$0x4000] =	vst.msk vm0, v4;
	v4 =	vor.u32 s18, v2  }
0x149: {  	[tilespmem:s17+$0x6000] =	vst.msk vm0, v4  }
0x14a: {  	v4 =	vld [tilespmem:s15+$0xFFFFFFE0];
	_ =	sdelay $0x4  }
0x14b: {  	vm0 =	vge.s32 v4, v3  }
0x14c: {  	v5 =	vsel vm0, $0x3F800000, v1;
	v6 =	vsel vm0, $0x1, v0;
	s18 =	spop (v2sf)  }
0x14d: {  	s17 =	sadd.s32 s17, s18;
	s18 =	sadd.s32 $0xFFFFFFB0, s13;
	[tilespmem:s14+$0xFFFFFFE0] =	vst v5;
	(xrf0) =	vadd.scan.msk.s32 $0xffff, v6  }
0x14e: {  	[tilespmem:s17+$0x4000] =	vst.msk vm0, v4;
	v4 =	vor.u32 s18, v2  }
0x14f: {  	[tilespmem:s17+$0x6000] =	vst.msk vm0, v4  }
0x150: {  	v4 =	vld [tilespmem:s15+$0xFFFFFFF0];
	_ =	sdelay $0x2  }
0x151: {  	v5, _, _ =	vpop (xrf0)  }
0x152: {  	(v2sf) =	vpush v5, $0xF  }
0x153: {  	vm0 =	vge.s32 v4, v3  }
0x154: {  	v5 =	vsel vm0, $0x3F800000, v1;
	v6 =	vsel vm0, $0x1, v0  }
0x155: {  	(xrf0) =	vadd.scan.msk.s32 $0xffff, v6;
	_ =	sdelay $0x5  }
0x156: {  	v6, _, _ =	vpop (xrf0)  }
0x157: {  	(v2sf) =	vpush v6, $0xF;
	_ =	sdelay $0x4  }
0x158: {  	s18 =	spop (v2sf)  }
0x159: {  	s17 =	sadd.s32 s17, s18;
	s18 =	sadd.s32 $0xFFFFFFC0, s13;
	[tilespmem:s14+$0xFFFFFFF0] =	vst v5  }
0x15a: {  	[tilespmem:s17+$0x4000] =	vst.msk vm0, v4;
	v4 =	vor.u32 s18, v2  }
0x15b: {  	[tilespmem:s17+$0x6000] =	vst.msk vm0, v4  }
0x15c: {  	v4 =	vld [tilespmem:s15+$0x0];
	_ =	sdelay $0x4  }
0x15d: {  	vm0 =	vge.s32 v4, v3  }
0x15e: {  	v5 =	vsel vm0, $0x3F800000, v1;
	v6 =	vsel vm0, $0x1, v0;
	s18 =	spop (v2sf)  }
0x15f: {  	s17 =	sadd.s32 s17, s18;
	s18 =	sadd.s32 $0xFFFFFFD0, s13;
	[tilespmem:s14+$0x0] =	vst v5;
	(xrf0) =	vadd.scan.msk.s32 $0xffff, v6  }
0x160: {  	[tilespmem:s17+$0x4000] =	vst.msk vm0, v4;
	v4 =	vor.u32 s18, v2  }
0x161: {  	[tilespmem:s17+$0x6000] =	vst.msk vm0, v4  }
0x162: {  	v4 =	vld [tilespmem:s15+$0x10];
	_ =	sdelay $0x2  }
0x163: {  	v5, _, _ =	vpop (xrf0)  }
0x164: {  	(v2sf) =	vpush v5, $0xF  }
0x165: {  	vm0 =	vge.s32 v4, v3  }
0x166: {  	v5 =	vsel vm0, $0x3F800000, v1;
	v6 =	vsel vm0, $0x1, v0  }
0x167: {  	[tilespmem:s14+$0x10] =	vst v5;
	(xrf0) =	vadd.scan.msk.s32 $0xffff, v6;
	_ =	sdelay $0x5  }
0x168: {  	v5, _, _ =	vpop (xrf0)  }
0x169: {  	(v2sf) =	vpush v5, $0xF;
	_ =	sdelay $0x4  }
0x16a: {  	s18 =	spop (v2sf)  }
0x16b: {  	s17 =	sadd.s32 s17, s18;
	s18 =	sadd.s32 $0xFFFFFFE0, s13  }
0x16c: {  	[tilespmem:s17+$0x4000] =	vst.msk vm0, v4;
	v4 =	vor.u32 s18, v2  }
0x16d: {  	[tilespmem:s17+$0x6000] =	vst.msk vm0, v4  }
0x16e: {  	v4 =	vld [tilespmem:s15+$0x20];
	_ =	sdelay $0x4  }
0x16f: {  	vm0 =	vge.s32 v4, v3  }
0x170: {  	v5 =	vsel vm0, $0x3F800000, v1;
	v6 =	vsel vm0, $0x1, v0;
	s18 =	spop (v2sf)  }
0x171: {  	s17 =	sadd.s32 s17, s18;
	s18 =	sadd.s32 $0xFFFFFFF0, s13;
	[tilespmem:s14+$0x20] =	vst v5;
	(xrf0) =	vadd.scan.msk.s32 $0xffff, v6  }
0x172: {  	[tilespmem:s17+$0x4000] =	vst.msk vm0, v4;
	v4 =	vor.u32 s18, v2  }
0x173: {  	[tilespmem:s17+$0x6000] =	vst.msk vm0, v4  }
0x174: {  	v4 =	vld [tilespmem:s15+$0x30];
	_ =	sdelay $0x2  }
0x175: {  	v5, _, _ =	vpop (xrf0)  }
0x176: {  	(v2sf) =	vpush v5, $0xF  }
0x177: {  	vm0 =	vge.s32 v4, v3  }
0x178: {  	v5 =	vsel vm0, $0x3F800000, v1;
	v6 =	vsel vm0, $0x1, v0  }
0x179: {  	[tilespmem:s14+$0x30] =	vst v5;
	(xrf0) =	vadd.scan.msk.s32 $0xffff, v6;
	_ =	sdelay $0x5  }
0x17a: {  	v5, _, _ =	vpop (xrf0)  }
0x17b: {  	(v2sf) =	vpush v5, $0xF;
	_ =	sdelay $0x4  }
0x17c: {  	s18 =	spop (v2sf)  }
0x17d: {  	s17 =	sadd.s32 s17, s18  }
0x17e: {  	[tilespmem:s17+$0x4000] =	vst.msk vm0, v4;
	v4 =	vor.u32 s13, v2  }
0x17f: {  	s15 =	sadd.s32 $0x80, s15;
	[tilespmem:s17+$0x6000] =	vst.msk vm0, v4  }
0x180: {  	v4 =	vld [tilespmem:s15+$0xFFFFFFC0];
	_ =	sdelay $0x1  }
.Ltmp4:
0x181: {  	(pc) =	sbr.rel @p0 .LBB2_6-.Ltmp4, $3  }
0x182: {  	_ =	sdelay $0x1  }
0x183: {  	vm0 =	vge.s32 v4, v3  }
0x184: {  	s14 =	sadd.s32 $0x80, s14;
	s13 =	sadd.s32 $0x80, s13;
	v5 =	vsel vm0, $0x3F800000, v1;
	v6 =	vsel vm0, $0x1, v0;
	s18 =	spop (v2sf)  }
0x185: {  	s16 =	sadd.s32 $0xFFFFFF90, s13;
	[tilespmem:s14+$0xFFFFFFC0] =	vst v5;
	(xrf0) =	vadd.scan.msk.s32 $0xffff, v6;
	s17 =	sadd.s32 s17, s18  }
0x186: {  	[tilespmem:s17+$0x4000] =	vst.msk vm0, v4;
	v4 =	vor.u32 s16, v2  }
0x187: {  	[tilespmem:s17+$0x6000] =	vst.msk vm0, v4  }
0x188: {  	v4 =	vld [tilespmem:s15+$0xFFFFFFD0];
	_ =	sdelay $0x2  }
0x189: {  	v5, _, _ =	vpop (xrf0)  }
0x18a: {  	(v2sf) =	vpush v5, $0xF  }
0x18b: {  	vm9 =	vge.s32 v4, v3  }
0x18c: {  	v5 =	vsel vm9, $0x1, v0  }
0x18d: {  	(xrf0) =	vadd.scan.msk.s32 $0xffff, v5;
	_ =	sdelay $0x5  }
0x18e: {  	v5, _, _ =	vpop (xrf0)  }
0x18f: {  	(v2sf) =	vpush v5, $0xF;
	_ =	sdelay $0x4  }
0x190: {  	v5 =	vsel vm9, $0x3F800000, v1;
	s28 =	spop (v2sf)  }
0x191: {  	s29 =	sadd.s32 $0xFFFFFFA0, s13;
	[tilespmem:s14+$0xFFFFFFD0] =	vst v5;
	s16 =	sadd.s32 s17, s28  }
0x192: {  	[tilespmem:s16+$0x4000] =	vst.msk vm9, v4;
	v4 =	vor.u32 s29, v2  }
0x193: {  	[tilespmem:s16+$0x6000] =	vst.msk vm9, v4  }
0x194: {  	v4 =	vld [tilespmem:s15+$0xFFFFFFE0];
	_ =	sdelay $0x4  }
0x195: {  	vm10 =	vge.s32 v4, v3  }
0x196: {  	v5 =	vsel vm10, $0x3F800000, v1;
	v6 =	vsel vm10, $0x1, v0;
	s30 =	spop (v2sf)  }
0x197: {  	s31 =	sadd.s32 $0xFFFFFFB0, s13;
	s16 =	sadd.s32 s16, s30;
	[tilespmem:s14+$0xFFFFFFE0] =	vst v5;
	(xrf0) =	vadd.scan.msk.s32 $0xffff, v6  }
0x198: {  	[tilespmem:s16+$0x4000] =	vst.msk vm10, v4;
	v4 =	vor.u32 s31, v2  }
0x199: {  	[tilespmem:s16+$0x6000] =	vst.msk vm10, v4  }
0x19a: {  	v4 =	vld [tilespmem:s15+$0xFFFFFFF0];
	_ =	sdelay $0x2  }
0x19b: {  	v5, _, _ =	vpop (xrf0)  }
0x19c: {  	(v2sf) =	vpush v5, $0xF  }
0x19d: {  	vm11 =	vge.s32 v4, v3  }
0x19e: {  	v5 =	vsel vm11, $0x1, v0  }
0x19f: {  	(xrf0) =	vadd.scan.msk.s32 $0xffff, v5;
	_ =	sdelay $0x5  }
0x1a0: {  	v5, _, _ =	vpop (xrf0)  }
0x1a1: {  	(v2sf) =	vpush v5, $0xF;
	_ =	sdelay $0x4  }
0x1a2: {  	v5 =	vsel vm11, $0x3F800000, v1;
	s18 =	spop (v2sf)  }
0x1a3: {  	s19 =	sadd.s32 $0xFFFFFFC0, s13;
	[tilespmem:s14+$0xFFFFFFF0] =	vst v5;
	s16 =	sadd.s32 s16, s18  }
0x1a4: {  	[tilespmem:s16+$0x4000] =	vst.msk vm11, v4;
	v4 =	vor.u32 s19, v2  }
0x1a5: {  	[tilespmem:s16+$0x6000] =	vst.msk vm11, v4  }
0x1a6: {  	v4 =	vld [tilespmem:s15+$0x0];
	_ =	sdelay $0x4  }
0x1a7: {  	vm12 =	vge.s32 v4, v3  }
0x1a8: {  	v5 =	vsel vm12, $0x3F800000, v1;
	v6 =	vsel vm12, $0x1, v0;
	s20 =	spop (v2sf)  }
0x1a9: {  	s21 =	sadd.s32 $0xFFFFFFD0, s13;
	s16 =	sadd.s32 s16, s20;
	[tilespmem:s14+$0x0] =	vst v5;
	(xrf0) =	vadd.scan.msk.s32 $0xffff, v6  }
0x1aa: {  	[tilespmem:s16+$0x4000] =	vst.msk vm12, v4;
	v4 =	vor.u32 s21, v2  }
0x1ab: {  	[tilespmem:s16+$0x6000] =	vst.msk vm12, v4  }
0x1ac: {  	v4 =	vld [tilespmem:s15+$0x10];
	_ =	sdelay $0x2  }
0x1ad: {  	v5, _, _ =	vpop (xrf0)  }
0x1ae: {  	(v2sf) =	vpush v5, $0xF  }
0x1af: {  	vm13 =	vge.s32 v4, v3  }
0x1b0: {  	v5 =	vsel vm13, $0x1, v0  }
0x1b1: {  	(xrf0) =	vadd.scan.msk.s32 $0xffff, v5;
	_ =	sdelay $0x5  }
0x1b2: {  	v5, _, _ =	vpop (xrf0)  }
0x1b3: {  	(v2sf) =	vpush v5, $0xF;
	_ =	sdelay $0x4  }
0x1b4: {  	v5 =	vsel vm13, $0x3F800000, v1;
	s22 =	spop (v2sf)  }
0x1b5: {  	s23 =	sadd.s32 $0xFFFFFFE0, s13;
	[tilespmem:s14+$0x10] =	vst v5;
	s16 =	sadd.s32 s16, s22  }
0x1b6: {  	[tilespmem:s16+$0x4000] =	vst.msk vm13, v4;
	v4 =	vor.u32 s23, v2  }
0x1b7: {  	[tilespmem:s16+$0x6000] =	vst.msk vm13, v4  }
0x1b8: {  	v4 =	vld [tilespmem:s15+$0x20];
	_ =	sdelay $0x4  }
0x1b9: {  	vm14 =	vge.s32 v4, v3  }
0x1ba: {  	v5 =	vsel vm14, $0x3F800000, v1;
	s24 =	spop (v2sf)  }
0x1bb: {  	s25 =	sadd.s32 $0xFFFFFFF0, s13;
	s16 =	sadd.s32 s16, s24;
	[tilespmem:s14+$0x20] =	vst v5  }
0x1bc: {  	[tilespmem:s16+$0x4000] =	vst.msk vm14, v4;
	v4 =	vor.u32 s25, v2  }
0x1bd: {  	[tilespmem:s16+$0x6000] =	vst.msk vm14, v4  }
0x1be: {  	v4 =	vld [tilespmem:s15+$0x30];
	_ =	sdelay $0x4  }
0x1bf: {  	v5 =	vsel vm14, $0x1, v0;
	vm15 =	vge.s32 v4, v3  }
0x1c0: {  	(xrf0) =	vadd.scan.msk.s32 $0xffff, v5;
	v3 =	vsel vm15, $0x1, v0  }
0x1c1: {  	(xrf0) =	vadd.scan.msk.s32 $0xffff, v3;
	_ =	sdelay $0x4  }
0x1c2: {  	v3, _, _ =	vpop (xrf0)  }
0x1c3: {  	(v2sf) =	vpush v3, $0xF;
	v3, _, _ =	vpop (xrf0)  }
0x1c4: {  	(v2sf) =	vpush v3, $0xF;
	_ =	sdelay $0xd  }
0x1c5: {  	s26 =	spop (v2sf)  }
0x1c6: {  	s15 =	sadd.s32 s16, s26;
	s28 =	spop (v2sf)  }
0x1c7: {  	s16 =	sadd.s32 s15, s28  }
0x1c8: {  	s29 =	sadd.s32 $0xF, s16  }
0x1c9: {  	s30 =	sand.u32 $0xF, s29  }
0x1ca: {  	s31 =	sshra.s32 s29, $0x1F;
	p1 =	slt.s32 s29, $0x1;
	p0 =	sne.s32 s30, $0x0  }
0x1cb: {  	s18 =	sshrl.u32 s31, $0x1C;
	p0 =	por !p1, !p0  }
0x1cc: {  	s17 =	sadd.s32 s18, s29;
	s18 =	simm.s32 $0x1;
	p0 =	por !p0, !p0  }
0x1cd: {  	v3 =	vsel vm15, $0x3F800000, v1;
	s17 =	sshra.s32 s17, $0x4;
	s18 =	simm.s32 @!p0 $0x0  }
0x1ce: {  	[tilespmem:s14+$0x30] =	vst v3;
	s14 =	ssub.s32 s17, s18  }
0x1cf: {  	p0 =	slt.s32 s14, $0x1  }
.Ltmp5:
0x1d0: {  	_ = 	snop;
	(pc) =	sbr.rel @p0 .LBB2_11-.Ltmp5, $3  }
0x1d1: {  	_ =	sdelay $0x1  }
0x1d2: {  	v3 =	vor.u32 s13, v2;
	[tilespmem:s15+$0x4000] =	vst.msk vm15, v4  }
0x1d3: {  	v4 =	vimm.s32 $0x0;
	[tilespmem:s15+$0x6000] =	vst.msk vm15, v3;
	v3 =	vmov s16  }
0x1d4: {  	s13 =	simm.s32 $0x4000  }
0x1d5: {  	p1 =	sne.s32 s14, $0x1;
	v5 =	vld [tilespmem:s13+$0x0]  }
.Ltmp6:
0x1d6: {  	_ = 	snop;
	(pc) =	sbr.rel @!p1 .LBB2_10-.Ltmp6, $4  }
0x1d7: {  	_ = 	snop  }
0x1d8: {  	s13 =	simm.s32 $0x0  }
0x1d9: {  	v6 =	vor.u32 s13, v2  }
0x1da: {  	s15 =	sadd.s32 $0xFFFFFFFF, s14;
	s16 =	simm.s32 $0x4010;
	vm0 =	vlt.s32 v6, v3;
	vm1 =	vgt.s32 v5, $0xFFFFFFFF  }
.LBB2_9:
0x1db: {  	v5 =	vld [tilespmem:s16+$0x0];
	p1 =	sne.s32 s15, $0x1;
	s15 =	sadd.s32 $0xFFFFFFFF, s15;
	vm0 =	vmand vm0, vm1  }
.Ltmp7:
0x1dc: {  	v6 =	vsel vm0, $0x1, v0;
	(pc) =	sbr.rel @p1 .LBB2_9-.Ltmp7, $4  }
0x1dd: {  	v4 =	vadd.s32 v6, v4  }
0x1de: {  	s13 =	sadd.s32 $0x10, s13  }
0x1df: {  	v6 =	vor.u32 s13, v2  }
0x1e0: {  	s16 =	sadd.s32 $0x10, s16;
	vm0 =	vlt.s32 v6, v3;
	vm1 =	vgt.s32 v5, $0xFFFFFFFF  }
.LBB2_10:
0x1e1: {  	vm0 =	vmand vm0, vm1  }
0x1e2: {  	v5 =	vsel vm0, $0x1, v0  }
0x1e3: {  	v4 =	vadd.s32 v5, v4  }
.LBB2_11:
0x1e4: {  	(xrf0) =	vadd.scan.msk.s32 $0xffff, v4;
	_ =	sdelay $0x5  }
0x1e5: {  	v4, _, _ =	vpop (xrf0)  }
0x1e6: {  	(v2sf) =	vpush v4, $0xF;
	_ =	sdelay $0xc  }
.Ltmp8:
0x1e7: {  	_ = 	snop;
	(pc) =	sbr.rel .LBB2_12-.Ltmp8, $4  }
0x1e8: {  	_ = 	snop  }
0x1e9: {  	s13 =	spop (v2sf)  }
0x1ea: {  	p1 =	sgt.s32 s13, $0x3F;
	s13 =	simm.s32 $0x0  }
0x1eb: {  	s15 =	simm.s32 $0x0;
	s13 =	simm.s32 @!p1 $0x80000000  }
.LBB2_13:
0x1ec: {  	v4 =	vimm.s32 $0x0  }
.LBB2_24:
0x1ed: {  	(xrf0) =	vadd.scan.msk.s32 $0xffff, v4;
	_ =	sdelay $0x5  }
0x1ee: {  	v4, _, _ =	vpop (xrf0)  }
0x1ef: {  	(v2sf) =	vpush v4, $0xF;
	_ =	sdelay $0xa  }
0x1f0: {  	s15 =	sadd.s32 $0x1, s15  }
0x1f1: {  	p2 =	seq.s32 s15, $0x1F  }
.Ltmp9:
0x1f2: {  	_ = 	snop;
	(pc) =	sbr.rel @p2 .LBB2_14-.Ltmp9, $4  }
0x1f3: {  	_ = 	snop  }
0x1f4: {  	s17 =	spop (v2sf)  }
0x1f5: {  	p1 =	sgt.s32 s17, $0x3F  }
0x1f6: {  	s13 =	smov.u32 @p1 s16  }
.LBB2_12:
.Ltmp10:
0x1f7: {  	(pc) =	sbr.rel @p0 .LBB2_13-.Ltmp10, $3  }
0x1f8: {  	_ =	sdelay $0x1  }
0x1f9: {  	s16 =	sshrl.u32 s9, s15  }
0x1fa: {  	s16 =	sor.u32 s16, s13  }
0x1fb: {  	s17 =	simm.s32 $0x4000  }
0x1fc: {  	p1 =	sne.s32 s14, $0x1;
	v6 =	vld [tilespmem:s17+$0x0]  }
.Ltmp11:
0x1fd: {  	_ = 	snop;
	(pc) =	sbr.rel @!p1 .LBB2_23-.Ltmp11, $4  }
0x1fe: {  	_ = 	snop  }
0x1ff: {  	s17 =	simm.s32 $0x0  }
0x200: {  	v5 =	vmov s16;
	v7 =	vor.u32 s17, v2  }
0x201: {  	v4 =	vimm.s32 $0x0;
	s18 =	sadd.s32 $0xFFFFFFFF, s14;
	s19 =	simm.s32 $0x4010;
	vm0 =	vlt.s32 v7, v3;
	vm1 =	vge.s32 v6, v5  }
.LBB2_22:
0x202: {  	v6 =	vld [tilespmem:s19+$0x0];
	p1 =	sne.s32 s18, $0x1;
	s18 =	sadd.s32 $0xFFFFFFFF, s18;
	vm0 =	vmand vm0, vm1  }
.Ltmp12:
0x203: {  	v7 =	vsel vm0, $0x1, v0;
	(pc) =	sbr.rel @p1 .LBB2_22-.Ltmp12, $4  }
0x204: {  	v4 =	vadd.s32 v7, v4  }
0x205: {  	s17 =	sadd.s32 $0x10, s17  }
0x206: {  	v7 =	vor.u32 s17, v2  }
0x207: {  	s19 =	sadd.s32 $0x10, s19;
	vm0 =	vlt.s32 v7, v3;
	vm1 =	vge.s32 v6, v5  }
.LBB2_23:
.Ltmp13:
0x208: {  	(pc) =	sbr.rel .LBB2_24-.Ltmp13, $4  }
0x209: {  	_ = 	snop  }
0x20a: {  	vm0 =	vmand vm0, vm1  }
0x20b: {  	v5 =	vsel vm0, $0x1, v0  }
0x20c: {  	v4 =	vadd.s32 v5, v4  }
.LBB2_14:
0x20d: {  	p1 =	sgt.s32 s14, $0x0  }
.Ltmp14:
0x20e: {  	_ = 	snop;
	(pc) =	sbr.rel @!p1 .LBB2_18-.Ltmp14, $2  }
0x20f: {  	_ =	sdelay $0x2  }
0x210: {  	v4 =	vmov s13;
	v5 =	vimm.s32 $0x0  }
0x211: {  	s15 =	simm.s32 $0x4000  }
0x212: {  	p1 =	sne.s32 s14, $0x1;
	v6 =	vld [tilespmem:s15+$0x0]  }
.Ltmp15:
0x213: {  	_ = 	snop;
	(pc) =	sbr.rel @!p1 .LBB2_17-.Ltmp15, $4  }
0x214: {  	_ = 	snop  }
0x215: {  	s13 =	simm.s32 $0x0  }
0x216: {  	v7 =	vor.u32 s13, v2  }
0x217: {  	s16 =	simm.s32 $0x4010;
	s15 =	sadd.s32 $0xFFFFFFFF, s14;
	vm0 =	vlt.s32 v7, v3;
	vm1 =	vgt.s32 v6, v4  }
.LBB2_16:
0x218: {  	v6 =	vld [tilespmem:s16+$0x0];
	p1 =	sne.s32 s15, $0x1;
	s15 =	sadd.s32 $0xFFFFFFFF, s15;
	vm0 =	vmand vm0, vm1  }
.Ltmp16:
0x219: {  	v7 =	vsel vm0, $0x1, v0;
	(pc) =	sbr.rel @p1 .LBB2_16-.Ltmp16, $4  }
0x21a: {  	v5 =	vadd.s32 v7, v5  }
0x21b: {  	s13 =	sadd.s32 $0x10, s13  }
0x21c: {  	v7 =	vor.u32 s13, v2  }
0x21d: {  	s16 =	sadd.s32 $0x10, s16;
	vm0 =	vlt.s32 v7, v3;
	vm1 =	vgt.s32 v6, v4  }
.LBB2_17:
0x21e: {  	vm0 =	vmand vm0, vm1  }
0x21f: {  	v6 =	vsel vm0, $0x1, v0  }
0x220: {  	v5 =	vadd.s32 v6, v5  }
.LBB2_18:
0x221: {  	(xrf0) =	vadd.scan.msk.s32 $0xffff, v5;
	_ =	sdelay $0x5  }
0x222: {  	v5, _, _ =	vpop (xrf0)  }
0x223: {  	(v2sf) =	vpush v5, $0xF;
	_ =	sdelay $0xb  }
.Ltmp17:
0x224: {  	_ = 	snop;
	(pc) =	sbr.rel .LBB2_19-.Ltmp17, $3  }
0x225: {  	_ =	sdelay $0x1  }
0x226: {  	s13 =	spop (v2sf)  }
0x227: {  	s17 =	simm.s32 $0x0;
	s16 =	simm.s32 $0x0;
	s13 =	ssub.s32 $0x40, s13  }
.LBB2_20:
0x228: {  	v5 =	vimm.s32 $0x0  }
.LBB2_31:
0x229: {  	(xrf0) =	vadd.scan.msk.s32 $0xffff, v5;
	_ =	sdelay $0x5  }
0x22a: {  	v5, _, _ =	vpop (xrf0)  }
0x22b: {  	(v2sf) =	vpush v5, $0xF;
	_ =	sdelay $0xe  }
0x22c: {  	s18 =	spop (v2sf)  }
0x22d: {  	s16 =	sadd.s32 $0x1, s16;
	p1 =	slt.s32 s18, s13  }
0x22e: {  	s15 =	smov.u32 @p1 s17;
	p1 =	seq.s32 s16, $0xD  }
.Ltmp18:
0x22f: {  	_ = 	snop;
	(pc) =	sbr.rel @p1 .LBB2_25-.Ltmp18, $2  }
0x230: {  	_ =	sdelay $0x2  }
0x231: {  	s17 =	smov.u32 s15  }
.LBB2_19:
.Ltmp19:
0x232: {  	(pc) =	sbr.rel @p0 .LBB2_20-.Ltmp19, $3  }
0x233: {  	_ =	sdelay $0x1  }
0x234: {  	s15 =	sshrl.u32 s10, s16  }
0x235: {  	s15 =	sor.u32 s15, s17  }
0x236: {  	s18 =	simm.s32 $0x4000  }
0x237: {  	s19 =	simm.s32 $0x6000;
	p1 =	sne.s32 s14, $0x1;
	v8 =	vld [tilespmem:s18+$0x0]  }
.Ltmp20:
0x238: {  	v7 =	vld [tilespmem:s19+$0x0];
	(pc) =	sbr.rel @!p1 .LBB2_30-.Ltmp20, $4  }
0x239: {  	_ = 	snop  }
0x23a: {  	s18 =	simm.s32 $0x0  }
0x23b: {  	v5 =	vmov s15;
	v9 =	vor.u32 s18, v2  }
0x23c: {  	v6 =	vimm.s32 $0x0;
	s20 =	sadd.s32 $0xFFFFFFFF, s14;
	s21 =	simm.s32 $0x4010;
	vm0 =	vlt.s32 v9, v3;
	vm1 =	veq.s32 v8, v4  }
.LBB2_29:
0x23d: {  	v8 =	vld [tilespmem:s21+$0x0];
	p1 =	sne.s32 s20, $0x1;
	s20 =	sadd.s32 $0xFFFFFFFF, s20;
	vm0 =	vmand vm0, vm1;
	v9 =	vsub.s32 $0x1FFF, v7;
	s19 =	sadd.s32 $0x10, s19  }
.Ltmp21:
0x23e: {  	v7 =	vld [tilespmem:s19+$0x0];
	v9 =	vnsel vm0, $0xFFFFFFFF, v9;
	(pc) =	sbr.rel @p1 .LBB2_29-.Ltmp21, $4  }
0x23f: {  	vm0 =	vge.s32 v9, v5  }
0x240: {  	s18 =	sadd.s32 $0x10, s18;
	v9 =	vsel vm0, $0x1, v0  }
0x241: {  	v10 =	vor.u32 s18, v2;
	v6 =	vadd.s32 v9, v6  }
0x242: {  	s21 =	sadd.s32 $0x10, s21;
	vm0 =	vlt.s32 v10, v3;
	vm1 =	veq.s32 v8, v4  }
.LBB2_30:
.Ltmp22:
0x243: {  	vm0 =	vmand vm0, vm1;
	v7 =	vsub.s32 $0x1FFF, v7;
	(pc) =	sbr.rel .LBB2_31-.Ltmp22, $4  }
0x244: {  	v7 =	vnsel vm0, $0xFFFFFFFF, v7  }
0x245: {  	vm0 =	vge.s32 v7, v5  }
0x246: {  	v5 =	vsel vm0, $0x1, v0  }
0x247: {  	v5 =	vadd.s32 v5, v6  }
.LBB2_25:
.Ltmp23:
0x248: {  	(pc) =	sbr.rel @p0 .LBB2_36-.Ltmp23, $1  }
0x249: {  	_ =	sdelay $0x3  }
0x24a: {  	p1 =	sne.s32 s14, $0x1  }
.Ltmp24:
0x24b: {  	_ = 	snop;
	(pc) =	sbr.rel @!p1 .LBB2_27-.Ltmp24, $4  }
0x24c: {  	_ = 	snop  }
0x24d: {  	s16 =	simm.s32 $0x6000  }
0x24e: {  	s31 =	simm.s32 $0x4000;
	v6 =	vld [tilespmem:s16+$0x0]  }
0x24f: {  	v5 =	vmov s15;
	s13 =	simm.s32 $0x0;
	s15 =	sadd.s32 $0xFFFFFFFF, s14;
	p0 =	por $0x0, $0x0;
	v7 =	vld [tilespmem:s31+$0x0]  }
0x250: {  	_ =	sdelay $0x1  }
0x251: {  	v8 =	vor.u32 s13, v2  }
0x252: {  	vm0 =	vlt.s32 v8, v3  }
0x253: {  	v8 =	vsub.s32 $0x1FFF, v6;
	vm1 =	veq.s32 v7, v4  }
0x254: {  	v8 =	vnsel vm1, $0xFFFFFFFF, v8  }
0x255: {  	p1 =	sne.s32 s15, $0x1;
	vm15 =	vgt.s32 v7, v4;
	vm2 =	vge.s32 v8, v5  }
.Ltmp25:
0x256: {  	vm1 =	vmor vm15, vm2;
	(pc) =	sbr.rel @!p1 .LBB2_33-.Ltmp25, $4  }
0x257: {  	v7 =	vsel vm1, $0x3F800000, v1  }
0x258: {  	s14 =	simm.s32 $0x6010;
	[tilespmem:v6+s11+$0x0] =	vst.idx.msk vm0, v7  }
0x259: {  	s16 =	simm.s32 $0x4010;
	v6 =	vld [tilespmem:s14+$0x0]  }
0x25a: {  	s17 =	sadd.s32 $0xFFFFFFFF, s15;
	p0 =	por $0x1, $0x1;
	s15 =	simm.s32 $0x0;
	v7 =	vld [tilespmem:s16+$0x0]  }
.LBB2_34:
0x25b: {  	p1 =	sne.s32 s17, $0x1  }
0x25c: {  	s15 =	sadd.s32 $0x10, s15  }
0x25d: {  	v8 =	vor.u32 s15, v2  }
0x25e: {  	vm0 =	vlt.s32 v8, v3  }
0x25f: {  	vm1 =	veq.s32 v7, v4;
	v8 =	vsub.s32 $0x1FFF, v6  }
0x260: {  	v8 =	vnsel vm1, $0xFFFFFFFF, v8  }
0x261: {  	vm1 =	vgt.s32 v7, v4;
	vm2 =	vge.s32 v8, v5  }
.Ltmp26:
0x262: {  	vm1 =	vmor vm1, vm2;
	(pc) =	sbr.rel @p1 .LBB2_34-.Ltmp26, $4  }
0x263: {  	v7 =	vsel vm1, $0x3F800000, v1  }
0x264: {  	s14 =	sadd.s32 $0x10, s14;
	[tilespmem:v6+s11+$0x0] =	vst.idx.msk vm0, v7  }
0x265: {  	s16 =	sadd.s32 $0x10, s16;
	v6 =	vld [tilespmem:s14+$0x0]  }
0x266: {  	s17 =	sadd.s32 $0xFFFFFFFF, s17;
	v7 =	vld [tilespmem:s16+$0x0]  }
.Ltmp27:
0x267: {  	_ = 	snop;
	(pc) =	sbr.rel .LBB2_35-.Ltmp27, $1  }
0x268: {  	_ =	sdelay $0x3  }
.LBB2_33:
.Ltmp28:
0x269: {  	(pc) =	sbr.rel .LBB2_35-.Ltmp28, $2  }
0x26a: {  	_ =	sdelay $0x2  }
0x26b: {  	s15 =	simm.s32 $0x0  }
.LBB2_37:
0x26c: {  	_ =	sfence.sel $0x180000  }
0x26d: {  	[bflag:$0x0] =	sbarrier.arrive $0xFFFF  }
0x26e: {  	p0 =	sne.s32 s1, $0x0;
	_ =	strace $0x90000047  }
0x26f: {  	s0 =	sadd.s32 @!p0 $0x100000, s0;
	[bflag:$0x2] =	sbarrier.arrive $0xFFFF  }
0x270: {  	[sflag:s0] =	ssyncadd.tile.s32 @!p0 $0x1;
	_ =	shalt  }
.Lfunc_end2:
_tile_overlayer_lowered:
.L_overlay_start_2:
0x271: {  	(tag) =	ssettag $0x2  }
0x272: {  	s0 =	rddreg [dreg:$0x0];
	s2 =	stileid.u32  }
0x273: {  	s1 =	rddreg [dreg:$0x1];
	p0 =	sne.s32 s2, $0x0  }
0x274: {  	s3 =	rddreg [dreg:$0x2];
	[bflag:$0x3] =	sbarrier.arrive $0xFFFF;
	s2 =	simm.s32 @!p0 $0x1C01  }
0x275: {  	[timem:s3], [sflag:s2] =	dma.local @!p0 [hbm:s0], s1  }
0x276: {  	s0 =	simm.s32 @!p0 $0x1  }
0x277: {  	_ =	swait.ge @!p0 [sflag:s0], s1  }
0x278: {  	s1 =	ssub.s32 @!p0 $0x0, s1;
	[sflag:s0] =	ssyncset.done @!p0 $0x0  }
0x279: {  	[sflag:s0] =	ssyncadd.s32 @!p0 s1  }
0x27a: {  	[bflag:$0x3] =	sbarrier.arrive $0xFFFF  }
0x27b: {  	_ =	shalt  }

</sc_bundles>
